<compile_context>
chip_gen: v7x
topology: tpu7x:2x2x1
jax: 0.10.2.dev20260603
libtpu: 0.0.44.dev20260713+nightly
codegen_flags: <defaults>
</compile_context>

<pallas_src>
import functools

import jax
import jax.numpy as jnp
from jax import lax
from jax.experimental import pallas as pl
from jax.experimental.pallas import tpu as pltpu
from jax.experimental.pallas import tpu_sc as plsc

NUM_EMB = 1_000_000
DIM = 32
BATCH = 16384

NUM_CORES = 2
NUM_SUBCORES = 16
NUM_LANES = 16
NUM_WORKERS = NUM_CORES * NUM_SUBCORES
B_PER_W = BATCH // NUM_WORKERS
SUB = 8
DIM_TILES = DIM // SUB
WIN = 128
GRP = 16
ROUND = 128
NUM_ROUNDS = B_PER_W // ROUND
CHUNKS = ROUND // NUM_LANES


@functools.partial(
    pl.kernel,
    mesh=plsc.VectorSubcoreMesh(core_axis_name="c", subcore_axis_name="s"),
    out_type=jax.ShapeDtypeStruct((DIM_TILES, SUB, BATCH), jnp.float32),
    scratch_types=[
        pltpu.VMEM((B_PER_W,), jnp.int32),
        pltpu.VMEM((DIM_TILES, SUB, ROUND * GRP), jnp.float32),
        pltpu.VMEM((DIM_TILES, SUB, B_PER_W), jnp.float32),
        pltpu.VMEM((SUB, ROUND + NUM_LANES), jnp.int32),
        pltpu.SemaphoreType.DMA,
    ],
    compiler_params=pltpu.CompilerParams(needs_layout_passes=False),
)
def _gather_sc(
    idx_hbm, table_hbm, out_hbm, idx_v, buf0, rows_v, b_p, sem0
):
    wid = lax.axis_index("s") * NUM_CORES + lax.axis_index("c")
    base = wid * B_PER_W

    pltpu.sync_copy(idx_hbm.at[pl.ds(base, B_PER_W)], idx_v)
    sems = {id(buf0): sem0}

    lane = lax.iota(jnp.int32, NUM_LANES)

    def fetch(g, buf):
        def prep(j, cnts):
            chunk = idx_v[pl.ds(g * ROUND + j * NUM_LANES, NUM_LANES)]
            mv = (chunk >> 4) & 7
            packed = ((lane + j * NUM_LANES) << 20) | chunk
            out = []
            for mm in range(SUB):
                mask = mv == mm
                plsc.store_compressed(
                    b_p.at[mm, pl.ds(cnts[mm], NUM_LANES)], packed, mask=mask
                )
                out.append(
                    cnts[mm] + jnp.sum(jnp.where(mask, 1, 0), dtype=jnp.int32)
                )
            return tuple(out)

        cnts = lax.fori_loop(
            0, CHUNKS, prep, tuple(jnp.int32(0) for _ in range(SUB))
        )

        for mm in range(SUB):

            def row_body(i, carry2, mm=mm):
                cbase = (i >> 4) << 4
                bchunk = b_p[mm, pl.ds(cbase, NUM_LANES)]
                sel = lane == (i & 15)
                p = jnp.max(jnp.where(sel, bchunk, 0))
                r = p & jnp.int32(0xFFFFF)
                slot = p >> 20
                rq = pl.multiple_of((r >> 7) << 7, 128)
                pltpu.async_copy(
                    table_hbm.at[:, :, pl.ds(rq, WIN)].at[
                        :, :, pl.ds(mm * GRP, GRP)
                    ],
                    buf.at[:, :, pl.ds(slot * GRP, GRP)],
                    sems[id(buf)],
                )
                return carry2

            lax.fori_loop(0, cnts[mm], row_body, 0)

    def drain(buf):
        pltpu.make_async_copy(
            table_hbm.at[:, :, pl.ds(0, ROUND * GRP)], buf, sems[id(buf)]
        ).wait()

    def extract(g, buf):
        def ext_body(j, carry2):
            chunk = idx_v[pl.ds(g * ROUND + j * NUM_LANES, NUM_LANES)]
            pos = (j * NUM_LANES + lane) * GRP + (chunk & (GRP - 1))
            for a in range(DIM_TILES):
                a_vec = jnp.full((NUM_LANES,), a, jnp.int32)
                for s in range(SUB):
                    s_vec = jnp.full((NUM_LANES,), s, jnp.int32)
                    vals = plsc.load_gather(buf, [a_vec, s_vec, pos])
                    rows_v[
                        a, s, pl.ds(g * ROUND + j * NUM_LANES, NUM_LANES)
                    ] = vals
            return carry2

        lax.fori_loop(0, CHUNKS, ext_body, 0)

    def round_loop(g, carry):
        fetch(g, buf0)
        drain(buf0)
        extract(g, buf0)
        return carry

    lax.fori_loop(0, NUM_ROUNDS, round_loop, 0)

    pltpu.sync_copy(rows_v, out_hbm.at[:, :, pl.ds(base, B_PER_W)])


def kernel(indices, table):
    tbl = table.T.reshape(DIM_TILES, SUB, NUM_EMB)
    out = _gather_sc(indices.astype(jnp.int32), tbl)
    return out.reshape(DIM, BATCH).T

# --- scband reference (transcript-rebuilt; emitter-appended) ---
"""Pipeline reference for scband-user-model-86388972192330 (READ-ONLY COPY).

The authoritative reference and input builder live on the scoring server;
editing this copy changes nothing except your own understanding.
"""

import jax, jax.numpy as jnp
import numpy as np

NUM_EMBEDDINGS = 1000000
EMBED_DIM = 32
BATCH = 16384

def setup_inputs(seed: int = 0) -> dict:
    key = jax.random.key(seed)
    k_idx, k_tab = jax.random.split(key)
    indices = jax.random.randint(k_idx, (BATCH,), 0, NUM_EMBEDDINGS, dtype=jnp.int64 if jax.config.jax_enable_x64 else jnp.int32)
    table = jax.random.normal(k_tab, (NUM_EMBEDDINGS, EMBED_DIM), dtype=jnp.float32) * 0.05
    return {"indices": indices, "table": table}

def reference(indices, table):
    # StringLookup maps strings -> integer ids; we model the post-lookup integer ids directly.
    # Embedding lookup: table[idx]
    emb = jnp.take(table, indices, axis=0)
    # tf.concat([emb], axis=1) is a no-op concat of a single tensor
    out = jnp.concatenate([emb], axis=1)
    return out

if __name__ == "__main__":
    import jax
    _d = setup_inputs()
    print(jax.jit(kernel)(*tuple(_d.values())))

</pallas_src>

<mosaic_0001>
#map = affine_map<(d0, d1) -> (0)>
#map1 = affine_map<(d0, d1) -> (0, 0, 0)>
module attributes {stable_mosaic.version = 14 : i64} {
  func.func @_gather_sc(%arg0: i32, %arg1: i32, %arg2: memref<16384xi32, #tpu.memory_space<hbm>>, %arg3: memref<4x8x1000000xf32, #tpu.memory_space<hbm>>, %arg4: memref<4x8x16384xf32, #tpu.memory_space<hbm>>, %arg5: memref<512xi32, #tpu.memory_space<vmem>>, %arg6: memref<4x8x2048xf32, #tpu.memory_space<vmem>>, %arg7: memref<4x8x512xf32, #tpu.memory_space<vmem>>, %arg8: memref<8x144xi32, #tpu.memory_space<vmem>>, %arg9: memref<!tpu.dma_semaphore, #tpu.memory_space<semaphore_mem>>) attributes {dimension_semantics = [#tpu.dimension_semantics<core_parallel>, #tpu.dimension_semantics<subcore_parallel>], iteration_bounds = array<i64: 2, 16>, scalar_prefetch = 0 : i64, scratch_operands = 5 : i64, tpu.core_type = #tpu.core_type<sc_vector_subcore>, window_params = [{transform_indices = #map}, {transform_indices = #map1}, {transform_indices = #map1}]} {
    %mul3A = arith.constant 2 : i32
    %mul3A_0 = arith.muli %arg1, %mul3A : i32
    %add3A = arith.addi %mul3A_0, %arg0 : i32
    %mul3A_1 = arith.constant 512 : i32
    %mul3A_2 = arith.muli %add3A, %mul3A_1 : i32
    "tpu.region"() ({
      %run_scoped3A = tpu.sem_alloc : memref<!tpu.dma_semaphore, #tpu.memory_space<semaphore_mem>>
      %dma_start3A = tpu.memref_slice %arg2[%mul3A_2] : memref<16384xi32, #tpu.memory_space<hbm>> -> memref<512xi32, #tpu.memory_space<hbm>>
      %dma_start3A_8 = tpu.memref_slice %arg2[%mul3A_2] : memref<16384xi32, #tpu.memory_space<hbm>> -> memref<512xi32, #tpu.memory_space<hbm>>
      tpu.enqueue_dma source(%dma_start3A_8 : memref<512xi32, #tpu.memory_space<hbm>>) target(%arg5 : memref<512xi32, #tpu.memory_space<vmem>>) target_semaphore(%run_scoped3A : memref<!tpu.dma_semaphore, #tpu.memory_space<semaphore_mem>>)
      %dma_wait3A = tpu.memref_slice %arg2[%mul3A_2] : memref<16384xi32, #tpu.memory_space<hbm>> -> memref<512xi32, #tpu.memory_space<hbm>>
      %dma_wait3A_9 = tpu.memref_slice %arg2[%mul3A_2] : memref<16384xi32, #tpu.memory_space<hbm>> -> memref<512xi32, #tpu.memory_space<hbm>>
      tpu.wait_dma2 semaphore(%run_scoped3A : memref<!tpu.dma_semaphore, #tpu.memory_space<semaphore_mem>>) src(%dma_wait3A_9 : memref<512xi32, #tpu.memory_space<hbm>>) dst(%arg5 : memref<512xi32, #tpu.memory_space<vmem>>)
      tpu.yield
    }) : () -> ()
    %iota3A = tpu.iota {dimensions = array<i32: 0>} : vector<16xi32>
    %scan3A = arith.constant 0 : i32
    %scan3A_3 = arith.constant 0 : i32
    %scan3A_4 = arith.constant 4 : i32
    %scan3A_5 = arith.addi %scan3A_3, %scan3A_4 : i32
    %scan3A_6 = arith.constant 1 : i32
    scf.for %scan3A_8 = %scan3A_3 to %scan3A_5 step %scan3A_6  : i32 {
      %scan3A_9 = arith.constant 0 : i32
      %scan3A_10 = arith.constant 0 : i32
      %scan3A_11 = arith.constant 0 : i32
      %scan3A_12 = arith.constant 0 : i32
      %scan3A_13 = arith.constant 0 : i32
      %scan3A_14 = arith.constant 0 : i32
      %scan3A_15 = arith.constant 0 : i32
      %scan3A_16 = arith.constant 0 : i32
      %scan3A_17 = arith.constant 0 : i32
      %scan3A_18 = arith.constant 8 : i32
      %scan3A_19 = arith.addi %scan3A_17, %scan3A_18 : i32
      %scan3A_20 = arith.constant 1 : i32
      %scan3A_21:8 = scf.for %scan3A_115 = %scan3A_17 to %scan3A_19 step %scan3A_20 iter_args(%scan3A_116 = %scan3A_9, %scan3A_117 = %scan3A_10, %scan3A_118 = %scan3A_11, %scan3A_119 = %scan3A_12, %scan3A_120 = %scan3A_13, %scan3A_121 = %scan3A_14, %scan3A_122 = %scan3A_15, %scan3A_123 = %scan3A_16) -> (i32, i32, i32, i32, i32, i32, i32, i32)  : i32 {
        %mul3A_124 = arith.constant 128 : i32
        %mul3A_125 = arith.muli %scan3A_8, %mul3A_124 : i32
        %mul3A_126 = arith.constant 16 : i32
        %mul3A_127 = arith.muli %scan3A_115, %mul3A_126 : i32
        %add3A_128 = arith.addi %mul3A_125, %mul3A_127 : i32
        %get3A = arith.index_cast %add3A_128 : i32 to index
        %get3A_129 = tpu.vector_load %arg5[%get3A] {strides = array<i32>} : memref<512xi32, #tpu.memory_space<vmem>>, vector<16xi32>,
        %shift_right_arithmetic3A = arith.constant 4 : i32
        %shift_right_arithmetic3A_130 = vector.broadcast %shift_right_arithmetic3A : i32 to vector<16xi32>
        %shift_right_arithmetic3A_131 = arith.shrsi %get3A_129, %shift_right_arithmetic3A_130 : vector<16xi32>
        %and3A = arith.constant 7 : i32
        %and3A_132 = vector.broadcast %and3A : i32 to vector<16xi32>
        %and3A_133 = arith.andi %shift_right_arithmetic3A_131, %and3A_132 : vector<16xi32>
        %mul3A_134 = arith.constant 16 : i32
        %mul3A_135 = arith.muli %scan3A_115, %mul3A_134 : i32
        %add3A_136 = vector.broadcast %mul3A_135 : i32 to vector<16xi32>
        %add3A_137 = arith.addi %iota3A, %add3A_136 : vector<16xi32>
        %shift_left3A = arith.constant 20 : i32
        %shift_left3A_138 = vector.broadcast %shift_left3A : i32 to vector<16xi32>
        %shift_left3A_139 = arith.shli %add3A_137, %shift_left3A_138 : vector<16xi32>
        %or3A = arith.ori %shift_left3A_139, %get3A_129 : vector<16xi32>
        %eq3A = arith.constant 0 : i32
        %eq3A_140 = vector.broadcast %eq3A : i32 to vector<16xi32>
        %eq3A_141 = arith.cmpi eq, %and3A_133, %eq3A_140 : vector<16xi32>
        %swap3A = arith.constant 0 : i32
        %swap3A_142 = arith.index_cast %swap3A : i32 to index
        %swap3A_143 = arith.index_cast %scan3A_116 : i32 to index
        %swap3A_144 = tpu.vector_load %arg8[%swap3A_142, %swap3A_143] masked %eq3A_141 {strides = array<i32>} : memref<8x144xi32, #tpu.memory_space<vmem>>, vector<16xi32>, vector<16xi1>
        tpu.vector_store %arg8[%swap3A_142, %swap3A_143], %or3A masked %eq3A_141 {strides = array<i32>} : memref<8x144xi32, #tpu.memory_space<vmem>>, vector<16xi32>, vector<16xi1>
        %jit3A = arith.constant 1 : i32
        %jit3A_145 = arith.constant 0 : i32
        %broadcast_in_dim3A = vector.broadcast %jit3A : i32 to vector<16xi32>
        %broadcast_in_dim3A_146 = vector.broadcast %jit3A_145 : i32 to vector<16xi32>
        %select_n3A = arith.select %eq3A_141, %broadcast_in_dim3A, %broadcast_in_dim3A_146 : vector<16xi1>, vector<16xi32>
        %reduce_sum3A = arith.constant true
        %reduce_sum3A_147 = vector.broadcast %reduce_sum3A : i1 to vector<16xi1>
        %reduce_sum3A_148 = tpu.scan <sum>, %select_n3A masked %reduce_sum3A_147 : vector<16xi32>, vector<16xi1> -> vector<16xi32>
        %reduce_sum3A_149 = vector.extract %reduce_sum3A_148[15] : i32 from vector<16xi32>
        %add3A_150 = arith.addi %scan3A_116, %reduce_sum3A_149 : i32
        %eq3A_151 = arith.constant 1 : i32
        %eq3A_152 = vector.broadcast %eq3A_151 : i32 to vector<16xi32>
        %eq3A_153 = arith.cmpi eq, %and3A_133, %eq3A_152 : vector<16xi32>
        %swap3A_154 = arith.constant 1 : i32
        %swap3A_155 = arith.index_cast %swap3A_154 : i32 to index
        %swap3A_156 = arith.index_cast %scan3A_117 : i32 to index
        %swap3A_157 = tpu.vector_load %arg8[%swap3A_155, %swap3A_156] masked %eq3A_153 {strides = array<i32>} : memref<8x144xi32, #tpu.memory_space<vmem>>, vector<16xi32>, vector<16xi1>
        tpu.vector_store %arg8[%swap3A_155, %swap3A_156], %or3A masked %eq3A_153 {strides = array<i32>} : memref<8x144xi32, #tpu.memory_space<vmem>>, vector<16xi32>, vector<16xi1>
        %jit3A_158 = arith.constant 1 : i32
        %jit3A_159 = arith.constant 0 : i32
        %broadcast_in_dim3A_160 = vector.broadcast %jit3A_158 : i32 to vector<16xi32>
        %broadcast_in_dim3A_161 = vector.broadcast %jit3A_159 : i32 to vector<16xi32>
        %select_n3A_162 = arith.select %eq3A_153, %broadcast_in_dim3A_160, %broadcast_in_dim3A_161 : vector<16xi1>, vector<16xi32>
        %reduce_sum3A_163 = arith.constant true
        %reduce_sum3A_164 = vector.broadcast %reduce_sum3A_163 : i1 to vector<16xi1>
        %reduce_sum3A_165 = tpu.scan <sum>, %select_n3A_162 masked %reduce_sum3A_164 : vector<16xi32>, vector<16xi1> -> vector<16xi32>
        %reduce_sum3A_166 = vector.extract %reduce_sum3A_165[15] : i32 from vector<16xi32>
        %add3A_167 = arith.addi %scan3A_117, %reduce_sum3A_166 : i32
        %eq3A_168 = arith.constant 2 : i32
        %eq3A_169 = vector.broadcast %eq3A_168 : i32 to vector<16xi32>
        %eq3A_170 = arith.cmpi eq, %and3A_133, %eq3A_169 : vector<16xi32>
        %swap3A_171 = arith.constant 2 : i32
        %swap3A_172 = arith.index_cast %swap3A_171 : i32 to index
        %swap3A_173 = arith.index_cast %scan3A_118 : i32 to index
        %swap3A_174 = tpu.vector_load %arg8[%swap3A_172, %swap3A_173] masked %eq3A_170 {strides = array<i32>} : memref<8x144xi32, #tpu.memory_space<vmem>>, vector<16xi32>, vector<16xi1>
        tpu.vector_store %arg8[%swap3A_172, %swap3A_173], %or3A masked %eq3A_170 {strides = array<i32>} : memref<8x144xi32, #tpu.memory_space<vmem>>, vector<16xi32>, vector<16xi1>
        %jit3A_175 = arith.constant 1 : i32
        %jit3A_176 = arith.constant 0 : i32
        %broadcast_in_dim3A_177 = vector.broadcast %jit3A_175 : i32 to vector<16xi32>
        %broadcast_in_dim3A_178 = vector.broadcast %jit3A_176 : i32 to vector<16xi32>
        %select_n3A_179 = arith.select %eq3A_170, %broadcast_in_dim3A_177, %broadcast_in_dim3A_178 : vector<16xi1>, vector<16xi32>
        %reduce_sum3A_180 = arith.constant true
        %reduce_sum3A_181 = vector.broadcast %reduce_sum3A_180 : i1 to vector<16xi1>
        %reduce_sum3A_182 = tpu.scan <sum>, %select_n3A_179 masked %reduce_sum3A_181 : vector<16xi32>, vector<16xi1> -> vector<16xi32>
        %reduce_sum3A_183 = vector.extract %reduce_sum3A_182[15] : i32 from vector<16xi32>
        %add3A_184 = arith.addi %scan3A_118, %reduce_sum3A_183 : i32
        %eq3A_185 = arith.constant 3 : i32
        %eq3A_186 = vector.broadcast %eq3A_185 : i32 to vector<16xi32>
        %eq3A_187 = arith.cmpi eq, %and3A_133, %eq3A_186 : vector<16xi32>
        %swap3A_188 = arith.constant 3 : i32
        %swap3A_189 = arith.index_cast %swap3A_188 : i32 to index
        %swap3A_190 = arith.index_cast %scan3A_119 : i32 to index
        %swap3A_191 = tpu.vector_load %arg8[%swap3A_189, %swap3A_190] masked %eq3A_187 {strides = array<i32>} : memref<8x144xi32, #tpu.memory_space<vmem>>, vector<16xi32>, vector<16xi1>
        tpu.vector_store %arg8[%swap3A_189, %swap3A_190], %or3A masked %eq3A_187 {strides = array<i32>} : memref<8x144xi32, #tpu.memory_space<vmem>>, vector<16xi32>, vector<16xi1>
        %jit3A_192 = arith.constant 1 : i32
        %jit3A_193 = arith.constant 0 : i32
        %broadcast_in_dim3A_194 = vector.broadcast %jit3A_192 : i32 to vector<16xi32>
        %broadcast_in_dim3A_195 = vector.broadcast %jit3A_193 : i32 to vector<16xi32>
        %select_n3A_196 = arith.select %eq3A_187, %broadcast_in_dim3A_194, %broadcast_in_dim3A_195 : vector<16xi1>, vector<16xi32>
        %reduce_sum3A_197 = arith.constant true
        %reduce_sum3A_198 = vector.broadcast %reduce_sum3A_197 : i1 to vector<16xi1>
        %reduce_sum3A_199 = tpu.scan <sum>, %select_n3A_196 masked %reduce_sum3A_198 : vector<16xi32>, vector<16xi1> -> vector<16xi32>
        %reduce_sum3A_200 = vector.extract %reduce_sum3A_199[15] : i32 from vector<16xi32>
        %add3A_201 = arith.addi %scan3A_119, %reduce_sum3A_200 : i32
        %eq3A_202 = arith.constant 4 : i32
        %eq3A_203 = vector.broadcast %eq3A_202 : i32 to vector<16xi32>
        %eq3A_204 = arith.cmpi eq, %and3A_133, %eq3A_203 : vector<16xi32>
        %swap3A_205 = arith.constant 4 : i32
        %swap3A_206 = arith.index_cast %swap3A_205 : i32 to index
        %swap3A_207 = arith.index_cast %scan3A_120 : i32 to index
        %swap3A_208 = tpu.vector_load %arg8[%swap3A_206, %swap3A_207] masked %eq3A_204 {strides = array<i32>} : memref<8x144xi32, #tpu.memory_space<vmem>>, vector<16xi32>, vector<16xi1>
        tpu.vector_store %arg8[%swap3A_206, %swap3A_207], %or3A masked %eq3A_204 {strides = array<i32>} : memref<8x144xi32, #tpu.memory_space<vmem>>, vector<16xi32>, vector<16xi1>
        %jit3A_209 = arith.constant 1 : i32
        %jit3A_210 = arith.constant 0 : i32
        %broadcast_in_dim3A_211 = vector.broadcast %jit3A_209 : i32 to vector<16xi32>
        %broadcast_in_dim3A_212 = vector.broadcast %jit3A_210 : i32 to vector<16xi32>
        %select_n3A_213 = arith.select %eq3A_204, %broadcast_in_dim3A_211, %broadcast_in_dim3A_212 : vector<16xi1>, vector<16xi32>
        %reduce_sum3A_214 = arith.constant true
        %reduce_sum3A_215 = vector.broadcast %reduce_sum3A_214 : i1 to vector<16xi1>
        %reduce_sum3A_216 = tpu.scan <sum>, %select_n3A_213 masked %reduce_sum3A_215 : vector<16xi32>, vector<16xi1> -> vector<16xi32>
        %reduce_sum3A_217 = vector.extract %reduce_sum3A_216[15] : i32 from vector<16xi32>
        %add3A_218 = arith.addi %scan3A_120, %reduce_sum3A_217 : i32
        %eq3A_219 = arith.constant 5 : i32
        %eq3A_220 = vector.broadcast %eq3A_219 : i32 to vector<16xi32>
        %eq3A_221 = arith.cmpi eq, %and3A_133, %eq3A_220 : vector<16xi32>
        %swap3A_222 = arith.constant 5 : i32
        %swap3A_223 = arith.index_cast %swap3A_222 : i32 to index
        %swap3A_224 = arith.index_cast %scan3A_121 : i32 to index
        %swap3A_225 = tpu.vector_load %arg8[%swap3A_223, %swap3A_224] masked %eq3A_221 {strides = array<i32>} : memref<8x144xi32, #tpu.memory_space<vmem>>, vector<16xi32>, vector<16xi1>
        tpu.vector_store %arg8[%swap3A_223, %swap3A_224], %or3A masked %eq3A_221 {strides = array<i32>} : memref<8x144xi32, #tpu.memory_space<vmem>>, vector<16xi32>, vector<16xi1>
        %jit3A_226 = arith.constant 1 : i32
        %jit3A_227 = arith.constant 0 : i32
        %broadcast_in_dim3A_228 = vector.broadcast %jit3A_226 : i32 to vector<16xi32>
        %broadcast_in_dim3A_229 = vector.broadcast %jit3A_227 : i32 to vector<16xi32>
        %select_n3A_230 = arith.select %eq3A_221, %broadcast_in_dim3A_228, %broadcast_in_dim3A_229 : vector<16xi1>, vector<16xi32>
        %reduce_sum3A_231 = arith.constant true
        %reduce_sum3A_232 = vector.broadcast %reduce_sum3A_231 : i1 to vector<16xi1>
        %reduce_sum3A_233 = tpu.scan <sum>, %select_n3A_230 masked %reduce_sum3A_232 : vector<16xi32>, vector<16xi1> -> vector<16xi32>
        %reduce_sum3A_234 = vector.extract %reduce_sum3A_233[15] : i32 from vector<16xi32>
        %add3A_235 = arith.addi %scan3A_121, %reduce_sum3A_234 : i32
        %eq3A_236 = arith.constant 6 : i32
        %eq3A_237 = vector.broadcast %eq3A_236 : i32 to vector<16xi32>
        %eq3A_238 = arith.cmpi eq, %and3A_133, %eq3A_237 : vector<16xi32>
        %swap3A_239 = arith.constant 6 : i32
        %swap3A_240 = arith.index_cast %swap3A_239 : i32 to index
        %swap3A_241 = arith.index_cast %scan3A_122 : i32 to index
        %swap3A_242 = tpu.vector_load %arg8[%swap3A_240, %swap3A_241] masked %eq3A_238 {strides = array<i32>} : memref<8x144xi32, #tpu.memory_space<vmem>>, vector<16xi32>, vector<16xi1>
        tpu.vector_store %arg8[%swap3A_240, %swap3A_241], %or3A masked %eq3A_238 {strides = array<i32>} : memref<8x144xi32, #tpu.memory_space<vmem>>, vector<16xi32>, vector<16xi1>
        %jit3A_243 = arith.constant 1 : i32
        %jit3A_244 = arith.constant 0 : i32
        %broadcast_in_dim3A_245 = vector.broadcast %jit3A_243 : i32 to vector<16xi32>
        %broadcast_in_dim3A_246 = vector.broadcast %jit3A_244 : i32 to vector<16xi32>
        %select_n3A_247 = arith.select %eq3A_238, %broadcast_in_dim3A_245, %broadcast_in_dim3A_246 : vector<16xi1>, vector<16xi32>
        %reduce_sum3A_248 = arith.constant true
        %reduce_sum3A_249 = vector.broadcast %reduce_sum3A_248 : i1 to vector<16xi1>
        %reduce_sum3A_250 = tpu.scan <sum>, %select_n3A_247 masked %reduce_sum3A_249 : vector<16xi32>, vector<16xi1> -> vector<16xi32>
        %reduce_sum3A_251 = vector.extract %reduce_sum3A_250[15] : i32 from vector<16xi32>
        %add3A_252 = arith.addi %scan3A_122, %reduce_sum3A_251 : i32
        %eq3A_253 = arith.constant 7 : i32
        %eq3A_254 = vector.broadcast %eq3A_253 : i32 to vector<16xi32>
        %eq3A_255 = arith.cmpi eq, %and3A_133, %eq3A_254 : vector<16xi32>
        %swap3A_256 = arith.constant 7 : i32
        %swap3A_257 = arith.index_cast %swap3A_256 : i32 to index
        %swap3A_258 = arith.index_cast %scan3A_123 : i32 to index
        %swap3A_259 = tpu.vector_load %arg8[%swap3A_257, %swap3A_258] masked %eq3A_255 {strides = array<i32>} : memref<8x144xi32, #tpu.memory_space<vmem>>, vector<16xi32>, vector<16xi1>
        tpu.vector_store %arg8[%swap3A_257, %swap3A_258], %or3A masked %eq3A_255 {strides = array<i32>} : memref<8x144xi32, #tpu.memory_space<vmem>>, vector<16xi32>, vector<16xi1>
        %jit3A_260 = arith.constant 1 : i32
        %jit3A_261 = arith.constant 0 : i32
        %broadcast_in_dim3A_262 = vector.broadcast %jit3A_260 : i32 to vector<16xi32>
        %broadcast_in_dim3A_263 = vector.broadcast %jit3A_261 : i32 to vector<16xi32>
        %select_n3A_264 = arith.select %eq3A_255, %broadcast_in_dim3A_262, %broadcast_in_dim3A_263 : vector<16xi1>, vector<16xi32>
        %reduce_sum3A_265 = arith.constant true
        %reduce_sum3A_266 = vector.broadcast %reduce_sum3A_265 : i1 to vector<16xi1>
        %reduce_sum3A_267 = tpu.scan <sum>, %select_n3A_264 masked %reduce_sum3A_266 : vector<16xi32>, vector<16xi1> -> vector<16xi32>
        %reduce_sum3A_268 = vector.extract %reduce_sum3A_267[15] : i32 from vector<16xi32>
        %add3A_269 = arith.addi %scan3A_123, %reduce_sum3A_268 : i32
        scf.yield %add3A_150, %add3A_167, %add3A_184, %add3A_201, %add3A_218, %add3A_235, %add3A_252, %add3A_269 : i32, i32, i32, i32, i32, i32, i32, i32
      }
      %scan3A_22 = arith.constant 8 : i32
      %while3A = arith.constant 0 : i32
      %while3A_23 = arith.constant 0 : i32
      %while3A_24 = arith.subi %scan3A_21#0, %while3A_23 : i32
      %while3A_25 = arith.addi %while3A_23, %while3A_24 : i32
      %while3A_26 = arith.constant 1 : i32
      %while3A_27 = arith.divsi %while3A_24, %while3A_26 : i32
      %while3A_28 = arith.muli %while3A_27, %while3A_26 : i32
      %while3A_29 = arith.addi %while3A_23, %while3A_28 : i32
      %while3A_30 = arith.constant 1 : i32
      scf.for %while3A_115 = %while3A_23 to %while3A_29 step %while3A_30  : i32 {
        %shift_right_arithmetic3A = arith.constant 4 : i32
        %shift_right_arithmetic3A_116 = arith.shrsi %while3A_115, %shift_right_arithmetic3A : i32
        %shift_left3A = arith.constant 4 : i32
        %shift_left3A_117 = arith.shli %shift_right_arithmetic3A_116, %shift_left3A : i32
        %get3A = arith.constant 0 : i32
        %get3A_118 = arith.index_cast %get3A : i32 to index
        %get3A_119 = arith.index_cast %shift_left3A_117 : i32 to index
        %get3A_120 = tpu.vector_load %arg8[%get3A_118, %get3A_119] {strides = array<i32>} : memref<8x144xi32, #tpu.memory_space<vmem>>, vector<16xi32>,
        %and3A = arith.constant 15 : i32
        %and3A_121 = arith.andi %while3A_115, %and3A : i32
        %eq3A = vector.broadcast %and3A_121 : i32 to vector<16xi32>
        %eq3A_122 = arith.cmpi eq, %iota3A, %eq3A : vector<16xi32>
        %jit3A = arith.constant 0 : i32
        %broadcast_in_dim3A = vector.broadcast %jit3A : i32 to vector<16xi32>
        %select_n3A = arith.select %eq3A_122, %get3A_120, %broadcast_in_dim3A : vector<16xi1>, vector<16xi32>
        %reduce_max3A = arith.constant true
        %reduce_max3A_123 = vector.broadcast %reduce_max3A : i1 to vector<16xi1>
        %reduce_max3A_124 = arith.constant -2147483648 : i32
        %reduce_max3A_125 = vector.broadcast %reduce_max3A_124 : i32 to vector<16xi32>
        %reduce_max3A_126 = arith.xori %select_n3A, %reduce_max3A_125 : vector<16xi32>
        %reduce_max3A_127 = tpu.scan <max>, %reduce_max3A_126 masked %reduce_max3A_123 : vector<16xi32>, vector<16xi1> -> vector<16xi32>
        %reduce_max3A_128 = arith.xori %reduce_max3A_127, %reduce_max3A_125 : vector<16xi32>
        %reduce_max3A_129 = vector.extract %reduce_max3A_128[15] : i32 from vector<16xi32>
        %and3A_130 = arith.constant 1048575 : i32
        %and3A_131 = arith.andi %reduce_max3A_129, %and3A_130 : i32
        %shift_right_arithmetic3A_132 = arith.constant 20 : i32
        %shift_right_arithmetic3A_133 = arith.shrsi %reduce_max3A_129, %shift_right_arithmetic3A_132 : i32
        %shift_right_arithmetic3A_134 = arith.constant 7 : i32
        %shift_right_arithmetic3A_135 = arith.shrsi %and3A_131, %shift_right_arithmetic3A_134 : i32
        %shift_left3A_136 = arith.constant 7 : i32
        %shift_left3A_137 = arith.shli %shift_right_arithmetic3A_135, %shift_left3A_136 : i32
        %multiple_of3A = tpu.assume_multiple %shift_left3A_137, 128 : i32
        %mul3A_138 = arith.constant 16 : i32
        %mul3A_139 = arith.muli %shift_right_arithmetic3A_133, %mul3A_138 : i32
        %dma_start3A = arith.constant 0 : i32
        %dma_start3A_140 = arith.constant 0 : i32
        %dma_start3A_141 = tpu.memref_slice %arg6[%dma_start3A, %dma_start3A_140, %mul3A_139] : memref<4x8x2048xf32, #tpu.memory_space<vmem>> -> memref<4x8x16xf32, #tpu.memory_space<vmem>>
        %dma_start3A_142 = arith.constant 0 : i32
        %dma_start3A_143 = arith.constant 0 : i32
        %dma_start3A_144 = tpu.memref_slice %arg3[%dma_start3A_142, %dma_start3A_143, %multiple_of3A] : memref<4x8x1000000xf32, #tpu.memory_space<hbm>> -> memref<4x8x128xf32, #tpu.memory_space<hbm>>
        %dma_start3A_145 = arith.constant 0 : i32
        %dma_start3A_146 = arith.constant 0 : i32
        %dma_start3A_147 = arith.constant 0 : i32
        %dma_start3A_148 = tpu.memref_slice %dma_start3A_144[%dma_start3A_145, %dma_start3A_146, %dma_start3A_147] : memref<4x8x128xf32, #tpu.memory_space<hbm>> -> memref<4x8x16xf32, #tpu.memory_space<hbm>>
        %dma_start3A_149 = arith.constant 0 : i32
        %dma_start3A_150 = arith.constant 0 : i32
        %dma_start3A_151 = tpu.memref_slice %arg6[%dma_start3A_149, %dma_start3A_150, %mul3A_139] : memref<4x8x2048xf32, #tpu.memory_space<vmem>> -> memref<4x8x16xf32, #tpu.memory_space<vmem>>
        %dma_start3A_152 = arith.constant 0 : i32
        %dma_start3A_153 = arith.constant 0 : i32
        %dma_start3A_154 = tpu.memref_slice %arg3[%dma_start3A_152, %dma_start3A_153, %multiple_of3A] : memref<4x8x1000000xf32, #tpu.memory_space<hbm>> -> memref<4x8x128xf32, #tpu.memory_space<hbm>>
        %dma_start3A_155 = arith.constant 0 : i32
        %dma_start3A_156 = arith.constant 0 : i32
        %dma_start3A_157 = arith.constant 0 : i32
        %dma_start3A_158 = tpu.memref_slice %dma_start3A_154[%dma_start3A_155, %dma_start3A_156, %dma_start3A_157] : memref<4x8x128xf32, #tpu.memory_space<hbm>> -> memref<4x8x16xf32, #tpu.memory_space<hbm>>
        tpu.enqueue_dma source(%dma_start3A_158 : memref<4x8x16xf32, #tpu.memory_space<hbm>>) target(%dma_start3A_151 : memref<4x8x16xf32, #tpu.memory_space<vmem>>) target_semaphore(%arg9 : memref<!tpu.dma_semaphore, #tpu.memory_space<semaphore_mem>>)
      }
      %while3A_31 = arith.constant 1 : i32
      scf.for %while3A_115 = %while3A_29 to %while3A_25 step %while3A_31  : i32 {
        %shift_right_arithmetic3A = arith.constant 4 : i32
        %shift_right_arithmetic3A_116 = arith.shrsi %while3A_115, %shift_right_arithmetic3A : i32
        %shift_left3A = arith.constant 4 : i32
        %shift_left3A_117 = arith.shli %shift_right_arithmetic3A_116, %shift_left3A : i32
        %get3A = arith.constant 0 : i32
        %get3A_118 = arith.index_cast %get3A : i32 to index
        %get3A_119 = arith.index_cast %shift_left3A_117 : i32 to index
        %get3A_120 = tpu.vector_load %arg8[%get3A_118, %get3A_119] {strides = array<i32>} : memref<8x144xi32, #tpu.memory_space<vmem>>, vector<16xi32>,
        %and3A = arith.constant 15 : i32
        %and3A_121 = arith.andi %while3A_115, %and3A : i32
        %eq3A = vector.broadcast %and3A_121 : i32 to vector<16xi32>
        %eq3A_122 = arith.cmpi eq, %iota3A, %eq3A : vector<16xi32>
        %jit3A = arith.constant 0 : i32
        %broadcast_in_dim3A = vector.broadcast %jit3A : i32 to vector<16xi32>
        %select_n3A = arith.select %eq3A_122, %get3A_120, %broadcast_in_dim3A : vector<16xi1>, vector<16xi32>
        %reduce_max3A = arith.constant true
        %reduce_max3A_123 = vector.broadcast %reduce_max3A : i1 to vector<16xi1>
        %reduce_max3A_124 = arith.constant -2147483648 : i32
        %reduce_max3A_125 = vector.broadcast %reduce_max3A_124 : i32 to vector<16xi32>
        %reduce_max3A_126 = arith.xori %select_n3A, %reduce_max3A_125 : vector<16xi32>
        %reduce_max3A_127 = tpu.scan <max>, %reduce_max3A_126 masked %reduce_max3A_123 : vector<16xi32>, vector<16xi1> -> vector<16xi32>
        %reduce_max3A_128 = arith.xori %reduce_max3A_127, %reduce_max3A_125 : vector<16xi32>
        %reduce_max3A_129 = vector.extract %reduce_max3A_128[15] : i32 from vector<16xi32>
        %and3A_130 = arith.constant 1048575 : i32
        %and3A_131 = arith.andi %reduce_max3A_129, %and3A_130 : i32
        %shift_right_arithmetic3A_132 = arith.constant 20 : i32
        %shift_right_arithmetic3A_133 = arith.shrsi %reduce_max3A_129, %shift_right_arithmetic3A_132 : i32
        %shift_right_arithmetic3A_134 = arith.constant 7 : i32
        %shift_right_arithmetic3A_135 = arith.shrsi %and3A_131, %shift_right_arithmetic3A_134 : i32
        %shift_left3A_136 = arith.constant 7 : i32
        %shift_left3A_137 = arith.shli %shift_right_arithmetic3A_135, %shift_left3A_136 : i32
        %multiple_of3A = tpu.assume_multiple %shift_left3A_137, 128 : i32
        %mul3A_138 = arith.constant 16 : i32
        %mul3A_139 = arith.muli %shift_right_arithmetic3A_133, %mul3A_138 : i32
        %dma_start3A = arith.constant 0 : i32
        %dma_start3A_140 = arith.constant 0 : i32
        %dma_start3A_141 = tpu.memref_slice %arg6[%dma_start3A, %dma_start3A_140, %mul3A_139] : memref<4x8x2048xf32, #tpu.memory_space<vmem>> -> memref<4x8x16xf32, #tpu.memory_space<vmem>>
        %dma_start3A_142 = arith.constant 0 : i32
        %dma_start3A_143 = arith.constant 0 : i32
        %dma_start3A_144 = tpu.memref_slice %arg3[%dma_start3A_142, %dma_start3A_143, %multiple_of3A] : memref<4x8x1000000xf32, #tpu.memory_space<hbm>> -> memref<4x8x128xf32, #tpu.memory_space<hbm>>
        %dma_start3A_145 = arith.constant 0 : i32
        %dma_start3A_146 = arith.constant 0 : i32
        %dma_start3A_147 = arith.constant 0 : i32
        %dma_start3A_148 = tpu.memref_slice %dma_start3A_144[%dma_start3A_145, %dma_start3A_146, %dma_start3A_147] : memref<4x8x128xf32, #tpu.memory_space<hbm>> -> memref<4x8x16xf32, #tpu.memory_space<hbm>>
        %dma_start3A_149 = arith.constant 0 : i32
        %dma_start3A_150 = arith.constant 0 : i32
        %dma_start3A_151 = tpu.memref_slice %arg6[%dma_start3A_149, %dma_start3A_150, %mul3A_139] : memref<4x8x2048xf32, #tpu.memory_space<vmem>> -> memref<4x8x16xf32, #tpu.memory_space<vmem>>
        %dma_start3A_152 = arith.constant 0 : i32
        %dma_start3A_153 = arith.constant 0 : i32
        %dma_start3A_154 = tpu.memref_slice %arg3[%dma_start3A_152, %dma_start3A_153, %multiple_of3A] : memref<4x8x1000000xf32, #tpu.memory_space<hbm>> -> memref<4x8x128xf32, #tpu.memory_space<hbm>>
        %dma_start3A_155 = arith.constant 0 : i32
        %dma_start3A_156 = arith.constant 0 : i32
        %dma_start3A_157 = arith.constant 0 : i32
        %dma_start3A_158 = tpu.memref_slice %dma_start3A_154[%dma_start3A_155, %dma_start3A_156, %dma_start3A_157] : memref<4x8x128xf32, #tpu.memory_space<hbm>> -> memref<4x8x16xf32, #tpu.memory_space<hbm>>
        tpu.enqueue_dma source(%dma_start3A_158 : memref<4x8x16xf32, #tpu.memory_space<hbm>>) target(%dma_start3A_151 : memref<4x8x16xf32, #tpu.memory_space<vmem>>) target_semaphore(%arg9 : memref<!tpu.dma_semaphore, #tpu.memory_space<semaphore_mem>>)
      }
      %while3A_32 = arith.constant 0 : i32
      %while3A_33 = arith.constant 0 : i32
      %while3A_34 = arith.subi %scan3A_21#1, %while3A_33 : i32
      %while3A_35 = arith.addi %while3A_33, %while3A_34 : i32
      %while3A_36 = arith.constant 1 : i32
      %while3A_37 = arith.divsi %while3A_34, %while3A_36 : i32
      %while3A_38 = arith.muli %while3A_37, %while3A_36 : i32
      %while3A_39 = arith.addi %while3A_33, %while3A_38 : i32
      %while3A_40 = arith.constant 1 : i32
      scf.for %while3A_115 = %while3A_33 to %while3A_39 step %while3A_40  : i32 {
        %shift_right_arithmetic3A = arith.constant 4 : i32
        %shift_right_arithmetic3A_116 = arith.shrsi %while3A_115, %shift_right_arithmetic3A : i32
        %shift_left3A = arith.constant 4 : i32
        %shift_left3A_117 = arith.shli %shift_right_arithmetic3A_116, %shift_left3A : i32
        %get3A = arith.constant 1 : i32
        %get3A_118 = arith.index_cast %get3A : i32 to index
        %get3A_119 = arith.index_cast %shift_left3A_117 : i32 to index
        %get3A_120 = tpu.vector_load %arg8[%get3A_118, %get3A_119] {strides = array<i32>} : memref<8x144xi32, #tpu.memory_space<vmem>>, vector<16xi32>,
        %and3A = arith.constant 15 : i32
        %and3A_121 = arith.andi %while3A_115, %and3A : i32
        %eq3A = vector.broadcast %and3A_121 : i32 to vector<16xi32>
        %eq3A_122 = arith.cmpi eq, %iota3A, %eq3A : vector<16xi32>
        %jit3A = arith.constant 0 : i32
        %broadcast_in_dim3A = vector.broadcast %jit3A : i32 to vector<16xi32>
        %select_n3A = arith.select %eq3A_122, %get3A_120, %broadcast_in_dim3A : vector<16xi1>, vector<16xi32>
        %reduce_max3A = arith.constant true
        %reduce_max3A_123 = vector.broadcast %reduce_max3A : i1 to vector<16xi1>
        %reduce_max3A_124 = arith.constant -2147483648 : i32
        %reduce_max3A_125 = vector.broadcast %reduce_max3A_124 : i32 to vector<16xi32>
        %reduce_max3A_126 = arith.xori %select_n3A, %reduce_max3A_125 : vector<16xi32>
        %reduce_max3A_127 = tpu.scan <max>, %reduce_max3A_126 masked %reduce_max3A_123 : vector<16xi32>, vector<16xi1> -> vector<16xi32>
        %reduce_max3A_128 = arith.xori %reduce_max3A_127, %reduce_max3A_125 : vector<16xi32>
        %reduce_max3A_129 = vector.extract %reduce_max3A_128[15] : i32 from vector<16xi32>
        %and3A_130 = arith.constant 1048575 : i32
        %and3A_131 = arith.andi %reduce_max3A_129, %and3A_130 : i32
        %shift_right_arithmetic3A_132 = arith.constant 20 : i32
        %shift_right_arithmetic3A_133 = arith.shrsi %reduce_max3A_129, %shift_right_arithmetic3A_132 : i32
        %shift_right_arithmetic3A_134 = arith.constant 7 : i32
        %shift_right_arithmetic3A_135 = arith.shrsi %and3A_131, %shift_right_arithmetic3A_134 : i32
        %shift_left3A_136 = arith.constant 7 : i32
        %shift_left3A_137 = arith.shli %shift_right_arithmetic3A_135, %shift_left3A_136 : i32
        %multiple_of3A = tpu.assume_multiple %shift_left3A_137, 128 : i32
        %mul3A_138 = arith.constant 16 : i32
        %mul3A_139 = arith.muli %shift_right_arithmetic3A_133, %mul3A_138 : i32
        %dma_start3A = arith.constant 0 : i32
        %dma_start3A_140 = arith.constant 0 : i32
        %dma_start3A_141 = tpu.memref_slice %arg6[%dma_start3A, %dma_start3A_140, %mul3A_139] : memref<4x8x2048xf32, #tpu.memory_space<vmem>> -> memref<4x8x16xf32, #tpu.memory_space<vmem>>
        %dma_start3A_142 = arith.constant 0 : i32
        %dma_start3A_143 = arith.constant 0 : i32
        %dma_start3A_144 = tpu.memref_slice %arg3[%dma_start3A_142, %dma_start3A_143, %multiple_of3A] : memref<4x8x1000000xf32, #tpu.memory_space<hbm>> -> memref<4x8x128xf32, #tpu.memory_space<hbm>>
        %dma_start3A_145 = arith.constant 0 : i32
        %dma_start3A_146 = arith.constant 0 : i32
        %dma_start3A_147 = arith.constant 16 : i32
        %dma_start3A_148 = tpu.memref_slice %dma_start3A_144[%dma_start3A_145, %dma_start3A_146, %dma_start3A_147] : memref<4x8x128xf32, #tpu.memory_space<hbm>> -> memref<4x8x16xf32, #tpu.memory_space<hbm>>
        %dma_start3A_149 = arith.constant 0 : i32
        %dma_start3A_150 = arith.constant 0 : i32
        %dma_start3A_151 = tpu.memref_slice %arg6[%dma_start3A_149, %dma_start3A_150, %mul3A_139] : memref<4x8x2048xf32, #tpu.memory_space<vmem>> -> memref<4x8x16xf32, #tpu.memory_space<vmem>>
        %dma_start3A_152 = arith.constant 0 : i32
        %dma_start3A_153 = arith.constant 0 : i32
        %dma_start3A_154 = tpu.memref_slice %arg3[%dma_start3A_152, %dma_start3A_153, %multiple_of3A] : memref<4x8x1000000xf32, #tpu.memory_space<hbm>> -> memref<4x8x128xf32, #tpu.memory_space<hbm>>
        %dma_start3A_155 = arith.constant 0 : i32
        %dma_start3A_156 = arith.constant 0 : i32
        %dma_start3A_157 = arith.constant 16 : i32
        %dma_start3A_158 = tpu.memref_slice %dma_start3A_154[%dma_start3A_155, %dma_start3A_156, %dma_start3A_157] : memref<4x8x128xf32, #tpu.memory_space<hbm>> -> memref<4x8x16xf32, #tpu.memory_space<hbm>>
        tpu.enqueue_dma source(%dma_start3A_158 : memref<4x8x16xf32, #tpu.memory_space<hbm>>) target(%dma_start3A_151 : memref<4x8x16xf32, #tpu.memory_space<vmem>>) target_semaphore(%arg9 : memref<!tpu.dma_semaphore, #tpu.memory_space<semaphore_mem>>)
      }
      %while3A_41 = arith.constant 1 : i32
      scf.for %while3A_115 = %while3A_39 to %while3A_35 step %while3A_41  : i32 {
        %shift_right_arithmetic3A = arith.constant 4 : i32
        %shift_right_arithmetic3A_116 = arith.shrsi %while3A_115, %shift_right_arithmetic3A : i32
        %shift_left3A = arith.constant 4 : i32
        %shift_left3A_117 = arith.shli %shift_right_arithmetic3A_116, %shift_left3A : i32
        %get3A = arith.constant 1 : i32
        %get3A_118 = arith.index_cast %get3A : i32 to index
        %get3A_119 = arith.index_cast %shift_left3A_117 : i32 to index
        %get3A_120 = tpu.vector_load %arg8[%get3A_118, %get3A_119] {strides = array<i32>} : memref<8x144xi32, #tpu.memory_space<vmem>>, vector<16xi32>,
        %and3A = arith.constant 15 : i32
        %and3A_121 = arith.andi %while3A_115, %and3A : i32
        %eq3A = vector.broadcast %and3A_121 : i32 to vector<16xi32>
        %eq3A_122 = arith.cmpi eq, %iota3A, %eq3A : vector<16xi32>
        %jit3A = arith.constant 0 : i32
        %broadcast_in_dim3A = vector.broadcast %jit3A : i32 to vector<16xi32>
        %select_n3A = arith.select %eq3A_122, %get3A_120, %broadcast_in_dim3A : vector<16xi1>, vector<16xi32>
        %reduce_max3A = arith.constant true
        %reduce_max3A_123 = vector.broadcast %reduce_max3A : i1 to vector<16xi1>
        %reduce_max3A_124 = arith.constant -2147483648 : i32
        %reduce_max3A_125 = vector.broadcast %reduce_max3A_124 : i32 to vector<16xi32>
        %reduce_max3A_126 = arith.xori %select_n3A, %reduce_max3A_125 : vector<16xi32>
        %reduce_max3A_127 = tpu.scan <max>, %reduce_max3A_126 masked %reduce_max3A_123 : vector<16xi32>, vector<16xi1> -> vector<16xi32>
        %reduce_max3A_128 = arith.xori %reduce_max3A_127, %reduce_max3A_125 : vector<16xi32>
        %reduce_max3A_129 = vector.extract %reduce_max3A_128[15] : i32 from vector<16xi32>
        %and3A_130 = arith.constant 1048575 : i32
        %and3A_131 = arith.andi %reduce_max3A_129, %and3A_130 : i32
        %shift_right_arithmetic3A_132 = arith.constant 20 : i32
        %shift_right_arithmetic3A_133 = arith.shrsi %reduce_max3A_129, %shift_right_arithmetic3A_132 : i32
        %shift_right_arithmetic3A_134 = arith.constant 7 : i32
        %shift_right_arithmetic3A_135 = arith.shrsi %and3A_131, %shift_right_arithmetic3A_134 : i32
        %shift_left3A_136 = arith.constant 7 : i32
        %shift_left3A_137 = arith.shli %shift_right_arithmetic3A_135, %shift_left3A_136 : i32
        %multiple_of3A = tpu.assume_multiple %shift_left3A_137, 128 : i32
        %mul3A_138 = arith.constant 16 : i32
        %mul3A_139 = arith.muli %shift_right_arithmetic3A_133, %mul3A_138 : i32
        %dma_start3A = arith.constant 0 : i32
        %dma_start3A_140 = arith.constant 0 : i32
        %dma_start3A_141 = tpu.memref_slice %arg6[%dma_start3A, %dma_start3A_140, %mul3A_139] : memref<4x8x2048xf32, #tpu.memory_space<vmem>> -> memref<4x8x16xf32, #tpu.memory_space<vmem>>
        %dma_start3A_142 = arith.constant 0 : i32
        %dma_start3A_143 = arith.constant 0 : i32
        %dma_start3A_144 = tpu.memref_slice %arg3[%dma_start3A_142, %dma_start3A_143, %multiple_of3A] : memref<4x8x1000000xf32, #tpu.memory_space<hbm>> -> memref<4x8x128xf32, #tpu.memory_space<hbm>>
        %dma_start3A_145 = arith.constant 0 : i32
        %dma_start3A_146 = arith.constant 0 : i32
        %dma_start3A_147 = arith.constant 16 : i32
        %dma_start3A_148 = tpu.memref_slice %dma_start3A_144[%dma_start3A_145, %dma_start3A_146, %dma_start3A_147] : memref<4x8x128xf32, #tpu.memory_space<hbm>> -> memref<4x8x16xf32, #tpu.memory_space<hbm>>
        %dma_start3A_149 = arith.constant 0 : i32
        %dma_start3A_150 = arith.constant 0 : i32
        %dma_start3A_151 = tpu.memref_slice %arg6[%dma_start3A_149, %dma_start3A_150, %mul3A_139] : memref<4x8x2048xf32, #tpu.memory_space<vmem>> -> memref<4x8x16xf32, #tpu.memory_space<vmem>>
        %dma_start3A_152 = arith.constant 0 : i32
        %dma_start3A_153 = arith.constant 0 : i32
        %dma_start3A_154 = tpu.memref_slice %arg3[%dma_start3A_152, %dma_start3A_153, %multiple_of3A] : memref<4x8x1000000xf32, #tpu.memory_space<hbm>> -> memref<4x8x128xf32, #tpu.memory_space<hbm>>
        %dma_start3A_155 = arith.constant 0 : i32
        %dma_start3A_156 = arith.constant 0 : i32
        %dma_start3A_157 = arith.constant 16 : i32
        %dma_start3A_158 = tpu.memref_slice %dma_start3A_154[%dma_start3A_155, %dma_start3A_156, %dma_start3A_157] : memref<4x8x128xf32, #tpu.memory_space<hbm>> -> memref<4x8x16xf32, #tpu.memory_space<hbm>>
        tpu.enqueue_dma source(%dma_start3A_158 : memref<4x8x16xf32, #tpu.memory_space<hbm>>) target(%dma_start3A_151 : memref<4x8x16xf32, #tpu.memory_space<vmem>>) target_semaphore(%arg9 : memref<!tpu.dma_semaphore, #tpu.memory_space<semaphore_mem>>)
      }
      %while3A_42 = arith.constant 0 : i32
      %while3A_43 = arith.constant 0 : i32
      %while3A_44 = arith.subi %scan3A_21#2, %while3A_43 : i32
      %while3A_45 = arith.addi %while3A_43, %while3A_44 : i32
      %while3A_46 = arith.constant 1 : i32
      %while3A_47 = arith.divsi %while3A_44, %while3A_46 : i32
      %while3A_48 = arith.muli %while3A_47, %while3A_46 : i32
      %while3A_49 = arith.addi %while3A_43, %while3A_48 : i32
      %while3A_50 = arith.constant 1 : i32
      scf.for %while3A_115 = %while3A_43 to %while3A_49 step %while3A_50  : i32 {
        %shift_right_arithmetic3A = arith.constant 4 : i32
        %shift_right_arithmetic3A_116 = arith.shrsi %while3A_115, %shift_right_arithmetic3A : i32
        %shift_left3A = arith.constant 4 : i32
        %shift_left3A_117 = arith.shli %shift_right_arithmetic3A_116, %shift_left3A : i32
        %get3A = arith.constant 2 : i32
        %get3A_118 = arith.index_cast %get3A : i32 to index
        %get3A_119 = arith.index_cast %shift_left3A_117 : i32 to index
        %get3A_120 = tpu.vector_load %arg8[%get3A_118, %get3A_119] {strides = array<i32>} : memref<8x144xi32, #tpu.memory_space<vmem>>, vector<16xi32>,
        %and3A = arith.constant 15 : i32
        %and3A_121 = arith.andi %while3A_115, %and3A : i32
        %eq3A = vector.broadcast %and3A_121 : i32 to vector<16xi32>
        %eq3A_122 = arith.cmpi eq, %iota3A, %eq3A : vector<16xi32>
        %jit3A = arith.constant 0 : i32
        %broadcast_in_dim3A = vector.broadcast %jit3A : i32 to vector<16xi32>
        %select_n3A = arith.select %eq3A_122, %get3A_120, %broadcast_in_dim3A : vector<16xi1>, vector<16xi32>
        %reduce_max3A = arith.constant true
        %reduce_max3A_123 = vector.broadcast %reduce_max3A : i1 to vector<16xi1>
        %reduce_max3A_124 = arith.constant -2147483648 : i32
        %reduce_max3A_125 = vector.broadcast %reduce_max3A_124 : i32 to vector<16xi32>
        %reduce_max3A_126 = arith.xori %select_n3A, %reduce_max3A_125 : vector<16xi32>
        %reduce_max3A_127 = tpu.scan <max>, %reduce_max3A_126 masked %reduce_max3A_123 : vector<16xi32>, vector<16xi1> -> vector<16xi32>
        %reduce_max3A_128 = arith.xori %reduce_max3A_127, %reduce_max3A_125 : vector<16xi32>
        %reduce_max3A_129 = vector.extract %reduce_max3A_128[15] : i32 from vector<16xi32>
        %and3A_130 = arith.constant 1048575 : i32
        %and3A_131 = arith.andi %reduce_max3A_129, %and3A_130 : i32
        %shift_right_arithmetic3A_132 = arith.constant 20 : i32
        %shift_right_arithmetic3A_133 = arith.shrsi %reduce_max3A_129, %shift_right_arithmetic3A_132 : i32
        %shift_right_arithmetic3A_134 = arith.constant 7 : i32
        %shift_right_arithmetic3A_135 = arith.shrsi %and3A_131, %shift_right_arithmetic3A_134 : i32
        %shift_left3A_136 = arith.constant 7 : i32
        %shift_left3A_137 = arith.shli %shift_right_arithmetic3A_135, %shift_left3A_136 : i32
        %multiple_of3A = tpu.assume_multiple %shift_left3A_137, 128 : i32
        %mul3A_138 = arith.constant 16 : i32
        %mul3A_139 = arith.muli %shift_right_arithmetic3A_133, %mul3A_138 : i32
        %dma_start3A = arith.constant 0 : i32
        %dma_start3A_140 = arith.constant 0 : i32
        %dma_start3A_141 = tpu.memref_slice %arg6[%dma_start3A, %dma_start3A_140, %mul3A_139] : memref<4x8x2048xf32, #tpu.memory_space<vmem>> -> memref<4x8x16xf32, #tpu.memory_space<vmem>>
        %dma_start3A_142 = arith.constant 0 : i32
        %dma_start3A_143 = arith.constant 0 : i32
        %dma_start3A_144 = tpu.memref_slice %arg3[%dma_start3A_142, %dma_start3A_143, %multiple_of3A] : memref<4x8x1000000xf32, #tpu.memory_space<hbm>> -> memref<4x8x128xf32, #tpu.memory_space<hbm>>
        %dma_start3A_145 = arith.constant 0 : i32
        %dma_start3A_146 = arith.constant 0 : i32
        %dma_start3A_147 = arith.constant 32 : i32
        %dma_start3A_148 = tpu.memref_slice %dma_start3A_144[%dma_start3A_145, %dma_start3A_146, %dma_start3A_147] : memref<4x8x128xf32, #tpu.memory_space<hbm>> -> memref<4x8x16xf32, #tpu.memory_space<hbm>>
        %dma_start3A_149 = arith.constant 0 : i32
        %dma_start3A_150 = arith.constant 0 : i32
        %dma_start3A_151 = tpu.memref_slice %arg6[%dma_start3A_149, %dma_start3A_150, %mul3A_139] : memref<4x8x2048xf32, #tpu.memory_space<vmem>> -> memref<4x8x16xf32, #tpu.memory_space<vmem>>
        %dma_start3A_152 = arith.constant 0 : i32
        %dma_start3A_153 = arith.constant 0 : i32
        %dma_start3A_154 = tpu.memref_slice %arg3[%dma_start3A_152, %dma_start3A_153, %multiple_of3A] : memref<4x8x1000000xf32, #tpu.memory_space<hbm>> -> memref<4x8x128xf32, #tpu.memory_space<hbm>>
        %dma_start3A_155 = arith.constant 0 : i32
        %dma_start3A_156 = arith.constant 0 : i32
        %dma_start3A_157 = arith.constant 32 : i32
        %dma_start3A_158 = tpu.memref_slice %dma_start3A_154[%dma_start3A_155, %dma_start3A_156, %dma_start3A_157] : memref<4x8x128xf32, #tpu.memory_space<hbm>> -> memref<4x8x16xf32, #tpu.memory_space<hbm>>
        tpu.enqueue_dma source(%dma_start3A_158 : memref<4x8x16xf32, #tpu.memory_space<hbm>>) target(%dma_start3A_151 : memref<4x8x16xf32, #tpu.memory_space<vmem>>) target_semaphore(%arg9 : memref<!tpu.dma_semaphore, #tpu.memory_space<semaphore_mem>>)
      }
      %while3A_51 = arith.constant 1 : i32
      scf.for %while3A_115 = %while3A_49 to %while3A_45 step %while3A_51  : i32 {
        %shift_right_arithmetic3A = arith.constant 4 : i32
        %shift_right_arithmetic3A_116 = arith.shrsi %while3A_115, %shift_right_arithmetic3A : i32
        %shift_left3A = arith.constant 4 : i32
        %shift_left3A_117 = arith.shli %shift_right_arithmetic3A_116, %shift_left3A : i32
        %get3A = arith.constant 2 : i32
        %get3A_118 = arith.index_cast %get3A : i32 to index
        %get3A_119 = arith.index_cast %shift_left3A_117 : i32 to index
        %get3A_120 = tpu.vector_load %arg8[%get3A_118, %get3A_119] {strides = array<i32>} : memref<8x144xi32, #tpu.memory_space<vmem>>, vector<16xi32>,
        %and3A = arith.constant 15 : i32
        %and3A_121 = arith.andi %while3A_115, %and3A : i32
        %eq3A = vector.broadcast %and3A_121 : i32 to vector<16xi32>
        %eq3A_122 = arith.cmpi eq, %iota3A, %eq3A : vector<16xi32>
        %jit3A = arith.constant 0 : i32
        %broadcast_in_dim3A = vector.broadcast %jit3A : i32 to vector<16xi32>
        %select_n3A = arith.select %eq3A_122, %get3A_120, %broadcast_in_dim3A : vector<16xi1>, vector<16xi32>
        %reduce_max3A = arith.constant true
        %reduce_max3A_123 = vector.broadcast %reduce_max3A : i1 to vector<16xi1>
        %reduce_max3A_124 = arith.constant -2147483648 : i32
        %reduce_max3A_125 = vector.broadcast %reduce_max3A_124 : i32 to vector<16xi32>
        %reduce_max3A_126 = arith.xori %select_n3A, %reduce_max3A_125 : vector<16xi32>
        %reduce_max3A_127 = tpu.scan <max>, %reduce_max3A_126 masked %reduce_max3A_123 : vector<16xi32>, vector<16xi1> -> vector<16xi32>
        %reduce_max3A_128 = arith.xori %reduce_max3A_127, %reduce_max3A_125 : vector<16xi32>
        %reduce_max3A_129 = vector.extract %reduce_max3A_128[15] : i32 from vector<16xi32>
        %and3A_130 = arith.constant 1048575 : i32
        %and3A_131 = arith.andi %reduce_max3A_129, %and3A_130 : i32
        %shift_right_arithmetic3A_132 = arith.constant 20 : i32
        %shift_right_arithmetic3A_133 = arith.shrsi %reduce_max3A_129, %shift_right_arithmetic3A_132 : i32
        %shift_right_arithmetic3A_134 = arith.constant 7 : i32
        %shift_right_arithmetic3A_135 = arith.shrsi %and3A_131, %shift_right_arithmetic3A_134 : i32
        %shift_left3A_136 = arith.constant 7 : i32
        %shift_left3A_137 = arith.shli %shift_right_arithmetic3A_135, %shift_left3A_136 : i32
        %multiple_of3A = tpu.assume_multiple %shift_left3A_137, 128 : i32
        %mul3A_138 = arith.constant 16 : i32
        %mul3A_139 = arith.muli %shift_right_arithmetic3A_133, %mul3A_138 : i32
        %dma_start3A = arith.constant 0 : i32
        %dma_start3A_140 = arith.constant 0 : i32
        %dma_start3A_141 = tpu.memref_slice %arg6[%dma_start3A, %dma_start3A_140, %mul3A_139] : memref<4x8x2048xf32, #tpu.memory_space<vmem>> -> memref<4x8x16xf32, #tpu.memory_space<vmem>>
        %dma_start3A_142 = arith.constant 0 : i32
        %dma_start3A_143 = arith.constant 0 : i32
        %dma_start3A_144 = tpu.memref_slice %arg3[%dma_start3A_142, %dma_start3A_143, %multiple_of3A] : memref<4x8x1000000xf32, #tpu.memory_space<hbm>> -> memref<4x8x128xf32, #tpu.memory_space<hbm>>
        %dma_start3A_145 = arith.constant 0 : i32
        %dma_start3A_146 = arith.constant 0 : i32
        %dma_start3A_147 = arith.constant 32 : i32
        %dma_start3A_148 = tpu.memref_slice %dma_start3A_144[%dma_start3A_145, %dma_start3A_146, %dma_start3A_147] : memref<4x8x128xf32, #tpu.memory_space<hbm>> -> memref<4x8x16xf32, #tpu.memory_space<hbm>>
        %dma_start3A_149 = arith.constant 0 : i32
        %dma_start3A_150 = arith.constant 0 : i32
        %dma_start3A_151 = tpu.memref_slice %arg6[%dma_start3A_149, %dma_start3A_150, %mul3A_139] : memref<4x8x2048xf32, #tpu.memory_space<vmem>> -> memref<4x8x16xf32, #tpu.memory_space<vmem>>
        %dma_start3A_152 = arith.constant 0 : i32
        %dma_start3A_153 = arith.constant 0 : i32
        %dma_start3A_154 = tpu.memref_slice %arg3[%dma_start3A_152, %dma_start3A_153, %multiple_of3A] : memref<4x8x1000000xf32, #tpu.memory_space<hbm>> -> memref<4x8x128xf32, #tpu.memory_space<hbm>>
        %dma_start3A_155 = arith.constant 0 : i32
        %dma_start3A_156 = arith.constant 0 : i32
        %dma_start3A_157 = arith.constant 32 : i32
        %dma_start3A_158 = tpu.memref_slice %dma_start3A_154[%dma_start3A_155, %dma_start3A_156, %dma_start3A_157] : memref<4x8x128xf32, #tpu.memory_space<hbm>> -> memref<4x8x16xf32, #tpu.memory_space<hbm>>
        tpu.enqueue_dma source(%dma_start3A_158 : memref<4x8x16xf32, #tpu.memory_space<hbm>>) target(%dma_start3A_151 : memref<4x8x16xf32, #tpu.memory_space<vmem>>) target_semaphore(%arg9 : memref<!tpu.dma_semaphore, #tpu.memory_space<semaphore_mem>>)
      }
      %while3A_52 = arith.constant 0 : i32
      %while3A_53 = arith.constant 0 : i32
      %while3A_54 = arith.subi %scan3A_21#3, %while3A_53 : i32
      %while3A_55 = arith.addi %while3A_53, %while3A_54 : i32
      %while3A_56 = arith.constant 1 : i32
      %while3A_57 = arith.divsi %while3A_54, %while3A_56 : i32
      %while3A_58 = arith.muli %while3A_57, %while3A_56 : i32
      %while3A_59 = arith.addi %while3A_53, %while3A_58 : i32
      %while3A_60 = arith.constant 1 : i32
      scf.for %while3A_115 = %while3A_53 to %while3A_59 step %while3A_60  : i32 {
        %shift_right_arithmetic3A = arith.constant 4 : i32
        %shift_right_arithmetic3A_116 = arith.shrsi %while3A_115, %shift_right_arithmetic3A : i32
        %shift_left3A = arith.constant 4 : i32
        %shift_left3A_117 = arith.shli %shift_right_arithmetic3A_116, %shift_left3A : i32
        %get3A = arith.constant 3 : i32
        %get3A_118 = arith.index_cast %get3A : i32 to index
        %get3A_119 = arith.index_cast %shift_left3A_117 : i32 to index
        %get3A_120 = tpu.vector_load %arg8[%get3A_118, %get3A_119] {strides = array<i32>} : memref<8x144xi32, #tpu.memory_space<vmem>>, vector<16xi32>,
        %and3A = arith.constant 15 : i32
        %and3A_121 = arith.andi %while3A_115, %and3A : i32
        %eq3A = vector.broadcast %and3A_121 : i32 to vector<16xi32>
        %eq3A_122 = arith.cmpi eq, %iota3A, %eq3A : vector<16xi32>
        %jit3A = arith.constant 0 : i32
        %broadcast_in_dim3A = vector.broadcast %jit3A : i32 to vector<16xi32>
        %select_n3A = arith.select %eq3A_122, %get3A_120, %broadcast_in_dim3A : vector<16xi1>, vector<16xi32>
        %reduce_max3A = arith.constant true
        %reduce_max3A_123 = vector.broadcast %reduce_max3A : i1 to vector<16xi1>
        %reduce_max3A_124 = arith.constant -2147483648 : i32
        %reduce_max3A_125 = vector.broadcast %reduce_max3A_124 : i32 to vector<16xi32>
        %reduce_max3A_126 = arith.xori %select_n3A, %reduce_max3A_125 : vector<16xi32>
        %reduce_max3A_127 = tpu.scan <max>, %reduce_max3A_126 masked %reduce_max3A_123 : vector<16xi32>, vector<16xi1> -> vector<16xi32>
        %reduce_max3A_128 = arith.xori %reduce_max3A_127, %reduce_max3A_125 : vector<16xi32>
        %reduce_max3A_129 = vector.extract %reduce_max3A_128[15] : i32 from vector<16xi32>
        %and3A_130 = arith.constant 1048575 : i32
        %and3A_131 = arith.andi %reduce_max3A_129, %and3A_130 : i32
        %shift_right_arithmetic3A_132 = arith.constant 20 : i32
        %shift_right_arithmetic3A_133 = arith.shrsi %reduce_max3A_129, %shift_right_arithmetic3A_132 : i32
        %shift_right_arithmetic3A_134 = arith.constant 7 : i32
        %shift_right_arithmetic3A_135 = arith.shrsi %and3A_131, %shift_right_arithmetic3A_134 : i32
        %shift_left3A_136 = arith.constant 7 : i32
        %shift_left3A_137 = arith.shli %shift_right_arithmetic3A_135, %shift_left3A_136 : i32
        %multiple_of3A = tpu.assume_multiple %shift_left3A_137, 128 : i32
        %mul3A_138 = arith.constant 16 : i32
        %mul3A_139 = arith.muli %shift_right_arithmetic3A_133, %mul3A_138 : i32
        %dma_start3A = arith.constant 0 : i32
        %dma_start3A_140 = arith.constant 0 : i32
        %dma_start3A_141 = tpu.memref_slice %arg6[%dma_start3A, %dma_start3A_140, %mul3A_139] : memref<4x8x2048xf32, #tpu.memory_space<vmem>> -> memref<4x8x16xf32, #tpu.memory_space<vmem>>
        %dma_start3A_142 = arith.constant 0 : i32
        %dma_start3A_143 = arith.constant 0 : i32
        %dma_start3A_144 = tpu.memref_slice %arg3[%dma_start3A_142, %dma_start3A_143, %multiple_of3A] : memref<4x8x1000000xf32, #tpu.memory_space<hbm>> -> memref<4x8x128xf32, #tpu.memory_space<hbm>>
        %dma_start3A_145 = arith.constant 0 : i32
        %dma_start3A_146 = arith.constant 0 : i32
        %dma_start3A_147 = arith.constant 48 : i32
        %dma_start3A_148 = tpu.memref_slice %dma_start3A_144[%dma_start3A_145, %dma_start3A_146, %dma_start3A_147] : memref<4x8x128xf32, #tpu.memory_space<hbm>> -> memref<4x8x16xf32, #tpu.memory_space<hbm>>
        %dma_start3A_149 = arith.constant 0 : i32
        %dma_start3A_150 = arith.constant 0 : i32
        %dma_start3A_151 = tpu.memref_slice %arg6[%dma_start3A_149, %dma_start3A_150, %mul3A_139] : memref<4x8x2048xf32, #tpu.memory_space<vmem>> -> memref<4x8x16xf32, #tpu.memory_space<vmem>>
        %dma_start3A_152 = arith.constant 0 : i32
        %dma_start3A_153 = arith.constant 0 : i32
        %dma_start3A_154 = tpu.memref_slice %arg3[%dma_start3A_152, %dma_start3A_153, %multiple_of3A] : memref<4x8x1000000xf32, #tpu.memory_space<hbm>> -> memref<4x8x128xf32, #tpu.memory_space<hbm>>
        %dma_start3A_155 = arith.constant 0 : i32
        %dma_start3A_156 = arith.constant 0 : i32
        %dma_start3A_157 = arith.constant 48 : i32
        %dma_start3A_158 = tpu.memref_slice %dma_start3A_154[%dma_start3A_155, %dma_start3A_156, %dma_start3A_157] : memref<4x8x128xf32, #tpu.memory_space<hbm>> -> memref<4x8x16xf32, #tpu.memory_space<hbm>>
        tpu.enqueue_dma source(%dma_start3A_158 : memref<4x8x16xf32, #tpu.memory_space<hbm>>) target(%dma_start3A_151 : memref<4x8x16xf32, #tpu.memory_space<vmem>>) target_semaphore(%arg9 : memref<!tpu.dma_semaphore, #tpu.memory_space<semaphore_mem>>)
      }
      %while3A_61 = arith.constant 1 : i32
      scf.for %while3A_115 = %while3A_59 to %while3A_55 step %while3A_61  : i32 {
        %shift_right_arithmetic3A = arith.constant 4 : i32
        %shift_right_arithmetic3A_116 = arith.shrsi %while3A_115, %shift_right_arithmetic3A : i32
        %shift_left3A = arith.constant 4 : i32
        %shift_left3A_117 = arith.shli %shift_right_arithmetic3A_116, %shift_left3A : i32
        %get3A = arith.constant 3 : i32
        %get3A_118 = arith.index_cast %get3A : i32 to index
        %get3A_119 = arith.index_cast %shift_left3A_117 : i32 to index
        %get3A_120 = tpu.vector_load %arg8[%get3A_118, %get3A_119] {strides = array<i32>} : memref<8x144xi32, #tpu.memory_space<vmem>>, vector<16xi32>,
        %and3A = arith.constant 15 : i32
        %and3A_121 = arith.andi %while3A_115, %and3A : i32
        %eq3A = vector.broadcast %and3A_121 : i32 to vector<16xi32>
        %eq3A_122 = arith.cmpi eq, %iota3A, %eq3A : vector<16xi32>
        %jit3A = arith.constant 0 : i32
        %broadcast_in_dim3A = vector.broadcast %jit3A : i32 to vector<16xi32>
        %select_n3A = arith.select %eq3A_122, %get3A_120, %broadcast_in_dim3A : vector<16xi1>, vector<16xi32>
        %reduce_max3A = arith.constant true
        %reduce_max3A_123 = vector.broadcast %reduce_max3A : i1 to vector<16xi1>
        %reduce_max3A_124 = arith.constant -2147483648 : i32
        %reduce_max3A_125 = vector.broadcast %reduce_max3A_124 : i32 to vector<16xi32>
        %reduce_max3A_126 = arith.xori %select_n3A, %reduce_max3A_125 : vector<16xi32>
        %reduce_max3A_127 = tpu.scan <max>, %reduce_max3A_126 masked %reduce_max3A_123 : vector<16xi32>, vector<16xi1> -> vector<16xi32>
        %reduce_max3A_128 = arith.xori %reduce_max3A_127, %reduce_max3A_125 : vector<16xi32>
        %reduce_max3A_129 = vector.extract %reduce_max3A_128[15] : i32 from vector<16xi32>
        %and3A_130 = arith.constant 1048575 : i32
        %and3A_131 = arith.andi %reduce_max3A_129, %and3A_130 : i32
        %shift_right_arithmetic3A_132 = arith.constant 20 : i32
        %shift_right_arithmetic3A_133 = arith.shrsi %reduce_max3A_129, %shift_right_arithmetic3A_132 : i32
        %shift_right_arithmetic3A_134 = arith.constant 7 : i32
        %shift_right_arithmetic3A_135 = arith.shrsi %and3A_131, %shift_right_arithmetic3A_134 : i32
        %shift_left3A_136 = arith.constant 7 : i32
        %shift_left3A_137 = arith.shli %shift_right_arithmetic3A_135, %shift_left3A_136 : i32
        %multiple_of3A = tpu.assume_multiple %shift_left3A_137, 128 : i32
        %mul3A_138 = arith.constant 16 : i32
        %mul3A_139 = arith.muli %shift_right_arithmetic3A_133, %mul3A_138 : i32
        %dma_start3A = arith.constant 0 : i32
        %dma_start3A_140 = arith.constant 0 : i32
        %dma_start3A_141 = tpu.memref_slice %arg6[%dma_start3A, %dma_start3A_140, %mul3A_139] : memref<4x8x2048xf32, #tpu.memory_space<vmem>> -> memref<4x8x16xf32, #tpu.memory_space<vmem>>
        %dma_start3A_142 = arith.constant 0 : i32
        %dma_start3A_143 = arith.constant 0 : i32
        %dma_start3A_144 = tpu.memref_slice %arg3[%dma_start3A_142, %dma_start3A_143, %multiple_of3A] : memref<4x8x1000000xf32, #tpu.memory_space<hbm>> -> memref<4x8x128xf32, #tpu.memory_space<hbm>>
        %dma_start3A_145 = arith.constant 0 : i32
        %dma_start3A_146 = arith.constant 0 : i32
        %dma_start3A_147 = arith.constant 48 : i32
        %dma_start3A_148 = tpu.memref_slice %dma_start3A_144[%dma_start3A_145, %dma_start3A_146, %dma_start3A_147] : memref<4x8x128xf32, #tpu.memory_space<hbm>> -> memref<4x8x16xf32, #tpu.memory_space<hbm>>
        %dma_start3A_149 = arith.constant 0 : i32
        %dma_start3A_150 = arith.constant 0 : i32
        %dma_start3A_151 = tpu.memref_slice %arg6[%dma_start3A_149, %dma_start3A_150, %mul3A_139] : memref<4x8x2048xf32, #tpu.memory_space<vmem>> -> memref<4x8x16xf32, #tpu.memory_space<vmem>>
        %dma_start3A_152 = arith.constant 0 : i32
        %dma_start3A_153 = arith.constant 0 : i32
        %dma_start3A_154 = tpu.memref_slice %arg3[%dma_start3A_152, %dma_start3A_153, %multiple_of3A] : memref<4x8x1000000xf32, #tpu.memory_space<hbm>> -> memref<4x8x128xf32, #tpu.memory_space<hbm>>
        %dma_start3A_155 = arith.constant 0 : i32
        %dma_start3A_156 = arith.constant 0 : i32
        %dma_start3A_157 = arith.constant 48 : i32
        %dma_start3A_158 = tpu.memref_slice %dma_start3A_154[%dma_start3A_155, %dma_start3A_156, %dma_start3A_157] : memref<4x8x128xf32, #tpu.memory_space<hbm>> -> memref<4x8x16xf32, #tpu.memory_space<hbm>>
        tpu.enqueue_dma source(%dma_start3A_158 : memref<4x8x16xf32, #tpu.memory_space<hbm>>) target(%dma_start3A_151 : memref<4x8x16xf32, #tpu.memory_space<vmem>>) target_semaphore(%arg9 : memref<!tpu.dma_semaphore, #tpu.memory_space<semaphore_mem>>)
      }
      %while3A_62 = arith.constant 0 : i32
      %while3A_63 = arith.constant 0 : i32
      %while3A_64 = arith.subi %scan3A_21#4, %while3A_63 : i32
      %while3A_65 = arith.addi %while3A_63, %while3A_64 : i32
      %while3A_66 = arith.constant 1 : i32
      %while3A_67 = arith.divsi %while3A_64, %while3A_66 : i32
      %while3A_68 = arith.muli %while3A_67, %while3A_66 : i32
      %while3A_69 = arith.addi %while3A_63, %while3A_68 : i32
      %while3A_70 = arith.constant 1 : i32
      scf.for %while3A_115 = %while3A_63 to %while3A_69 step %while3A_70  : i32 {
        %shift_right_arithmetic3A = arith.constant 4 : i32
        %shift_right_arithmetic3A_116 = arith.shrsi %while3A_115, %shift_right_arithmetic3A : i32
        %shift_left3A = arith.constant 4 : i32
        %shift_left3A_117 = arith.shli %shift_right_arithmetic3A_116, %shift_left3A : i32
        %get3A = arith.constant 4 : i32
        %get3A_118 = arith.index_cast %get3A : i32 to index
        %get3A_119 = arith.index_cast %shift_left3A_117 : i32 to index
        %get3A_120 = tpu.vector_load %arg8[%get3A_118, %get3A_119] {strides = array<i32>} : memref<8x144xi32, #tpu.memory_space<vmem>>, vector<16xi32>,
        %and3A = arith.constant 15 : i32
        %and3A_121 = arith.andi %while3A_115, %and3A : i32
        %eq3A = vector.broadcast %and3A_121 : i32 to vector<16xi32>
        %eq3A_122 = arith.cmpi eq, %iota3A, %eq3A : vector<16xi32>
        %jit3A = arith.constant 0 : i32
        %broadcast_in_dim3A = vector.broadcast %jit3A : i32 to vector<16xi32>
        %select_n3A = arith.select %eq3A_122, %get3A_120, %broadcast_in_dim3A : vector<16xi1>, vector<16xi32>
        %reduce_max3A = arith.constant true
        %reduce_max3A_123 = vector.broadcast %reduce_max3A : i1 to vector<16xi1>
        %reduce_max3A_124 = arith.constant -2147483648 : i32
        %reduce_max3A_125 = vector.broadcast %reduce_max3A_124 : i32 to vector<16xi32>
        %reduce_max3A_126 = arith.xori %select_n3A, %reduce_max3A_125 : vector<16xi32>
        %reduce_max3A_127 = tpu.scan <max>, %reduce_max3A_126 masked %reduce_max3A_123 : vector<16xi32>, vector<16xi1> -> vector<16xi32>
        %reduce_max3A_128 = arith.xori %reduce_max3A_127, %reduce_max3A_125 : vector<16xi32>
        %reduce_max3A_129 = vector.extract %reduce_max3A_128[15] : i32 from vector<16xi32>
        %and3A_130 = arith.constant 1048575 : i32
        %and3A_131 = arith.andi %reduce_max3A_129, %and3A_130 : i32
        %shift_right_arithmetic3A_132 = arith.constant 20 : i32
        %shift_right_arithmetic3A_133 = arith.shrsi %reduce_max3A_129, %shift_right_arithmetic3A_132 : i32
        %shift_right_arithmetic3A_134 = arith.constant 7 : i32
        %shift_right_arithmetic3A_135 = arith.shrsi %and3A_131, %shift_right_arithmetic3A_134 : i32
        %shift_left3A_136 = arith.constant 7 : i32
        %shift_left3A_137 = arith.shli %shift_right_arithmetic3A_135, %shift_left3A_136 : i32
        %multiple_of3A = tpu.assume_multiple %shift_left3A_137, 128 : i32
        %mul3A_138 = arith.constant 16 : i32
        %mul3A_139 = arith.muli %shift_right_arithmetic3A_133, %mul3A_138 : i32
        %dma_start3A = arith.constant 0 : i32
        %dma_start3A_140 = arith.constant 0 : i32
        %dma_start3A_141 = tpu.memref_slice %arg6[%dma_start3A, %dma_start3A_140, %mul3A_139] : memref<4x8x2048xf32, #tpu.memory_space<vmem>> -> memref<4x8x16xf32, #tpu.memory_space<vmem>>
        %dma_start3A_142 = arith.constant 0 : i32
        %dma_start3A_143 = arith.constant 0 : i32
        %dma_start3A_144 = tpu.memref_slice %arg3[%dma_start3A_142, %dma_start3A_143, %multiple_of3A] : memref<4x8x1000000xf32, #tpu.memory_space<hbm>> -> memref<4x8x128xf32, #tpu.memory_space<hbm>>
        %dma_start3A_145 = arith.constant 0 : i32
        %dma_start3A_146 = arith.constant 0 : i32
        %dma_start3A_147 = arith.constant 64 : i32
        %dma_start3A_148 = tpu.memref_slice %dma_start3A_144[%dma_start3A_145, %dma_start3A_146, %dma_start3A_147] : memref<4x8x128xf32, #tpu.memory_space<hbm>> -> memref<4x8x16xf32, #tpu.memory_space<hbm>>
        %dma_start3A_149 = arith.constant 0 : i32
        %dma_start3A_150 = arith.constant 0 : i32
        %dma_start3A_151 = tpu.memref_slice %arg6[%dma_start3A_149, %dma_start3A_150, %mul3A_139] : memref<4x8x2048xf32, #tpu.memory_space<vmem>> -> memref<4x8x16xf32, #tpu.memory_space<vmem>>
        %dma_start3A_152 = arith.constant 0 : i32
        %dma_start3A_153 = arith.constant 0 : i32
        %dma_start3A_154 = tpu.memref_slice %arg3[%dma_start3A_152, %dma_start3A_153, %multiple_of3A] : memref<4x8x1000000xf32, #tpu.memory_space<hbm>> -> memref<4x8x128xf32, #tpu.memory_space<hbm>>
        %dma_start3A_155 = arith.constant 0 : i32
        %dma_start3A_156 = arith.constant 0 : i32
        %dma_start3A_157 = arith.constant 64 : i32
        %dma_start3A_158 = tpu.memref_slice %dma_start3A_154[%dma_start3A_155, %dma_start3A_156, %dma_start3A_157] : memref<4x8x128xf32, #tpu.memory_space<hbm>> -> memref<4x8x16xf32, #tpu.memory_space<hbm>>
        tpu.enqueue_dma source(%dma_start3A_158 : memref<4x8x16xf32, #tpu.memory_space<hbm>>) target(%dma_start3A_151 : memref<4x8x16xf32, #tpu.memory_space<vmem>>) target_semaphore(%arg9 : memref<!tpu.dma_semaphore, #tpu.memory_space<semaphore_mem>>)
      }
      %while3A_71 = arith.constant 1 : i32
      scf.for %while3A_115 = %while3A_69 to %while3A_65 step %while3A_71  : i32 {
        %shift_right_arithmetic3A = arith.constant 4 : i32
        %shift_right_arithmetic3A_116 = arith.shrsi %while3A_115, %shift_right_arithmetic3A : i32
        %shift_left3A = arith.constant 4 : i32
        %shift_left3A_117 = arith.shli %shift_right_arithmetic3A_116, %shift_left3A : i32
        %get3A = arith.constant 4 : i32
        %get3A_118 = arith.index_cast %get3A : i32 to index
        %get3A_119 = arith.index_cast %shift_left3A_117 : i32 to index
        %get3A_120 = tpu.vector_load %arg8[%get3A_118, %get3A_119] {strides = array<i32>} : memref<8x144xi32, #tpu.memory_space<vmem>>, vector<16xi32>,
        %and3A = arith.constant 15 : i32
        %and3A_121 = arith.andi %while3A_115, %and3A : i32
        %eq3A = vector.broadcast %and3A_121 : i32 to vector<16xi32>
        %eq3A_122 = arith.cmpi eq, %iota3A, %eq3A : vector<16xi32>
        %jit3A = arith.constant 0 : i32
        %broadcast_in_dim3A = vector.broadcast %jit3A : i32 to vector<16xi32>
        %select_n3A = arith.select %eq3A_122, %get3A_120, %broadcast_in_dim3A : vector<16xi1>, vector<16xi32>
        %reduce_max3A = arith.constant true
        %reduce_max3A_123 = vector.broadcast %reduce_max3A : i1 to vector<16xi1>
        %reduce_max3A_124 = arith.constant -2147483648 : i32
        %reduce_max3A_125 = vector.broadcast %reduce_max3A_124 : i32 to vector<16xi32>
        %reduce_max3A_126 = arith.xori %select_n3A, %reduce_max3A_125 : vector<16xi32>
        %reduce_max3A_127 = tpu.scan <max>, %reduce_max3A_126 masked %reduce_max3A_123 : vector<16xi32>, vector<16xi1> -> vector<16xi32>
        %reduce_max3A_128 = arith.xori %reduce_max3A_127, %reduce_max3A_125 : vector<16xi32>
        %reduce_max3A_129 = vector.extract %reduce_max3A_128[15] : i32 from vector<16xi32>
        %and3A_130 = arith.constant 1048575 : i32
        %and3A_131 = arith.andi %reduce_max3A_129, %and3A_130 : i32
        %shift_right_arithmetic3A_132 = arith.constant 20 : i32
        %shift_right_arithmetic3A_133 = arith.shrsi %reduce_max3A_129, %shift_right_arithmetic3A_132 : i32
        %shift_right_arithmetic3A_134 = arith.constant 7 : i32
        %shift_right_arithmetic3A_135 = arith.shrsi %and3A_131, %shift_right_arithmetic3A_134 : i32
        %shift_left3A_136 = arith.constant 7 : i32
        %shift_left3A_137 = arith.shli %shift_right_arithmetic3A_135, %shift_left3A_136 : i32
        %multiple_of3A = tpu.assume_multiple %shift_left3A_137, 128 : i32
        %mul3A_138 = arith.constant 16 : i32
        %mul3A_139 = arith.muli %shift_right_arithmetic3A_133, %mul3A_138 : i32
        %dma_start3A = arith.constant 0 : i32
        %dma_start3A_140 = arith.constant 0 : i32
        %dma_start3A_141 = tpu.memref_slice %arg6[%dma_start3A, %dma_start3A_140, %mul3A_139] : memref<4x8x2048xf32, #tpu.memory_space<vmem>> -> memref<4x8x16xf32, #tpu.memory_space<vmem>>
        %dma_start3A_142 = arith.constant 0 : i32
        %dma_start3A_143 = arith.constant 0 : i32
        %dma_start3A_144 = tpu.memref_slice %arg3[%dma_start3A_142, %dma_start3A_143, %multiple_of3A] : memref<4x8x1000000xf32, #tpu.memory_space<hbm>> -> memref<4x8x128xf32, #tpu.memory_space<hbm>>
        %dma_start3A_145 = arith.constant 0 : i32
        %dma_start3A_146 = arith.constant 0 : i32
        %dma_start3A_147 = arith.constant 64 : i32
        %dma_start3A_148 = tpu.memref_slice %dma_start3A_144[%dma_start3A_145, %dma_start3A_146, %dma_start3A_147] : memref<4x8x128xf32, #tpu.memory_space<hbm>> -> memref<4x8x16xf32, #tpu.memory_space<hbm>>
        %dma_start3A_149 = arith.constant 0 : i32
        %dma_start3A_150 = arith.constant 0 : i32
        %dma_start3A_151 = tpu.memref_slice %arg6[%dma_start3A_149, %dma_start3A_150, %mul3A_139] : memref<4x8x2048xf32, #tpu.memory_space<vmem>> -> memref<4x8x16xf32, #tpu.memory_space<vmem>>
        %dma_start3A_152 = arith.constant 0 : i32
        %dma_start3A_153 = arith.constant 0 : i32
        %dma_start3A_154 = tpu.memref_slice %arg3[%dma_start3A_152, %dma_start3A_153, %multiple_of3A] : memref<4x8x1000000xf32, #tpu.memory_space<hbm>> -> memref<4x8x128xf32, #tpu.memory_space<hbm>>
        %dma_start3A_155 = arith.constant 0 : i32
        %dma_start3A_156 = arith.constant 0 : i32
        %dma_start3A_157 = arith.constant 64 : i32
        %dma_start3A_158 = tpu.memref_slice %dma_start3A_154[%dma_start3A_155, %dma_start3A_156, %dma_start3A_157] : memref<4x8x128xf32, #tpu.memory_space<hbm>> -> memref<4x8x16xf32, #tpu.memory_space<hbm>>
        tpu.enqueue_dma source(%dma_start3A_158 : memref<4x8x16xf32, #tpu.memory_space<hbm>>) target(%dma_start3A_151 : memref<4x8x16xf32, #tpu.memory_space<vmem>>) target_semaphore(%arg9 : memref<!tpu.dma_semaphore, #tpu.memory_space<semaphore_mem>>)
      }
      %while3A_72 = arith.constant 0 : i32
      %while3A_73 = arith.constant 0 : i32
      %while3A_74 = arith.subi %scan3A_21#5, %while3A_73 : i32
      %while3A_75 = arith.addi %while3A_73, %while3A_74 : i32
      %while3A_76 = arith.constant 1 : i32
      %while3A_77 = arith.divsi %while3A_74, %while3A_76 : i32
      %while3A_78 = arith.muli %while3A_77, %while3A_76 : i32
      %while3A_79 = arith.addi %while3A_73, %while3A_78 : i32
      %while3A_80 = arith.constant 1 : i32
      scf.for %while3A_115 = %while3A_73 to %while3A_79 step %while3A_80  : i32 {
        %shift_right_arithmetic3A = arith.constant 4 : i32
        %shift_right_arithmetic3A_116 = arith.shrsi %while3A_115, %shift_right_arithmetic3A : i32
        %shift_left3A = arith.constant 4 : i32
        %shift_left3A_117 = arith.shli %shift_right_arithmetic3A_116, %shift_left3A : i32
        %get3A = arith.constant 5 : i32
        %get3A_118 = arith.index_cast %get3A : i32 to index
        %get3A_119 = arith.index_cast %shift_left3A_117 : i32 to index
        %get3A_120 = tpu.vector_load %arg8[%get3A_118, %get3A_119] {strides = array<i32>} : memref<8x144xi32, #tpu.memory_space<vmem>>, vector<16xi32>,
        %and3A = arith.constant 15 : i32
        %and3A_121 = arith.andi %while3A_115, %and3A : i32
        %eq3A = vector.broadcast %and3A_121 : i32 to vector<16xi32>
        %eq3A_122 = arith.cmpi eq, %iota3A, %eq3A : vector<16xi32>
        %jit3A = arith.constant 0 : i32
        %broadcast_in_dim3A = vector.broadcast %jit3A : i32 to vector<16xi32>
        %select_n3A = arith.select %eq3A_122, %get3A_120, %broadcast_in_dim3A : vector<16xi1>, vector<16xi32>
        %reduce_max3A = arith.constant true
        %reduce_max3A_123 = vector.broadcast %reduce_max3A : i1 to vector<16xi1>
        %reduce_max3A_124 = arith.constant -2147483648 : i32
        %reduce_max3A_125 = vector.broadcast %reduce_max3A_124 : i32 to vector<16xi32>
        %reduce_max3A_126 = arith.xori %select_n3A, %reduce_max3A_125 : vector<16xi32>
        %reduce_max3A_127 = tpu.scan <max>, %reduce_max3A_126 masked %reduce_max3A_123 : vector<16xi32>, vector<16xi1> -> vector<16xi32>
        %reduce_max3A_128 = arith.xori %reduce_max3A_127, %reduce_max3A_125 : vector<16xi32>
        %reduce_max3A_129 = vector.extract %reduce_max3A_128[15] : i32 from vector<16xi32>
        %and3A_130 = arith.constant 1048575 : i32
        %and3A_131 = arith.andi %reduce_max3A_129, %and3A_130 : i32
        %shift_right_arithmetic3A_132 = arith.constant 20 : i32
        %shift_right_arithmetic3A_133 = arith.shrsi %reduce_max3A_129, %shift_right_arithmetic3A_132 : i32
        %shift_right_arithmetic3A_134 = arith.constant 7 : i32
        %shift_right_arithmetic3A_135 = arith.shrsi %and3A_131, %shift_right_arithmetic3A_134 : i32
        %shift_left3A_136 = arith.constant 7 : i32
        %shift_left3A_137 = arith.shli %shift_right_arithmetic3A_135, %shift_left3A_136 : i32
        %multiple_of3A = tpu.assume_multiple %shift_left3A_137, 128 : i32
        %mul3A_138 = arith.constant 16 : i32
        %mul3A_139 = arith.muli %shift_right_arithmetic3A_133, %mul3A_138 : i32
        %dma_start3A = arith.constant 0 : i32
        %dma_start3A_140 = arith.constant 0 : i32
        %dma_start3A_141 = tpu.memref_slice %arg6[%dma_start3A, %dma_start3A_140, %mul3A_139] : memref<4x8x2048xf32, #tpu.memory_space<vmem>> -> memref<4x8x16xf32, #tpu.memory_space<vmem>>
        %dma_start3A_142 = arith.constant 0 : i32
        %dma_start3A_143 = arith.constant 0 : i32
        %dma_start3A_144 = tpu.memref_slice %arg3[%dma_start3A_142, %dma_start3A_143, %multiple_of3A] : memref<4x8x1000000xf32, #tpu.memory_space<hbm>> -> memref<4x8x128xf32, #tpu.memory_space<hbm>>
        %dma_start3A_145 = arith.constant 0 : i32
        %dma_start3A_146 = arith.constant 0 : i32
        %dma_start3A_147 = arith.constant 80 : i32
        %dma_start3A_148 = tpu.memref_slice %dma_start3A_144[%dma_start3A_145, %dma_start3A_146, %dma_start3A_147] : memref<4x8x128xf32, #tpu.memory_space<hbm>> -> memref<4x8x16xf32, #tpu.memory_space<hbm>>
        %dma_start3A_149 = arith.constant 0 : i32
        %dma_start3A_150 = arith.constant 0 : i32
        %dma_start3A_151 = tpu.memref_slice %arg6[%dma_start3A_149, %dma_start3A_150, %mul3A_139] : memref<4x8x2048xf32, #tpu.memory_space<vmem>> -> memref<4x8x16xf32, #tpu.memory_space<vmem>>
        %dma_start3A_152 = arith.constant 0 : i32
        %dma_start3A_153 = arith.constant 0 : i32
        %dma_start3A_154 = tpu.memref_slice %arg3[%dma_start3A_152, %dma_start3A_153, %multiple_of3A] : memref<4x8x1000000xf32, #tpu.memory_space<hbm>> -> memref<4x8x128xf32, #tpu.memory_space<hbm>>
        %dma_start3A_155 = arith.constant 0 : i32
        %dma_start3A_156 = arith.constant 0 : i32
        %dma_start3A_157 = arith.constant 80 : i32
        %dma_start3A_158 = tpu.memref_slice %dma_start3A_154[%dma_start3A_155, %dma_start3A_156, %dma_start3A_157] : memref<4x8x128xf32, #tpu.memory_space<hbm>> -> memref<4x8x16xf32, #tpu.memory_space<hbm>>
        tpu.enqueue_dma source(%dma_start3A_158 : memref<4x8x16xf32, #tpu.memory_space<hbm>>) target(%dma_start3A_151 : memref<4x8x16xf32, #tpu.memory_space<vmem>>) target_semaphore(%arg9 : memref<!tpu.dma_semaphore, #tpu.memory_space<semaphore_mem>>)
      }
      %while3A_81 = arith.constant 1 : i32
      scf.for %while3A_115 = %while3A_79 to %while3A_75 step %while3A_81  : i32 {
        %shift_right_arithmetic3A = arith.constant 4 : i32
        %shift_right_arithmetic3A_116 = arith.shrsi %while3A_115, %shift_right_arithmetic3A : i32
        %shift_left3A = arith.constant 4 : i32
        %shift_left3A_117 = arith.shli %shift_right_arithmetic3A_116, %shift_left3A : i32
        %get3A = arith.constant 5 : i32
        %get3A_118 = arith.index_cast %get3A : i32 to index
        %get3A_119 = arith.index_cast %shift_left3A_117 : i32 to index
        %get3A_120 = tpu.vector_load %arg8[%get3A_118, %get3A_119] {strides = array<i32>} : memref<8x144xi32, #tpu.memory_space<vmem>>, vector<16xi32>,
        %and3A = arith.constant 15 : i32
        %and3A_121 = arith.andi %while3A_115, %and3A : i32
        %eq3A = vector.broadcast %and3A_121 : i32 to vector<16xi32>
        %eq3A_122 = arith.cmpi eq, %iota3A, %eq3A : vector<16xi32>
        %jit3A = arith.constant 0 : i32
        %broadcast_in_dim3A = vector.broadcast %jit3A : i32 to vector<16xi32>
        %select_n3A = arith.select %eq3A_122, %get3A_120, %broadcast_in_dim3A : vector<16xi1>, vector<16xi32>
        %reduce_max3A = arith.constant true
        %reduce_max3A_123 = vector.broadcast %reduce_max3A : i1 to vector<16xi1>
        %reduce_max3A_124 = arith.constant -2147483648 : i32
        %reduce_max3A_125 = vector.broadcast %reduce_max3A_124 : i32 to vector<16xi32>
        %reduce_max3A_126 = arith.xori %select_n3A, %reduce_max3A_125 : vector<16xi32>
        %reduce_max3A_127 = tpu.scan <max>, %reduce_max3A_126 masked %reduce_max3A_123 : vector<16xi32>, vector<16xi1> -> vector<16xi32>
        %reduce_max3A_128 = arith.xori %reduce_max3A_127, %reduce_max3A_125 : vector<16xi32>
        %reduce_max3A_129 = vector.extract %reduce_max3A_128[15] : i32 from vector<16xi32>
        %and3A_130 = arith.constant 1048575 : i32
        %and3A_131 = arith.andi %reduce_max3A_129, %and3A_130 : i32
        %shift_right_arithmetic3A_132 = arith.constant 20 : i32
        %shift_right_arithmetic3A_133 = arith.shrsi %reduce_max3A_129, %shift_right_arithmetic3A_132 : i32
        %shift_right_arithmetic3A_134 = arith.constant 7 : i32
        %shift_right_arithmetic3A_135 = arith.shrsi %and3A_131, %shift_right_arithmetic3A_134 : i32
        %shift_left3A_136 = arith.constant 7 : i32
        %shift_left3A_137 = arith.shli %shift_right_arithmetic3A_135, %shift_left3A_136 : i32
        %multiple_of3A = tpu.assume_multiple %shift_left3A_137, 128 : i32
        %mul3A_138 = arith.constant 16 : i32
        %mul3A_139 = arith.muli %shift_right_arithmetic3A_133, %mul3A_138 : i32
        %dma_start3A = arith.constant 0 : i32
        %dma_start3A_140 = arith.constant 0 : i32
        %dma_start3A_141 = tpu.memref_slice %arg6[%dma_start3A, %dma_start3A_140, %mul3A_139] : memref<4x8x2048xf32, #tpu.memory_space<vmem>> -> memref<4x8x16xf32, #tpu.memory_space<vmem>>
        %dma_start3A_142 = arith.constant 0 : i32
        %dma_start3A_143 = arith.constant 0 : i32
        %dma_start3A_144 = tpu.memref_slice %arg3[%dma_start3A_142, %dma_start3A_143, %multiple_of3A] : memref<4x8x1000000xf32, #tpu.memory_space<hbm>> -> memref<4x8x128xf32, #tpu.memory_space<hbm>>
        %dma_start3A_145 = arith.constant 0 : i32
        %dma_start3A_146 = arith.constant 0 : i32
        %dma_start3A_147 = arith.constant 80 : i32
        %dma_start3A_148 = tpu.memref_slice %dma_start3A_144[%dma_start3A_145, %dma_start3A_146, %dma_start3A_147] : memref<4x8x128xf32, #tpu.memory_space<hbm>> -> memref<4x8x16xf32, #tpu.memory_space<hbm>>
        %dma_start3A_149 = arith.constant 0 : i32
        %dma_start3A_150 = arith.constant 0 : i32
        %dma_start3A_151 = tpu.memref_slice %arg6[%dma_start3A_149, %dma_start3A_150, %mul3A_139] : memref<4x8x2048xf32, #tpu.memory_space<vmem>> -> memref<4x8x16xf32, #tpu.memory_space<vmem>>
        %dma_start3A_152 = arith.constant 0 : i32
        %dma_start3A_153 = arith.constant 0 : i32
        %dma_start3A_154 = tpu.memref_slice %arg3[%dma_start3A_152, %dma_start3A_153, %multiple_of3A] : memref<4x8x1000000xf32, #tpu.memory_space<hbm>> -> memref<4x8x128xf32, #tpu.memory_space<hbm>>
        %dma_start3A_155 = arith.constant 0 : i32
        %dma_start3A_156 = arith.constant 0 : i32
        %dma_start3A_157 = arith.constant 80 : i32
        %dma_start3A_158 = tpu.memref_slice %dma_start3A_154[%dma_start3A_155, %dma_start3A_156, %dma_start3A_157] : memref<4x8x128xf32, #tpu.memory_space<hbm>> -> memref<4x8x16xf32, #tpu.memory_space<hbm>>
        tpu.enqueue_dma source(%dma_start3A_158 : memref<4x8x16xf32, #tpu.memory_space<hbm>>) target(%dma_start3A_151 : memref<4x8x16xf32, #tpu.memory_space<vmem>>) target_semaphore(%arg9 : memref<!tpu.dma_semaphore, #tpu.memory_space<semaphore_mem>>)
      }
      %while3A_82 = arith.constant 0 : i32
      %while3A_83 = arith.constant 0 : i32
      %while3A_84 = arith.subi %scan3A_21#6, %while3A_83 : i32
      %while3A_85 = arith.addi %while3A_83, %while3A_84 : i32
      %while3A_86 = arith.constant 1 : i32
      %while3A_87 = arith.divsi %while3A_84, %while3A_86 : i32
      %while3A_88 = arith.muli %while3A_87, %while3A_86 : i32
      %while3A_89 = arith.addi %while3A_83, %while3A_88 : i32
      %while3A_90 = arith.constant 1 : i32
      scf.for %while3A_115 = %while3A_83 to %while3A_89 step %while3A_90  : i32 {
        %shift_right_arithmetic3A = arith.constant 4 : i32
        %shift_right_arithmetic3A_116 = arith.shrsi %while3A_115, %shift_right_arithmetic3A : i32
        %shift_left3A = arith.constant 4 : i32
        %shift_left3A_117 = arith.shli %shift_right_arithmetic3A_116, %shift_left3A : i32
        %get3A = arith.constant 6 : i32
        %get3A_118 = arith.index_cast %get3A : i32 to index
        %get3A_119 = arith.index_cast %shift_left3A_117 : i32 to index
        %get3A_120 = tpu.vector_load %arg8[%get3A_118, %get3A_119] {strides = array<i32>} : memref<8x144xi32, #tpu.memory_space<vmem>>, vector<16xi32>,
        %and3A = arith.constant 15 : i32
        %and3A_121 = arith.andi %while3A_115, %and3A : i32
        %eq3A = vector.broadcast %and3A_121 : i32 to vector<16xi32>
        %eq3A_122 = arith.cmpi eq, %iota3A, %eq3A : vector<16xi32>
        %jit3A = arith.constant 0 : i32
        %broadcast_in_dim3A = vector.broadcast %jit3A : i32 to vector<16xi32>
        %select_n3A = arith.select %eq3A_122, %get3A_120, %broadcast_in_dim3A : vector<16xi1>, vector<16xi32>
        %reduce_max3A = arith.constant true
        %reduce_max3A_123 = vector.broadcast %reduce_max3A : i1 to vector<16xi1>
        %reduce_max3A_124 = arith.constant -2147483648 : i32
        %reduce_max3A_125 = vector.broadcast %reduce_max3A_124 : i32 to vector<16xi32>
        %reduce_max3A_126 = arith.xori %select_n3A, %reduce_max3A_125 : vector<16xi32>
        %reduce_max3A_127 = tpu.scan <max>, %reduce_max3A_126 masked %reduce_max3A_123 : vector<16xi32>, vector<16xi1> -> vector<16xi32>
        %reduce_max3A_128 = arith.xori %reduce_max3A_127, %reduce_max3A_125 : vector<16xi32>
        %reduce_max3A_129 = vector.extract %reduce_max3A_128[15] : i32 from vector<16xi32>
        %and3A_130 = arith.constant 1048575 : i32
        %and3A_131 = arith.andi %reduce_max3A_129, %and3A_130 : i32
        %shift_right_arithmetic3A_132 = arith.constant 20 : i32
        %shift_right_arithmetic3A_133 = arith.shrsi %reduce_max3A_129, %shift_right_arithmetic3A_132 : i32
        %shift_right_arithmetic3A_134 = arith.constant 7 : i32
        %shift_right_arithmetic3A_135 = arith.shrsi %and3A_131, %shift_right_arithmetic3A_134 : i32
        %shift_left3A_136 = arith.constant 7 : i32
        %shift_left3A_137 = arith.shli %shift_right_arithmetic3A_135, %shift_left3A_136 : i32
        %multiple_of3A = tpu.assume_multiple %shift_left3A_137, 128 : i32
        %mul3A_138 = arith.constant 16 : i32
        %mul3A_139 = arith.muli %shift_right_arithmetic3A_133, %mul3A_138 : i32
        %dma_start3A = arith.constant 0 : i32
        %dma_start3A_140 = arith.constant 0 : i32
        %dma_start3A_141 = tpu.memref_slice %arg6[%dma_start3A, %dma_start3A_140, %mul3A_139] : memref<4x8x2048xf32, #tpu.memory_space<vmem>> -> memref<4x8x16xf32, #tpu.memory_space<vmem>>
        %dma_start3A_142 = arith.constant 0 : i32
        %dma_start3A_143 = arith.constant 0 : i32
        %dma_start3A_144 = tpu.memref_slice %arg3[%dma_start3A_142, %dma_start3A_143, %multiple_of3A] : memref<4x8x1000000xf32, #tpu.memory_space<hbm>> -> memref<4x8x128xf32, #tpu.memory_space<hbm>>
        %dma_start3A_145 = arith.constant 0 : i32
        %dma_start3A_146 = arith.constant 0 : i32
        %dma_start3A_147 = arith.constant 96 : i32
        %dma_start3A_148 = tpu.memref_slice %dma_start3A_144[%dma_start3A_145, %dma_start3A_146, %dma_start3A_147] : memref<4x8x128xf32, #tpu.memory_space<hbm>> -> memref<4x8x16xf32, #tpu.memory_space<hbm>>
        %dma_start3A_149 = arith.constant 0 : i32
        %dma_start3A_150 = arith.constant 0 : i32
        %dma_start3A_151 = tpu.memref_slice %arg6[%dma_start3A_149, %dma_start3A_150, %mul3A_139] : memref<4x8x2048xf32, #tpu.memory_space<vmem>> -> memref<4x8x16xf32, #tpu.memory_space<vmem>>
        %dma_start3A_152 = arith.constant 0 : i32
        %dma_start3A_153 = arith.constant 0 : i32
        %dma_start3A_154 = tpu.memref_slice %arg3[%dma_start3A_152, %dma_start3A_153, %multiple_of3A] : memref<4x8x1000000xf32, #tpu.memory_space<hbm>> -> memref<4x8x128xf32, #tpu.memory_space<hbm>>
        %dma_start3A_155 = arith.constant 0 : i32
        %dma_start3A_156 = arith.constant 0 : i32
        %dma_start3A_157 = arith.constant 96 : i32
        %dma_start3A_158 = tpu.memref_slice %dma_start3A_154[%dma_start3A_155, %dma_start3A_156, %dma_start3A_157] : memref<4x8x128xf32, #tpu.memory_space<hbm>> -> memref<4x8x16xf32, #tpu.memory_space<hbm>>
        tpu.enqueue_dma source(%dma_start3A_158 : memref<4x8x16xf32, #tpu.memory_space<hbm>>) target(%dma_start3A_151 : memref<4x8x16xf32, #tpu.memory_space<vmem>>) target_semaphore(%arg9 : memref<!tpu.dma_semaphore, #tpu.memory_space<semaphore_mem>>)
      }
      %while3A_91 = arith.constant 1 : i32
      scf.for %while3A_115 = %while3A_89 to %while3A_85 step %while3A_91  : i32 {
        %shift_right_arithmetic3A = arith.constant 4 : i32
        %shift_right_arithmetic3A_116 = arith.shrsi %while3A_115, %shift_right_arithmetic3A : i32
        %shift_left3A = arith.constant 4 : i32
        %shift_left3A_117 = arith.shli %shift_right_arithmetic3A_116, %shift_left3A : i32
        %get3A = arith.constant 6 : i32
        %get3A_118 = arith.index_cast %get3A : i32 to index
        %get3A_119 = arith.index_cast %shift_left3A_117 : i32 to index
        %get3A_120 = tpu.vector_load %arg8[%get3A_118, %get3A_119] {strides = array<i32>} : memref<8x144xi32, #tpu.memory_space<vmem>>, vector<16xi32>,
        %and3A = arith.constant 15 : i32
        %and3A_121 = arith.andi %while3A_115, %and3A : i32
        %eq3A = vector.broadcast %and3A_121 : i32 to vector<16xi32>
        %eq3A_122 = arith.cmpi eq, %iota3A, %eq3A : vector<16xi32>
        %jit3A = arith.constant 0 : i32
        %broadcast_in_dim3A = vector.broadcast %jit3A : i32 to vector<16xi32>
        %select_n3A = arith.select %eq3A_122, %get3A_120, %broadcast_in_dim3A : vector<16xi1>, vector<16xi32>
        %reduce_max3A = arith.constant true
        %reduce_max3A_123 = vector.broadcast %reduce_max3A : i1 to vector<16xi1>
        %reduce_max3A_124 = arith.constant -2147483648 : i32
        %reduce_max3A_125 = vector.broadcast %reduce_max3A_124 : i32 to vector<16xi32>
        %reduce_max3A_126 = arith.xori %select_n3A, %reduce_max3A_125 : vector<16xi32>
        %reduce_max3A_127 = tpu.scan <max>, %reduce_max3A_126 masked %reduce_max3A_123 : vector<16xi32>, vector<16xi1> -> vector<16xi32>
        %reduce_max3A_128 = arith.xori %reduce_max3A_127, %reduce_max3A_125 : vector<16xi32>
        %reduce_max3A_129 = vector.extract %reduce_max3A_128[15] : i32 from vector<16xi32>
        %and3A_130 = arith.constant 1048575 : i32
        %and3A_131 = arith.andi %reduce_max3A_129, %and3A_130 : i32
        %shift_right_arithmetic3A_132 = arith.constant 20 : i32
        %shift_right_arithmetic3A_133 = arith.shrsi %reduce_max3A_129, %shift_right_arithmetic3A_132 : i32
        %shift_right_arithmetic3A_134 = arith.constant 7 : i32
        %shift_right_arithmetic3A_135 = arith.shrsi %and3A_131, %shift_right_arithmetic3A_134 : i32
        %shift_left3A_136 = arith.constant 7 : i32
        %shift_left3A_137 = arith.shli %shift_right_arithmetic3A_135, %shift_left3A_136 : i32
        %multiple_of3A = tpu.assume_multiple %shift_left3A_137, 128 : i32
        %mul3A_138 = arith.constant 16 : i32
        %mul3A_139 = arith.muli %shift_right_arithmetic3A_133, %mul3A_138 : i32
        %dma_start3A = arith.constant 0 : i32
        %dma_start3A_140 = arith.constant 0 : i32
        %dma_start3A_141 = tpu.memref_slice %arg6[%dma_start3A, %dma_start3A_140, %mul3A_139] : memref<4x8x2048xf32, #tpu.memory_space<vmem>> -> memref<4x8x16xf32, #tpu.memory_space<vmem>>
        %dma_start3A_142 = arith.constant 0 : i32
        %dma_start3A_143 = arith.constant 0 : i32
        %dma_start3A_144 = tpu.memref_slice %arg3[%dma_start3A_142, %dma_start3A_143, %multiple_of3A] : memref<4x8x1000000xf32, #tpu.memory_space<hbm>> -> memref<4x8x128xf32, #tpu.memory_space<hbm>>
        %dma_start3A_145 = arith.constant 0 : i32
        %dma_start3A_146 = arith.constant 0 : i32
        %dma_start3A_147 = arith.constant 96 : i32
        %dma_start3A_148 = tpu.memref_slice %dma_start3A_144[%dma_start3A_145, %dma_start3A_146, %dma_start3A_147] : memref<4x8x128xf32, #tpu.memory_space<hbm>> -> memref<4x8x16xf32, #tpu.memory_space<hbm>>
        %dma_start3A_149 = arith.constant 0 : i32
        %dma_start3A_150 = arith.constant 0 : i32
        %dma_start3A_151 = tpu.memref_slice %arg6[%dma_start3A_149, %dma_start3A_150, %mul3A_139] : memref<4x8x2048xf32, #tpu.memory_space<vmem>> -> memref<4x8x16xf32, #tpu.memory_space<vmem>>
        %dma_start3A_152 = arith.constant 0 : i32
        %dma_start3A_153 = arith.constant 0 : i32
        %dma_start3A_154 = tpu.memref_slice %arg3[%dma_start3A_152, %dma_start3A_153, %multiple_of3A] : memref<4x8x1000000xf32, #tpu.memory_space<hbm>> -> memref<4x8x128xf32, #tpu.memory_space<hbm>>
        %dma_start3A_155 = arith.constant 0 : i32
        %dma_start3A_156 = arith.constant 0 : i32
        %dma_start3A_157 = arith.constant 96 : i32
        %dma_start3A_158 = tpu.memref_slice %dma_start3A_154[%dma_start3A_155, %dma_start3A_156, %dma_start3A_157] : memref<4x8x128xf32, #tpu.memory_space<hbm>> -> memref<4x8x16xf32, #tpu.memory_space<hbm>>
        tpu.enqueue_dma source(%dma_start3A_158 : memref<4x8x16xf32, #tpu.memory_space<hbm>>) target(%dma_start3A_151 : memref<4x8x16xf32, #tpu.memory_space<vmem>>) target_semaphore(%arg9 : memref<!tpu.dma_semaphore, #tpu.memory_space<semaphore_mem>>)
      }
      %while3A_92 = arith.constant 0 : i32
      %while3A_93 = arith.constant 0 : i32
      %while3A_94 = arith.subi %scan3A_21#7, %while3A_93 : i32
      %while3A_95 = arith.addi %while3A_93, %while3A_94 : i32
      %while3A_96 = arith.constant 1 : i32
      %while3A_97 = arith.divsi %while3A_94, %while3A_96 : i32
      %while3A_98 = arith.muli %while3A_97, %while3A_96 : i32
      %while3A_99 = arith.addi %while3A_93, %while3A_98 : i32
      %while3A_100 = arith.constant 1 : i32
      scf.for %while3A_115 = %while3A_93 to %while3A_99 step %while3A_100  : i32 {
        %shift_right_arithmetic3A = arith.constant 4 : i32
        %shift_right_arithmetic3A_116 = arith.shrsi %while3A_115, %shift_right_arithmetic3A : i32
        %shift_left3A = arith.constant 4 : i32
        %shift_left3A_117 = arith.shli %shift_right_arithmetic3A_116, %shift_left3A : i32
        %get3A = arith.constant 7 : i32
        %get3A_118 = arith.index_cast %get3A : i32 to index
        %get3A_119 = arith.index_cast %shift_left3A_117 : i32 to index
        %get3A_120 = tpu.vector_load %arg8[%get3A_118, %get3A_119] {strides = array<i32>} : memref<8x144xi32, #tpu.memory_space<vmem>>, vector<16xi32>,
        %and3A = arith.constant 15 : i32
        %and3A_121 = arith.andi %while3A_115, %and3A : i32
        %eq3A = vector.broadcast %and3A_121 : i32 to vector<16xi32>
        %eq3A_122 = arith.cmpi eq, %iota3A, %eq3A : vector<16xi32>
        %jit3A = arith.constant 0 : i32
        %broadcast_in_dim3A = vector.broadcast %jit3A : i32 to vector<16xi32>
        %select_n3A = arith.select %eq3A_122, %get3A_120, %broadcast_in_dim3A : vector<16xi1>, vector<16xi32>
        %reduce_max3A = arith.constant true
        %reduce_max3A_123 = vector.broadcast %reduce_max3A : i1 to vector<16xi1>
        %reduce_max3A_124 = arith.constant -2147483648 : i32
        %reduce_max3A_125 = vector.broadcast %reduce_max3A_124 : i32 to vector<16xi32>
        %reduce_max3A_126 = arith.xori %select_n3A, %reduce_max3A_125 : vector<16xi32>
        %reduce_max3A_127 = tpu.scan <max>, %reduce_max3A_126 masked %reduce_max3A_123 : vector<16xi32>, vector<16xi1> -> vector<16xi32>
        %reduce_max3A_128 = arith.xori %reduce_max3A_127, %reduce_max3A_125 : vector<16xi32>
        %reduce_max3A_129 = vector.extract %reduce_max3A_128[15] : i32 from vector<16xi32>
        %and3A_130 = arith.constant 1048575 : i32
        %and3A_131 = arith.andi %reduce_max3A_129, %and3A_130 : i32
        %shift_right_arithmetic3A_132 = arith.constant 20 : i32
        %shift_right_arithmetic3A_133 = arith.shrsi %reduce_max3A_129, %shift_right_arithmetic3A_132 : i32
        %shift_right_arithmetic3A_134 = arith.constant 7 : i32
        %shift_right_arithmetic3A_135 = arith.shrsi %and3A_131, %shift_right_arithmetic3A_134 : i32
        %shift_left3A_136 = arith.constant 7 : i32
        %shift_left3A_137 = arith.shli %shift_right_arithmetic3A_135, %shift_left3A_136 : i32
        %multiple_of3A = tpu.assume_multiple %shift_left3A_137, 128 : i32
        %mul3A_138 = arith.constant 16 : i32
        %mul3A_139 = arith.muli %shift_right_arithmetic3A_133, %mul3A_138 : i32
        %dma_start3A = arith.constant 0 : i32
        %dma_start3A_140 = arith.constant 0 : i32
        %dma_start3A_141 = tpu.memref_slice %arg6[%dma_start3A, %dma_start3A_140, %mul3A_139] : memref<4x8x2048xf32, #tpu.memory_space<vmem>> -> memref<4x8x16xf32, #tpu.memory_space<vmem>>
        %dma_start3A_142 = arith.constant 0 : i32
        %dma_start3A_143 = arith.constant 0 : i32
        %dma_start3A_144 = tpu.memref_slice %arg3[%dma_start3A_142, %dma_start3A_143, %multiple_of3A] : memref<4x8x1000000xf32, #tpu.memory_space<hbm>> -> memref<4x8x128xf32, #tpu.memory_space<hbm>>
        %dma_start3A_145 = arith.constant 0 : i32
        %dma_start3A_146 = arith.constant 0 : i32
        %dma_start3A_147 = arith.constant 112 : i32
        %dma_start3A_148 = tpu.memref_slice %dma_start3A_144[%dma_start3A_145, %dma_start3A_146, %dma_start3A_147] : memref<4x8x128xf32, #tpu.memory_space<hbm>> -> memref<4x8x16xf32, #tpu.memory_space<hbm>>
        %dma_start3A_149 = arith.constant 0 : i32
        %dma_start3A_150 = arith.constant 0 : i32
        %dma_start3A_151 = tpu.memref_slice %arg6[%dma_start3A_149, %dma_start3A_150, %mul3A_139] : memref<4x8x2048xf32, #tpu.memory_space<vmem>> -> memref<4x8x16xf32, #tpu.memory_space<vmem>>
        %dma_start3A_152 = arith.constant 0 : i32
        %dma_start3A_153 = arith.constant 0 : i32
        %dma_start3A_154 = tpu.memref_slice %arg3[%dma_start3A_152, %dma_start3A_153, %multiple_of3A] : memref<4x8x1000000xf32, #tpu.memory_space<hbm>> -> memref<4x8x128xf32, #tpu.memory_space<hbm>>
        %dma_start3A_155 = arith.constant 0 : i32
        %dma_start3A_156 = arith.constant 0 : i32
        %dma_start3A_157 = arith.constant 112 : i32
        %dma_start3A_158 = tpu.memref_slice %dma_start3A_154[%dma_start3A_155, %dma_start3A_156, %dma_start3A_157] : memref<4x8x128xf32, #tpu.memory_space<hbm>> -> memref<4x8x16xf32, #tpu.memory_space<hbm>>
        tpu.enqueue_dma source(%dma_start3A_158 : memref<4x8x16xf32, #tpu.memory_space<hbm>>) target(%dma_start3A_151 : memref<4x8x16xf32, #tpu.memory_space<vmem>>) target_semaphore(%arg9 : memref<!tpu.dma_semaphore, #tpu.memory_space<semaphore_mem>>)
      }
      %while3A_101 = arith.constant 1 : i32
      scf.for %while3A_115 = %while3A_99 to %while3A_95 step %while3A_101  : i32 {
        %shift_right_arithmetic3A = arith.constant 4 : i32
        %shift_right_arithmetic3A_116 = arith.shrsi %while3A_115, %shift_right_arithmetic3A : i32
        %shift_left3A = arith.constant 4 : i32
        %shift_left3A_117 = arith.shli %shift_right_arithmetic3A_116, %shift_left3A : i32
        %get3A = arith.constant 7 : i32
        %get3A_118 = arith.index_cast %get3A : i32 to index
        %get3A_119 = arith.index_cast %shift_left3A_117 : i32 to index
        %get3A_120 = tpu.vector_load %arg8[%get3A_118, %get3A_119] {strides = array<i32>} : memref<8x144xi32, #tpu.memory_space<vmem>>, vector<16xi32>,
        %and3A = arith.constant 15 : i32
        %and3A_121 = arith.andi %while3A_115, %and3A : i32
        %eq3A = vector.broadcast %and3A_121 : i32 to vector<16xi32>
        %eq3A_122 = arith.cmpi eq, %iota3A, %eq3A : vector<16xi32>
        %jit3A = arith.constant 0 : i32
        %broadcast_in_dim3A = vector.broadcast %jit3A : i32 to vector<16xi32>
        %select_n3A = arith.select %eq3A_122, %get3A_120, %broadcast_in_dim3A : vector<16xi1>, vector<16xi32>
        %reduce_max3A = arith.constant true
        %reduce_max3A_123 = vector.broadcast %reduce_max3A : i1 to vector<16xi1>
        %reduce_max3A_124 = arith.constant -2147483648 : i32
        %reduce_max3A_125 = vector.broadcast %reduce_max3A_124 : i32 to vector<16xi32>
        %reduce_max3A_126 = arith.xori %select_n3A, %reduce_max3A_125 : vector<16xi32>
        %reduce_max3A_127 = tpu.scan <max>, %reduce_max3A_126 masked %reduce_max3A_123 : vector<16xi32>, vector<16xi1> -> vector<16xi32>
        %reduce_max3A_128 = arith.xori %reduce_max3A_127, %reduce_max3A_125 : vector<16xi32>
        %reduce_max3A_129 = vector.extract %reduce_max3A_128[15] : i32 from vector<16xi32>
        %and3A_130 = arith.constant 1048575 : i32
        %and3A_131 = arith.andi %reduce_max3A_129, %and3A_130 : i32
        %shift_right_arithmetic3A_132 = arith.constant 20 : i32
        %shift_right_arithmetic3A_133 = arith.shrsi %reduce_max3A_129, %shift_right_arithmetic3A_132 : i32
        %shift_right_arithmetic3A_134 = arith.constant 7 : i32
        %shift_right_arithmetic3A_135 = arith.shrsi %and3A_131, %shift_right_arithmetic3A_134 : i32
        %shift_left3A_136 = arith.constant 7 : i32
        %shift_left3A_137 = arith.shli %shift_right_arithmetic3A_135, %shift_left3A_136 : i32
        %multiple_of3A = tpu.assume_multiple %shift_left3A_137, 128 : i32
        %mul3A_138 = arith.constant 16 : i32
        %mul3A_139 = arith.muli %shift_right_arithmetic3A_133, %mul3A_138 : i32
        %dma_start3A = arith.constant 0 : i32
        %dma_start3A_140 = arith.constant 0 : i32
        %dma_start3A_141 = tpu.memref_slice %arg6[%dma_start3A, %dma_start3A_140, %mul3A_139] : memref<4x8x2048xf32, #tpu.memory_space<vmem>> -> memref<4x8x16xf32, #tpu.memory_space<vmem>>
        %dma_start3A_142 = arith.constant 0 : i32
        %dma_start3A_143 = arith.constant 0 : i32
        %dma_start3A_144 = tpu.memref_slice %arg3[%dma_start3A_142, %dma_start3A_143, %multiple_of3A] : memref<4x8x1000000xf32, #tpu.memory_space<hbm>> -> memref<4x8x128xf32, #tpu.memory_space<hbm>>
        %dma_start3A_145 = arith.constant 0 : i32
        %dma_start3A_146 = arith.constant 0 : i32
        %dma_start3A_147 = arith.constant 112 : i32
        %dma_start3A_148 = tpu.memref_slice %dma_start3A_144[%dma_start3A_145, %dma_start3A_146, %dma_start3A_147] : memref<4x8x128xf32, #tpu.memory_space<hbm>> -> memref<4x8x16xf32, #tpu.memory_space<hbm>>
        %dma_start3A_149 = arith.constant 0 : i32
        %dma_start3A_150 = arith.constant 0 : i32
        %dma_start3A_151 = tpu.memref_slice %arg6[%dma_start3A_149, %dma_start3A_150, %mul3A_139] : memref<4x8x2048xf32, #tpu.memory_space<vmem>> -> memref<4x8x16xf32, #tpu.memory_space<vmem>>
        %dma_start3A_152 = arith.constant 0 : i32
        %dma_start3A_153 = arith.constant 0 : i32
        %dma_start3A_154 = tpu.memref_slice %arg3[%dma_start3A_152, %dma_start3A_153, %multiple_of3A] : memref<4x8x1000000xf32, #tpu.memory_space<hbm>> -> memref<4x8x128xf32, #tpu.memory_space<hbm>>
        %dma_start3A_155 = arith.constant 0 : i32
        %dma_start3A_156 = arith.constant 0 : i32
        %dma_start3A_157 = arith.constant 112 : i32
        %dma_start3A_158 = tpu.memref_slice %dma_start3A_154[%dma_start3A_155, %dma_start3A_156, %dma_start3A_157] : memref<4x8x128xf32, #tpu.memory_space<hbm>> -> memref<4x8x16xf32, #tpu.memory_space<hbm>>
        tpu.enqueue_dma source(%dma_start3A_158 : memref<4x8x16xf32, #tpu.memory_space<hbm>>) target(%dma_start3A_151 : memref<4x8x16xf32, #tpu.memory_space<vmem>>) target_semaphore(%arg9 : memref<!tpu.dma_semaphore, #tpu.memory_space<semaphore_mem>>)
      }
      %dma_wait3A = arith.constant 0 : i32
      %dma_wait3A_102 = arith.constant 0 : i32
      %dma_wait3A_103 = arith.constant 0 : i32
      %dma_wait3A_104 = tpu.memref_slice %arg3[%dma_wait3A, %dma_wait3A_102, %dma_wait3A_103] : memref<4x8x1000000xf32, #tpu.memory_space<hbm>> -> memref<4x8x2048xf32, #tpu.memory_space<hbm>>
      %dma_wait3A_105 = arith.constant 0 : i32
      %dma_wait3A_106 = arith.constant 0 : i32
      %dma_wait3A_107 = arith.constant 0 : i32
      %dma_wait3A_108 = tpu.memref_slice %arg3[%dma_wait3A_105, %dma_wait3A_106, %dma_wait3A_107] : memref<4x8x1000000xf32, #tpu.memory_space<hbm>> -> memref<4x8x2048xf32, #tpu.memory_space<hbm>>
      tpu.wait_dma2 semaphore(%arg9 : memref<!tpu.dma_semaphore, #tpu.memory_space<semaphore_mem>>) src(%dma_wait3A_108 : memref<4x8x2048xf32, #tpu.memory_space<hbm>>) dst(%arg6 : memref<4x8x2048xf32, #tpu.memory_space<vmem>>)
      %scan3A_109 = arith.constant 0 : i32
      %scan3A_110 = arith.constant 0 : i32
      %scan3A_111 = arith.constant 8 : i32
      %scan3A_112 = arith.addi %scan3A_110, %scan3A_111 : i32
      %scan3A_113 = arith.constant 1 : i32
      scf.for %scan3A_115 = %scan3A_110 to %scan3A_112 step %scan3A_113  : i32 {
        %mul3A_116 = arith.constant 128 : i32
        %mul3A_117 = arith.muli %scan3A_8, %mul3A_116 : i32
        %mul3A_118 = arith.constant 16 : i32
        %mul3A_119 = arith.muli %scan3A_115, %mul3A_118 : i32
        %add3A_120 = arith.addi %mul3A_117, %mul3A_119 : i32
        %get3A = arith.index_cast %add3A_120 : i32 to index
        %get3A_121 = tpu.vector_load %arg5[%get3A] {strides = array<i32>} : memref<512xi32, #tpu.memory_space<vmem>>, vector<16xi32>,
        %mul3A_122 = arith.constant 16 : i32
        %mul3A_123 = arith.muli %scan3A_115, %mul3A_122 : i32
        %add3A_124 = vector.broadcast %mul3A_123 : i32 to vector<16xi32>
        %add3A_125 = arith.addi %add3A_124, %iota3A : vector<16xi32>
        %mul3A_126 = arith.constant 16 : i32
        %mul3A_127 = vector.broadcast %mul3A_126 : i32 to vector<16xi32>
        %mul3A_128 = arith.muli %add3A_125, %mul3A_127 : vector<16xi32>
        %and3A = arith.constant 15 : i32
        %and3A_129 = vector.broadcast %and3A : i32 to vector<16xi32>
        %and3A_130 = arith.andi %get3A_121, %and3A_129 : vector<16xi32>
        %add3A_131 = arith.addi %mul3A_128, %and3A_130 : vector<16xi32>
        %broadcast_in_dim3A = arith.constant 0 : i32
        %broadcast_in_dim3A_132 = vector.broadcast %broadcast_in_dim3A : i32 to vector<16xi32>
        %broadcast_in_dim3A_133 = arith.constant 0 : i32
        %broadcast_in_dim3A_134 = vector.broadcast %broadcast_in_dim3A_133 : i32 to vector<16xi32>
        %gather3A = tpu.vector_load_idx %arg6[%broadcast_in_dim3A_132, %broadcast_in_dim3A_134, %add3A_131] : memref<4x8x2048xf32, #tpu.memory_space<vmem>>[vector<16xi32>, vector<16xi32>, vector<16xi32>], vector<16xf32>,
        %mul3A_135 = arith.constant 128 : i32
        %mul3A_136 = arith.muli %scan3A_8, %mul3A_135 : i32
        %mul3A_137 = arith.constant 16 : i32
        %mul3A_138 = arith.muli %scan3A_115, %mul3A_137 : i32
        %add3A_139 = arith.addi %mul3A_136, %mul3A_138 : i32
        %swap3A = arith.constant 0 : i32
        %swap3A_140 = arith.constant 0 : i32
        %swap3A_141 = arith.index_cast %swap3A : i32 to index
        %swap3A_142 = arith.index_cast %swap3A_140 : i32 to index
        %swap3A_143 = arith.index_cast %add3A_139 : i32 to index
        %swap3A_144 = tpu.vector_load %arg7[%swap3A_141, %swap3A_142, %swap3A_143] {strides = array<i32>} : memref<4x8x512xf32, #tpu.memory_space<vmem>>, vector<16xf32>,
        tpu.vector_store %arg7[%swap3A_141, %swap3A_142, %swap3A_143], %gather3A {strides = array<i32>} : memref<4x8x512xf32, #tpu.memory_space<vmem>>, vector<16xf32>,
        %broadcast_in_dim3A_145 = arith.constant 1 : i32
        %broadcast_in_dim3A_146 = vector.broadcast %broadcast_in_dim3A_145 : i32 to vector<16xi32>
        %gather3A_147 = tpu.vector_load_idx %arg6[%broadcast_in_dim3A_132, %broadcast_in_dim3A_146, %add3A_131] : memref<4x8x2048xf32, #tpu.memory_space<vmem>>[vector<16xi32>, vector<16xi32>, vector<16xi32>], vector<16xf32>,
        %mul3A_148 = arith.constant 128 : i32
        %mul3A_149 = arith.muli %scan3A_8, %mul3A_148 : i32
        %mul3A_150 = arith.constant 16 : i32
        %mul3A_151 = arith.muli %scan3A_115, %mul3A_150 : i32
        %add3A_152 = arith.addi %mul3A_149, %mul3A_151 : i32
        %swap3A_153 = arith.constant 0 : i32
        %swap3A_154 = arith.constant 1 : i32
        %swap3A_155 = arith.index_cast %swap3A_153 : i32 to index
        %swap3A_156 = arith.index_cast %swap3A_154 : i32 to index
        %swap3A_157 = arith.index_cast %add3A_152 : i32 to index
        %swap3A_158 = tpu.vector_load %arg7[%swap3A_155, %swap3A_156, %swap3A_157] {strides = array<i32>} : memref<4x8x512xf32, #tpu.memory_space<vmem>>, vector<16xf32>,
        tpu.vector_store %arg7[%swap3A_155, %swap3A_156, %swap3A_157], %gather3A_147 {strides = array<i32>} : memref<4x8x512xf32, #tpu.memory_space<vmem>>, vector<16xf32>,
        %broadcast_in_dim3A_159 = arith.constant 2 : i32
        %broadcast_in_dim3A_160 = vector.broadcast %broadcast_in_dim3A_159 : i32 to vector<16xi32>
        %gather3A_161 = tpu.vector_load_idx %arg6[%broadcast_in_dim3A_132, %broadcast_in_dim3A_160, %add3A_131] : memref<4x8x2048xf32, #tpu.memory_space<vmem>>[vector<16xi32>, vector<16xi32>, vector<16xi32>], vector<16xf32>,
        %mul3A_162 = arith.constant 128 : i32
        %mul3A_163 = arith.muli %scan3A_8, %mul3A_162 : i32
        %mul3A_164 = arith.constant 16 : i32
        %mul3A_165 = arith.muli %scan3A_115, %mul3A_164 : i32
        %add3A_166 = arith.addi %mul3A_163, %mul3A_165 : i32
        %swap3A_167 = arith.constant 0 : i32
        %swap3A_168 = arith.constant 2 : i32
        %swap3A_169 = arith.index_cast %swap3A_167 : i32 to index
        %swap3A_170 = arith.index_cast %swap3A_168 : i32 to index
        %swap3A_171 = arith.index_cast %add3A_166 : i32 to index
        %swap3A_172 = tpu.vector_load %arg7[%swap3A_169, %swap3A_170, %swap3A_171] {strides = array<i32>} : memref<4x8x512xf32, #tpu.memory_space<vmem>>, vector<16xf32>,
        tpu.vector_store %arg7[%swap3A_169, %swap3A_170, %swap3A_171], %gather3A_161 {strides = array<i32>} : memref<4x8x512xf32, #tpu.memory_space<vmem>>, vector<16xf32>,
        %broadcast_in_dim3A_173 = arith.constant 3 : i32
        %broadcast_in_dim3A_174 = vector.broadcast %broadcast_in_dim3A_173 : i32 to vector<16xi32>
        %gather3A_175 = tpu.vector_load_idx %arg6[%broadcast_in_dim3A_132, %broadcast_in_dim3A_174, %add3A_131] : memref<4x8x2048xf32, #tpu.memory_space<vmem>>[vector<16xi32>, vector<16xi32>, vector<16xi32>], vector<16xf32>,
        %mul3A_176 = arith.constant 128 : i32
        %mul3A_177 = arith.muli %scan3A_8, %mul3A_176 : i32
        %mul3A_178 = arith.constant 16 : i32
        %mul3A_179 = arith.muli %scan3A_115, %mul3A_178 : i32
        %add3A_180 = arith.addi %mul3A_177, %mul3A_179 : i32
        %swap3A_181 = arith.constant 0 : i32
        %swap3A_182 = arith.constant 3 : i32
        %swap3A_183 = arith.index_cast %swap3A_181 : i32 to index
        %swap3A_184 = arith.index_cast %swap3A_182 : i32 to index
        %swap3A_185 = arith.index_cast %add3A_180 : i32 to index
        %swap3A_186 = tpu.vector_load %arg7[%swap3A_183, %swap3A_184, %swap3A_185] {strides = array<i32>} : memref<4x8x512xf32, #tpu.memory_space<vmem>>, vector<16xf32>,
        tpu.vector_store %arg7[%swap3A_183, %swap3A_184, %swap3A_185], %gather3A_175 {strides = array<i32>} : memref<4x8x512xf32, #tpu.memory_space<vmem>>, vector<16xf32>,
        %broadcast_in_dim3A_187 = arith.constant 4 : i32
        %broadcast_in_dim3A_188 = vector.broadcast %broadcast_in_dim3A_187 : i32 to vector<16xi32>
        %gather3A_189 = tpu.vector_load_idx %arg6[%broadcast_in_dim3A_132, %broadcast_in_dim3A_188, %add3A_131] : memref<4x8x2048xf32, #tpu.memory_space<vmem>>[vector<16xi32>, vector<16xi32>, vector<16xi32>], vector<16xf32>,
        %mul3A_190 = arith.constant 128 : i32
        %mul3A_191 = arith.muli %scan3A_8, %mul3A_190 : i32
        %mul3A_192 = arith.constant 16 : i32
        %mul3A_193 = arith.muli %scan3A_115, %mul3A_192 : i32
        %add3A_194 = arith.addi %mul3A_191, %mul3A_193 : i32
        %swap3A_195 = arith.constant 0 : i32
        %swap3A_196 = arith.constant 4 : i32
        %swap3A_197 = arith.index_cast %swap3A_195 : i32 to index
        %swap3A_198 = arith.index_cast %swap3A_196 : i32 to index
        %swap3A_199 = arith.index_cast %add3A_194 : i32 to index
        %swap3A_200 = tpu.vector_load %arg7[%swap3A_197, %swap3A_198, %swap3A_199] {strides = array<i32>} : memref<4x8x512xf32, #tpu.memory_space<vmem>>, vector<16xf32>,
        tpu.vector_store %arg7[%swap3A_197, %swap3A_198, %swap3A_199], %gather3A_189 {strides = array<i32>} : memref<4x8x512xf32, #tpu.memory_space<vmem>>, vector<16xf32>,
        %broadcast_in_dim3A_201 = arith.constant 5 : i32
        %broadcast_in_dim3A_202 = vector.broadcast %broadcast_in_dim3A_201 : i32 to vector<16xi32>
        %gather3A_203 = tpu.vector_load_idx %arg6[%broadcast_in_dim3A_132, %broadcast_in_dim3A_202, %add3A_131] : memref<4x8x2048xf32, #tpu.memory_space<vmem>>[vector<16xi32>, vector<16xi32>, vector<16xi32>], vector<16xf32>,
        %mul3A_204 = arith.constant 128 : i32
        %mul3A_205 = arith.muli %scan3A_8, %mul3A_204 : i32
        %mul3A_206 = arith.constant 16 : i32
        %mul3A_207 = arith.muli %scan3A_115, %mul3A_206 : i32
        %add3A_208 = arith.addi %mul3A_205, %mul3A_207 : i32
        %swap3A_209 = arith.constant 0 : i32
        %swap3A_210 = arith.constant 5 : i32
        %swap3A_211 = arith.index_cast %swap3A_209 : i32 to index
        %swap3A_212 = arith.index_cast %swap3A_210 : i32 to index
        %swap3A_213 = arith.index_cast %add3A_208 : i32 to index
        %swap3A_214 = tpu.vector_load %arg7[%swap3A_211, %swap3A_212, %swap3A_213] {strides = array<i32>} : memref<4x8x512xf32, #tpu.memory_space<vmem>>, vector<16xf32>,
        tpu.vector_store %arg7[%swap3A_211, %swap3A_212, %swap3A_213], %gather3A_203 {strides = array<i32>} : memref<4x8x512xf32, #tpu.memory_space<vmem>>, vector<16xf32>,
        %broadcast_in_dim3A_215 = arith.constant 6 : i32
        %broadcast_in_dim3A_216 = vector.broadcast %broadcast_in_dim3A_215 : i32 to vector<16xi32>
        %gather3A_217 = tpu.vector_load_idx %arg6[%broadcast_in_dim3A_132, %broadcast_in_dim3A_216, %add3A_131] : memref<4x8x2048xf32, #tpu.memory_space<vmem>>[vector<16xi32>, vector<16xi32>, vector<16xi32>], vector<16xf32>,
        %mul3A_218 = arith.constant 128 : i32
        %mul3A_219 = arith.muli %scan3A_8, %mul3A_218 : i32
        %mul3A_220 = arith.constant 16 : i32
        %mul3A_221 = arith.muli %scan3A_115, %mul3A_220 : i32
        %add3A_222 = arith.addi %mul3A_219, %mul3A_221 : i32
        %swap3A_223 = arith.constant 0 : i32
        %swap3A_224 = arith.constant 6 : i32
        %swap3A_225 = arith.index_cast %swap3A_223 : i32 to index
        %swap3A_226 = arith.index_cast %swap3A_224 : i32 to index
        %swap3A_227 = arith.index_cast %add3A_222 : i32 to index
        %swap3A_228 = tpu.vector_load %arg7[%swap3A_225, %swap3A_226, %swap3A_227] {strides = array<i32>} : memref<4x8x512xf32, #tpu.memory_space<vmem>>, vector<16xf32>,
        tpu.vector_store %arg7[%swap3A_225, %swap3A_226, %swap3A_227], %gather3A_217 {strides = array<i32>} : memref<4x8x512xf32, #tpu.memory_space<vmem>>, vector<16xf32>,
        %broadcast_in_dim3A_229 = arith.constant 7 : i32
        %broadcast_in_dim3A_230 = vector.broadcast %broadcast_in_dim3A_229 : i32 to vector<16xi32>
        %gather3A_231 = tpu.vector_load_idx %arg6[%broadcast_in_dim3A_132, %broadcast_in_dim3A_230, %add3A_131] : memref<4x8x2048xf32, #tpu.memory_space<vmem>>[vector<16xi32>, vector<16xi32>, vector<16xi32>], vector<16xf32>,
        %mul3A_232 = arith.constant 128 : i32
        %mul3A_233 = arith.muli %scan3A_8, %mul3A_232 : i32
        %mul3A_234 = arith.constant 16 : i32
        %mul3A_235 = arith.muli %scan3A_115, %mul3A_234 : i32
        %add3A_236 = arith.addi %mul3A_233, %mul3A_235 : i32
        %swap3A_237 = arith.constant 0 : i32
        %swap3A_238 = arith.constant 7 : i32
        %swap3A_239 = arith.index_cast %swap3A_237 : i32 to index
        %swap3A_240 = arith.index_cast %swap3A_238 : i32 to index
        %swap3A_241 = arith.index_cast %add3A_236 : i32 to index
        %swap3A_242 = tpu.vector_load %arg7[%swap3A_239, %swap3A_240, %swap3A_241] {strides = array<i32>} : memref<4x8x512xf32, #tpu.memory_space<vmem>>, vector<16xf32>,
        tpu.vector_store %arg7[%swap3A_239, %swap3A_240, %swap3A_241], %gather3A_231 {strides = array<i32>} : memref<4x8x512xf32, #tpu.memory_space<vmem>>, vector<16xf32>,
        %broadcast_in_dim3A_243 = arith.constant 1 : i32
        %broadcast_in_dim3A_244 = vector.broadcast %broadcast_in_dim3A_243 : i32 to vector<16xi32>
        %broadcast_in_dim3A_245 = arith.constant 0 : i32
        %broadcast_in_dim3A_246 = vector.broadcast %broadcast_in_dim3A_245 : i32 to vector<16xi32>
        %gather3A_247 = tpu.vector_load_idx %arg6[%broadcast_in_dim3A_244, %broadcast_in_dim3A_246, %add3A_131] : memref<4x8x2048xf32, #tpu.memory_space<vmem>>[vector<16xi32>, vector<16xi32>, vector<16xi32>], vector<16xf32>,
        %mul3A_248 = arith.constant 128 : i32
        %mul3A_249 = arith.muli %scan3A_8, %mul3A_248 : i32
        %mul3A_250 = arith.constant 16 : i32
        %mul3A_251 = arith.muli %scan3A_115, %mul3A_250 : i32
        %add3A_252 = arith.addi %mul3A_249, %mul3A_251 : i32
        %swap3A_253 = arith.constant 1 : i32
        %swap3A_254 = arith.constant 0 : i32
        %swap3A_255 = arith.index_cast %swap3A_253 : i32 to index
        %swap3A_256 = arith.index_cast %swap3A_254 : i32 to index
        %swap3A_257 = arith.index_cast %add3A_252 : i32 to index
        %swap3A_258 = tpu.vector_load %arg7[%swap3A_255, %swap3A_256, %swap3A_257] {strides = array<i32>} : memref<4x8x512xf32, #tpu.memory_space<vmem>>, vector<16xf32>,
        tpu.vector_store %arg7[%swap3A_255, %swap3A_256, %swap3A_257], %gather3A_247 {strides = array<i32>} : memref<4x8x512xf32, #tpu.memory_space<vmem>>, vector<16xf32>,
        %broadcast_in_dim3A_259 = arith.constant 1 : i32
        %broadcast_in_dim3A_260 = vector.broadcast %broadcast_in_dim3A_259 : i32 to vector<16xi32>
        %gather3A_261 = tpu.vector_load_idx %arg6[%broadcast_in_dim3A_244, %broadcast_in_dim3A_260, %add3A_131] : memref<4x8x2048xf32, #tpu.memory_space<vmem>>[vector<16xi32>, vector<16xi32>, vector<16xi32>], vector<16xf32>,
        %mul3A_262 = arith.constant 128 : i32
        %mul3A_263 = arith.muli %scan3A_8, %mul3A_262 : i32
        %mul3A_264 = arith.constant 16 : i32
        %mul3A_265 = arith.muli %scan3A_115, %mul3A_264 : i32
        %add3A_266 = arith.addi %mul3A_263, %mul3A_265 : i32
        %swap3A_267 = arith.constant 1 : i32
        %swap3A_268 = arith.constant 1 : i32
        %swap3A_269 = arith.index_cast %swap3A_267 : i32 to index
        %swap3A_270 = arith.index_cast %swap3A_268 : i32 to index
        %swap3A_271 = arith.index_cast %add3A_266 : i32 to index
        %swap3A_272 = tpu.vector_load %arg7[%swap3A_269, %swap3A_270, %swap3A_271] {strides = array<i32>} : memref<4x8x512xf32, #tpu.memory_space<vmem>>, vector<16xf32>,
        tpu.vector_store %arg7[%swap3A_269, %swap3A_270, %swap3A_271], %gather3A_261 {strides = array<i32>} : memref<4x8x512xf32, #tpu.memory_space<vmem>>, vector<16xf32>,
        %broadcast_in_dim3A_273 = arith.constant 2 : i32
        %broadcast_in_dim3A_274 = vector.broadcast %broadcast_in_dim3A_273 : i32 to vector<16xi32>
        %gather3A_275 = tpu.vector_load_idx %arg6[%broadcast_in_dim3A_244, %broadcast_in_dim3A_274, %add3A_131] : memref<4x8x2048xf32, #tpu.memory_space<vmem>>[vector<16xi32>, vector<16xi32>, vector<16xi32>], vector<16xf32>,
        %mul3A_276 = arith.constant 128 : i32
        %mul3A_277 = arith.muli %scan3A_8, %mul3A_276 : i32
        %mul3A_278 = arith.constant 16 : i32
        %mul3A_279 = arith.muli %scan3A_115, %mul3A_278 : i32
        %add3A_280 = arith.addi %mul3A_277, %mul3A_279 : i32
        %swap3A_281 = arith.constant 1 : i32
        %swap3A_282 = arith.constant 2 : i32
        %swap3A_283 = arith.index_cast %swap3A_281 : i32 to index
        %swap3A_284 = arith.index_cast %swap3A_282 : i32 to index
        %swap3A_285 = arith.index_cast %add3A_280 : i32 to index
        %swap3A_286 = tpu.vector_load %arg7[%swap3A_283, %swap3A_284, %swap3A_285] {strides = array<i32>} : memref<4x8x512xf32, #tpu.memory_space<vmem>>, vector<16xf32>,
        tpu.vector_store %arg7[%swap3A_283, %swap3A_284, %swap3A_285], %gather3A_275 {strides = array<i32>} : memref<4x8x512xf32, #tpu.memory_space<vmem>>, vector<16xf32>,
        %broadcast_in_dim3A_287 = arith.constant 3 : i32
        %broadcast_in_dim3A_288 = vector.broadcast %broadcast_in_dim3A_287 : i32 to vector<16xi32>
        %gather3A_289 = tpu.vector_load_idx %arg6[%broadcast_in_dim3A_244, %broadcast_in_dim3A_288, %add3A_131] : memref<4x8x2048xf32, #tpu.memory_space<vmem>>[vector<16xi32>, vector<16xi32>, vector<16xi32>], vector<16xf32>,
        %mul3A_290 = arith.constant 128 : i32
        %mul3A_291 = arith.muli %scan3A_8, %mul3A_290 : i32
        %mul3A_292 = arith.constant 16 : i32
        %mul3A_293 = arith.muli %scan3A_115, %mul3A_292 : i32
        %add3A_294 = arith.addi %mul3A_291, %mul3A_293 : i32
        %swap3A_295 = arith.constant 1 : i32
        %swap3A_296 = arith.constant 3 : i32
        %swap3A_297 = arith.index_cast %swap3A_295 : i32 to index
        %swap3A_298 = arith.index_cast %swap3A_296 : i32 to index
        %swap3A_299 = arith.index_cast %add3A_294 : i32 to index
        %swap3A_300 = tpu.vector_load %arg7[%swap3A_297, %swap3A_298, %swap3A_299] {strides = array<i32>} : memref<4x8x512xf32, #tpu.memory_space<vmem>>, vector<16xf32>,
        tpu.vector_store %arg7[%swap3A_297, %swap3A_298, %swap3A_299], %gather3A_289 {strides = array<i32>} : memref<4x8x512xf32, #tpu.memory_space<vmem>>, vector<16xf32>,
        %broadcast_in_dim3A_301 = arith.constant 4 : i32
        %broadcast_in_dim3A_302 = vector.broadcast %broadcast_in_dim3A_301 : i32 to vector<16xi32>
        %gather3A_303 = tpu.vector_load_idx %arg6[%broadcast_in_dim3A_244, %broadcast_in_dim3A_302, %add3A_131] : memref<4x8x2048xf32, #tpu.memory_space<vmem>>[vector<16xi32>, vector<16xi32>, vector<16xi32>], vector<16xf32>,
        %mul3A_304 = arith.constant 128 : i32
        %mul3A_305 = arith.muli %scan3A_8, %mul3A_304 : i32
        %mul3A_306 = arith.constant 16 : i32
        %mul3A_307 = arith.muli %scan3A_115, %mul3A_306 : i32
        %add3A_308 = arith.addi %mul3A_305, %mul3A_307 : i32
        %swap3A_309 = arith.constant 1 : i32
        %swap3A_310 = arith.constant 4 : i32
        %swap3A_311 = arith.index_cast %swap3A_309 : i32 to index
        %swap3A_312 = arith.index_cast %swap3A_310 : i32 to index
        %swap3A_313 = arith.index_cast %add3A_308 : i32 to index
        %swap3A_314 = tpu.vector_load %arg7[%swap3A_311, %swap3A_312, %swap3A_313] {strides = array<i32>} : memref<4x8x512xf32, #tpu.memory_space<vmem>>, vector<16xf32>,
        tpu.vector_store %arg7[%swap3A_311, %swap3A_312, %swap3A_313], %gather3A_303 {strides = array<i32>} : memref<4x8x512xf32, #tpu.memory_space<vmem>>, vector<16xf32>,
        %broadcast_in_dim3A_315 = arith.constant 5 : i32
        %broadcast_in_dim3A_316 = vector.broadcast %broadcast_in_dim3A_315 : i32 to vector<16xi32>
        %gather3A_317 = tpu.vector_load_idx %arg6[%broadcast_in_dim3A_244, %broadcast_in_dim3A_316, %add3A_131] : memref<4x8x2048xf32, #tpu.memory_space<vmem>>[vector<16xi32>, vector<16xi32>, vector<16xi32>], vector<16xf32>,
        %mul3A_318 = arith.constant 128 : i32
        %mul3A_319 = arith.muli %scan3A_8, %mul3A_318 : i32
        %mul3A_320 = arith.constant 16 : i32
        %mul3A_321 = arith.muli %scan3A_115, %mul3A_320 : i32
        %add3A_322 = arith.addi %mul3A_319, %mul3A_321 : i32
        %swap3A_323 = arith.constant 1 : i32
        %swap3A_324 = arith.constant 5 : i32
        %swap3A_325 = arith.index_cast %swap3A_323 : i32 to index
        %swap3A_326 = arith.index_cast %swap3A_324 : i32 to index
        %swap3A_327 = arith.index_cast %add3A_322 : i32 to index
        %swap3A_328 = tpu.vector_load %arg7[%swap3A_325, %swap3A_326, %swap3A_327] {strides = array<i32>} : memref<4x8x512xf32, #tpu.memory_space<vmem>>, vector<16xf32>,
        tpu.vector_store %arg7[%swap3A_325, %swap3A_326, %swap3A_327], %gather3A_317 {strides = array<i32>} : memref<4x8x512xf32, #tpu.memory_space<vmem>>, vector<16xf32>,
        %broadcast_in_dim3A_329 = arith.constant 6 : i32
        %broadcast_in_dim3A_330 = vector.broadcast %broadcast_in_dim3A_329 : i32 to vector<16xi32>
        %gather3A_331 = tpu.vector_load_idx %arg6[%broadcast_in_dim3A_244, %broadcast_in_dim3A_330, %add3A_131] : memref<4x8x2048xf32, #tpu.memory_space<vmem>>[vector<16xi32>, vector<16xi32>, vector<16xi32>], vector<16xf32>,
        %mul3A_332 = arith.constant 128 : i32
        %mul3A_333 = arith.muli %scan3A_8, %mul3A_332 : i32
        %mul3A_334 = arith.constant 16 : i32
        %mul3A_335 = arith.muli %scan3A_115, %mul3A_334 : i32
        %add3A_336 = arith.addi %mul3A_333, %mul3A_335 : i32
        %swap3A_337 = arith.constant 1 : i32
        %swap3A_338 = arith.constant 6 : i32
        %swap3A_339 = arith.index_cast %swap3A_337 : i32 to index
        %swap3A_340 = arith.index_cast %swap3A_338 : i32 to index
        %swap3A_341 = arith.index_cast %add3A_336 : i32 to index
        %swap3A_342 = tpu.vector_load %arg7[%swap3A_339, %swap3A_340, %swap3A_341] {strides = array<i32>} : memref<4x8x512xf32, #tpu.memory_space<vmem>>, vector<16xf32>,
        tpu.vector_store %arg7[%swap3A_339, %swap3A_340, %swap3A_341], %gather3A_331 {strides = array<i32>} : memref<4x8x512xf32, #tpu.memory_space<vmem>>, vector<16xf32>,
        %broadcast_in_dim3A_343 = arith.constant 7 : i32
        %broadcast_in_dim3A_344 = vector.broadcast %broadcast_in_dim3A_343 : i32 to vector<16xi32>
        %gather3A_345 = tpu.vector_load_idx %arg6[%broadcast_in_dim3A_244, %broadcast_in_dim3A_344, %add3A_131] : memref<4x8x2048xf32, #tpu.memory_space<vmem>>[vector<16xi32>, vector<16xi32>, vector<16xi32>], vector<16xf32>,
        %mul3A_346 = arith.constant 128 : i32
        %mul3A_347 = arith.muli %scan3A_8, %mul3A_346 : i32
        %mul3A_348 = arith.constant 16 : i32
        %mul3A_349 = arith.muli %scan3A_115, %mul3A_348 : i32
        %add3A_350 = arith.addi %mul3A_347, %mul3A_349 : i32
        %swap3A_351 = arith.constant 1 : i32
        %swap3A_352 = arith.constant 7 : i32
        %swap3A_353 = arith.index_cast %swap3A_351 : i32 to index
        %swap3A_354 = arith.index_cast %swap3A_352 : i32 to index
        %swap3A_355 = arith.index_cast %add3A_350 : i32 to index
        %swap3A_356 = tpu.vector_load %arg7[%swap3A_353, %swap3A_354, %swap3A_355] {strides = array<i32>} : memref<4x8x512xf32, #tpu.memory_space<vmem>>, vector<16xf32>,
        tpu.vector_store %arg7[%swap3A_353, %swap3A_354, %swap3A_355], %gather3A_345 {strides = array<i32>} : memref<4x8x512xf32, #tpu.memory_space<vmem>>, vector<16xf32>,
        %broadcast_in_dim3A_357 = arith.constant 2 : i32
        %broadcast_in_dim3A_358 = vector.broadcast %broadcast_in_dim3A_357 : i32 to vector<16xi32>
        %broadcast_in_dim3A_359 = arith.constant 0 : i32
        %broadcast_in_dim3A_360 = vector.broadcast %broadcast_in_dim3A_359 : i32 to vector<16xi32>
        %gather3A_361 = tpu.vector_load_idx %arg6[%broadcast_in_dim3A_358, %broadcast_in_dim3A_360, %add3A_131] : memref<4x8x2048xf32, #tpu.memory_space<vmem>>[vector<16xi32>, vector<16xi32>, vector<16xi32>], vector<16xf32>,
        %mul3A_362 = arith.constant 128 : i32
        %mul3A_363 = arith.muli %scan3A_8, %mul3A_362 : i32
        %mul3A_364 = arith.constant 16 : i32
        %mul3A_365 = arith.muli %scan3A_115, %mul3A_364 : i32
        %add3A_366 = arith.addi %mul3A_363, %mul3A_365 : i32
        %swap3A_367 = arith.constant 2 : i32
        %swap3A_368 = arith.constant 0 : i32
        %swap3A_369 = arith.index_cast %swap3A_367 : i32 to index
        %swap3A_370 = arith.index_cast %swap3A_368 : i32 to index
        %swap3A_371 = arith.index_cast %add3A_366 : i32 to index
        %swap3A_372 = tpu.vector_load %arg7[%swap3A_369, %swap3A_370, %swap3A_371] {strides = array<i32>} : memref<4x8x512xf32, #tpu.memory_space<vmem>>, vector<16xf32>,
        tpu.vector_store %arg7[%swap3A_369, %swap3A_370, %swap3A_371], %gather3A_361 {strides = array<i32>} : memref<4x8x512xf32, #tpu.memory_space<vmem>>, vector<16xf32>,
        %broadcast_in_dim3A_373 = arith.constant 1 : i32
        %broadcast_in_dim3A_374 = vector.broadcast %broadcast_in_dim3A_373 : i32 to vector<16xi32>
        %gather3A_375 = tpu.vector_load_idx %arg6[%broadcast_in_dim3A_358, %broadcast_in_dim3A_374, %add3A_131] : memref<4x8x2048xf32, #tpu.memory_space<vmem>>[vector<16xi32>, vector<16xi32>, vector<16xi32>], vector<16xf32>,
        %mul3A_376 = arith.constant 128 : i32
        %mul3A_377 = arith.muli %scan3A_8, %mul3A_376 : i32
        %mul3A_378 = arith.constant 16 : i32
        %mul3A_379 = arith.muli %scan3A_115, %mul3A_378 : i32
        %add3A_380 = arith.addi %mul3A_377, %mul3A_379 : i32
        %swap3A_381 = arith.constant 2 : i32
        %swap3A_382 = arith.constant 1 : i32
        %swap3A_383 = arith.index_cast %swap3A_381 : i32 to index
        %swap3A_384 = arith.index_cast %swap3A_382 : i32 to index
        %swap3A_385 = arith.index_cast %add3A_380 : i32 to index
        %swap3A_386 = tpu.vector_load %arg7[%swap3A_383, %swap3A_384, %swap3A_385] {strides = array<i32>} : memref<4x8x512xf32, #tpu.memory_space<vmem>>, vector<16xf32>,
        tpu.vector_store %arg7[%swap3A_383, %swap3A_384, %swap3A_385], %gather3A_375 {strides = array<i32>} : memref<4x8x512xf32, #tpu.memory_space<vmem>>, vector<16xf32>,
        %broadcast_in_dim3A_387 = arith.constant 2 : i32
        %broadcast_in_dim3A_388 = vector.broadcast %broadcast_in_dim3A_387 : i32 to vector<16xi32>
        %gather3A_389 = tpu.vector_load_idx %arg6[%broadcast_in_dim3A_358, %broadcast_in_dim3A_388, %add3A_131] : memref<4x8x2048xf32, #tpu.memory_space<vmem>>[vector<16xi32>, vector<16xi32>, vector<16xi32>], vector<16xf32>,
        %mul3A_390 = arith.constant 128 : i32
        %mul3A_391 = arith.muli %scan3A_8, %mul3A_390 : i32
        %mul3A_392 = arith.constant 16 : i32
        %mul3A_393 = arith.muli %scan3A_115, %mul3A_392 : i32
        %add3A_394 = arith.addi %mul3A_391, %mul3A_393 : i32
        %swap3A_395 = arith.constant 2 : i32
        %swap3A_396 = arith.constant 2 : i32
        %swap3A_397 = arith.index_cast %swap3A_395 : i32 to index
        %swap3A_398 = arith.index_cast %swap3A_396 : i32 to index
        %swap3A_399 = arith.index_cast %add3A_394 : i32 to index
        %swap3A_400 = tpu.vector_load %arg7[%swap3A_397, %swap3A_398, %swap3A_399] {strides = array<i32>} : memref<4x8x512xf32, #tpu.memory_space<vmem>>, vector<16xf32>,
        tpu.vector_store %arg7[%swap3A_397, %swap3A_398, %swap3A_399], %gather3A_389 {strides = array<i32>} : memref<4x8x512xf32, #tpu.memory_space<vmem>>, vector<16xf32>,
        %broadcast_in_dim3A_401 = arith.constant 3 : i32
        %broadcast_in_dim3A_402 = vector.broadcast %broadcast_in_dim3A_401 : i32 to vector<16xi32>
        %gather3A_403 = tpu.vector_load_idx %arg6[%broadcast_in_dim3A_358, %broadcast_in_dim3A_402, %add3A_131] : memref<4x8x2048xf32, #tpu.memory_space<vmem>>[vector<16xi32>, vector<16xi32>, vector<16xi32>], vector<16xf32>,
        %mul3A_404 = arith.constant 128 : i32
        %mul3A_405 = arith.muli %scan3A_8, %mul3A_404 : i32
        %mul3A_406 = arith.constant 16 : i32
        %mul3A_407 = arith.muli %scan3A_115, %mul3A_406 : i32
        %add3A_408 = arith.addi %mul3A_405, %mul3A_407 : i32
        %swap3A_409 = arith.constant 2 : i32
        %swap3A_410 = arith.constant 3 : i32
        %swap3A_411 = arith.index_cast %swap3A_409 : i32 to index
        %swap3A_412 = arith.index_cast %swap3A_410 : i32 to index
        %swap3A_413 = arith.index_cast %add3A_408 : i32 to index
        %swap3A_414 = tpu.vector_load %arg7[%swap3A_411, %swap3A_412, %swap3A_413] {strides = array<i32>} : memref<4x8x512xf32, #tpu.memory_space<vmem>>, vector<16xf32>,
        tpu.vector_store %arg7[%swap3A_411, %swap3A_412, %swap3A_413], %gather3A_403 {strides = array<i32>} : memref<4x8x512xf32, #tpu.memory_space<vmem>>, vector<16xf32>,
        %broadcast_in_dim3A_415 = arith.constant 4 : i32
        %broadcast_in_dim3A_416 = vector.broadcast %broadcast_in_dim3A_415 : i32 to vector<16xi32>
        %gather3A_417 = tpu.vector_load_idx %arg6[%broadcast_in_dim3A_358, %broadcast_in_dim3A_416, %add3A_131] : memref<4x8x2048xf32, #tpu.memory_space<vmem>>[vector<16xi32>, vector<16xi32>, vector<16xi32>], vector<16xf32>,
        %mul3A_418 = arith.constant 128 : i32
        %mul3A_419 = arith.muli %scan3A_8, %mul3A_418 : i32
        %mul3A_420 = arith.constant 16 : i32
        %mul3A_421 = arith.muli %scan3A_115, %mul3A_420 : i32
        %add3A_422 = arith.addi %mul3A_419, %mul3A_421 : i32
        %swap3A_423 = arith.constant 2 : i32
        %swap3A_424 = arith.constant 4 : i32
        %swap3A_425 = arith.index_cast %swap3A_423 : i32 to index
        %swap3A_426 = arith.index_cast %swap3A_424 : i32 to index
        %swap3A_427 = arith.index_cast %add3A_422 : i32 to index
        %swap3A_428 = tpu.vector_load %arg7[%swap3A_425, %swap3A_426, %swap3A_427] {strides = array<i32>} : memref<4x8x512xf32, #tpu.memory_space<vmem>>, vector<16xf32>,
        tpu.vector_store %arg7[%swap3A_425, %swap3A_426, %swap3A_427], %gather3A_417 {strides = array<i32>} : memref<4x8x512xf32, #tpu.memory_space<vmem>>, vector<16xf32>,
        %broadcast_in_dim3A_429 = arith.constant 5 : i32
        %broadcast_in_dim3A_430 = vector.broadcast %broadcast_in_dim3A_429 : i32 to vector<16xi32>
        %gather3A_431 = tpu.vector_load_idx %arg6[%broadcast_in_dim3A_358, %broadcast_in_dim3A_430, %add3A_131] : memref<4x8x2048xf32, #tpu.memory_space<vmem>>[vector<16xi32>, vector<16xi32>, vector<16xi32>], vector<16xf32>,
        %mul3A_432 = arith.constant 128 : i32
        %mul3A_433 = arith.muli %scan3A_8, %mul3A_432 : i32
        %mul3A_434 = arith.constant 16 : i32
        %mul3A_435 = arith.muli %scan3A_115, %mul3A_434 : i32
        %add3A_436 = arith.addi %mul3A_433, %mul3A_435 : i32
        %swap3A_437 = arith.constant 2 : i32
        %swap3A_438 = arith.constant 5 : i32
        %swap3A_439 = arith.index_cast %swap3A_437 : i32 to index
        %swap3A_440 = arith.index_cast %swap3A_438 : i32 to index
        %swap3A_441 = arith.index_cast %add3A_436 : i32 to index
        %swap3A_442 = tpu.vector_load %arg7[%swap3A_439, %swap3A_440, %swap3A_441] {strides = array<i32>} : memref<4x8x512xf32, #tpu.memory_space<vmem>>, vector<16xf32>,
        tpu.vector_store %arg7[%swap3A_439, %swap3A_440, %swap3A_441], %gather3A_431 {strides = array<i32>} : memref<4x8x512xf32, #tpu.memory_space<vmem>>, vector<16xf32>,
        %broadcast_in_dim3A_443 = arith.constant 6 : i32
        %broadcast_in_dim3A_444 = vector.broadcast %broadcast_in_dim3A_443 : i32 to vector<16xi32>
        %gather3A_445 = tpu.vector_load_idx %arg6[%broadcast_in_dim3A_358, %broadcast_in_dim3A_444, %add3A_131] : memref<4x8x2048xf32, #tpu.memory_space<vmem>>[vector<16xi32>, vector<16xi32>, vector<16xi32>], vector<16xf32>,
        %mul3A_446 = arith.constant 128 : i32
        %mul3A_447 = arith.muli %scan3A_8, %mul3A_446 : i32
        %mul3A_448 = arith.constant 16 : i32
        %mul3A_449 = arith.muli %scan3A_115, %mul3A_448 : i32
        %add3A_450 = arith.addi %mul3A_447, %mul3A_449 : i32
        %swap3A_451 = arith.constant 2 : i32
        %swap3A_452 = arith.constant 6 : i32
        %swap3A_453 = arith.index_cast %swap3A_451 : i32 to index
        %swap3A_454 = arith.index_cast %swap3A_452 : i32 to index
        %swap3A_455 = arith.index_cast %add3A_450 : i32 to index
        %swap3A_456 = tpu.vector_load %arg7[%swap3A_453, %swap3A_454, %swap3A_455] {strides = array<i32>} : memref<4x8x512xf32, #tpu.memory_space<vmem>>, vector<16xf32>,
        tpu.vector_store %arg7[%swap3A_453, %swap3A_454, %swap3A_455], %gather3A_445 {strides = array<i32>} : memref<4x8x512xf32, #tpu.memory_space<vmem>>, vector<16xf32>,
        %broadcast_in_dim3A_457 = arith.constant 7 : i32
        %broadcast_in_dim3A_458 = vector.broadcast %broadcast_in_dim3A_457 : i32 to vector<16xi32>
        %gather3A_459 = tpu.vector_load_idx %arg6[%broadcast_in_dim3A_358, %broadcast_in_dim3A_458, %add3A_131] : memref<4x8x2048xf32, #tpu.memory_space<vmem>>[vector<16xi32>, vector<16xi32>, vector<16xi32>], vector<16xf32>,
        %mul3A_460 = arith.constant 128 : i32
        %mul3A_461 = arith.muli %scan3A_8, %mul3A_460 : i32
        %mul3A_462 = arith.constant 16 : i32
        %mul3A_463 = arith.muli %scan3A_115, %mul3A_462 : i32
        %add3A_464 = arith.addi %mul3A_461, %mul3A_463 : i32
        %swap3A_465 = arith.constant 2 : i32
        %swap3A_466 = arith.constant 7 : i32
        %swap3A_467 = arith.index_cast %swap3A_465 : i32 to index
        %swap3A_468 = arith.index_cast %swap3A_466 : i32 to index
        %swap3A_469 = arith.index_cast %add3A_464 : i32 to index
        %swap3A_470 = tpu.vector_load %arg7[%swap3A_467, %swap3A_468, %swap3A_469] {strides = array<i32>} : memref<4x8x512xf32, #tpu.memory_space<vmem>>, vector<16xf32>,
        tpu.vector_store %arg7[%swap3A_467, %swap3A_468, %swap3A_469], %gather3A_459 {strides = array<i32>} : memref<4x8x512xf32, #tpu.memory_space<vmem>>, vector<16xf32>,
        %broadcast_in_dim3A_471 = arith.constant 3 : i32
        %broadcast_in_dim3A_472 = vector.broadcast %broadcast_in_dim3A_471 : i32 to vector<16xi32>
        %broadcast_in_dim3A_473 = arith.constant 0 : i32
        %broadcast_in_dim3A_474 = vector.broadcast %broadcast_in_dim3A_473 : i32 to vector<16xi32>
        %gather3A_475 = tpu.vector_load_idx %arg6[%broadcast_in_dim3A_472, %broadcast_in_dim3A_474, %add3A_131] : memref<4x8x2048xf32, #tpu.memory_space<vmem>>[vector<16xi32>, vector<16xi32>, vector<16xi32>], vector<16xf32>,
        %mul3A_476 = arith.constant 128 : i32
        %mul3A_477 = arith.muli %scan3A_8, %mul3A_476 : i32
        %mul3A_478 = arith.constant 16 : i32
        %mul3A_479 = arith.muli %scan3A_115, %mul3A_478 : i32
        %add3A_480 = arith.addi %mul3A_477, %mul3A_479 : i32
        %swap3A_481 = arith.constant 3 : i32
        %swap3A_482 = arith.constant 0 : i32
        %swap3A_483 = arith.index_cast %swap3A_481 : i32 to index
        %swap3A_484 = arith.index_cast %swap3A_482 : i32 to index
        %swap3A_485 = arith.index_cast %add3A_480 : i32 to index
        %swap3A_486 = tpu.vector_load %arg7[%swap3A_483, %swap3A_484, %swap3A_485] {strides = array<i32>} : memref<4x8x512xf32, #tpu.memory_space<vmem>>, vector<16xf32>,
        tpu.vector_store %arg7[%swap3A_483, %swap3A_484, %swap3A_485], %gather3A_475 {strides = array<i32>} : memref<4x8x512xf32, #tpu.memory_space<vmem>>, vector<16xf32>,
        %broadcast_in_dim3A_487 = arith.constant 1 : i32
        %broadcast_in_dim3A_488 = vector.broadcast %broadcast_in_dim3A_487 : i32 to vector<16xi32>
        %gather3A_489 = tpu.vector_load_idx %arg6[%broadcast_in_dim3A_472, %broadcast_in_dim3A_488, %add3A_131] : memref<4x8x2048xf32, #tpu.memory_space<vmem>>[vector<16xi32>, vector<16xi32>, vector<16xi32>], vector<16xf32>,
        %mul3A_490 = arith.constant 128 : i32
        %mul3A_491 = arith.muli %scan3A_8, %mul3A_490 : i32
        %mul3A_492 = arith.constant 16 : i32
        %mul3A_493 = arith.muli %scan3A_115, %mul3A_492 : i32
        %add3A_494 = arith.addi %mul3A_491, %mul3A_493 : i32
        %swap3A_495 = arith.constant 3 : i32
        %swap3A_496 = arith.constant 1 : i32
        %swap3A_497 = arith.index_cast %swap3A_495 : i32 to index
        %swap3A_498 = arith.index_cast %swap3A_496 : i32 to index
        %swap3A_499 = arith.index_cast %add3A_494 : i32 to index
        %swap3A_500 = tpu.vector_load %arg7[%swap3A_497, %swap3A_498, %swap3A_499] {strides = array<i32>} : memref<4x8x512xf32, #tpu.memory_space<vmem>>, vector<16xf32>,
        tpu.vector_store %arg7[%swap3A_497, %swap3A_498, %swap3A_499], %gather3A_489 {strides = array<i32>} : memref<4x8x512xf32, #tpu.memory_space<vmem>>, vector<16xf32>,
        %broadcast_in_dim3A_501 = arith.constant 2 : i32
        %broadcast_in_dim3A_502 = vector.broadcast %broadcast_in_dim3A_501 : i32 to vector<16xi32>
        %gather3A_503 = tpu.vector_load_idx %arg6[%broadcast_in_dim3A_472, %broadcast_in_dim3A_502, %add3A_131] : memref<4x8x2048xf32, #tpu.memory_space<vmem>>[vector<16xi32>, vector<16xi32>, vector<16xi32>], vector<16xf32>,
        %mul3A_504 = arith.constant 128 : i32
        %mul3A_505 = arith.muli %scan3A_8, %mul3A_504 : i32
        %mul3A_506 = arith.constant 16 : i32
        %mul3A_507 = arith.muli %scan3A_115, %mul3A_506 : i32
        %add3A_508 = arith.addi %mul3A_505, %mul3A_507 : i32
        %swap3A_509 = arith.constant 3 : i32
        %swap3A_510 = arith.constant 2 : i32
        %swap3A_511 = arith.index_cast %swap3A_509 : i32 to index
        %swap3A_512 = arith.index_cast %swap3A_510 : i32 to index
        %swap3A_513 = arith.index_cast %add3A_508 : i32 to index
        %swap3A_514 = tpu.vector_load %arg7[%swap3A_511, %swap3A_512, %swap3A_513] {strides = array<i32>} : memref<4x8x512xf32, #tpu.memory_space<vmem>>, vector<16xf32>,
        tpu.vector_store %arg7[%swap3A_511, %swap3A_512, %swap3A_513], %gather3A_503 {strides = array<i32>} : memref<4x8x512xf32, #tpu.memory_space<vmem>>, vector<16xf32>,
        %broadcast_in_dim3A_515 = arith.constant 3 : i32
        %broadcast_in_dim3A_516 = vector.broadcast %broadcast_in_dim3A_515 : i32 to vector<16xi32>
        %gather3A_517 = tpu.vector_load_idx %arg6[%broadcast_in_dim3A_472, %broadcast_in_dim3A_516, %add3A_131] : memref<4x8x2048xf32, #tpu.memory_space<vmem>>[vector<16xi32>, vector<16xi32>, vector<16xi32>], vector<16xf32>,
        %mul3A_518 = arith.constant 128 : i32
        %mul3A_519 = arith.muli %scan3A_8, %mul3A_518 : i32
        %mul3A_520 = arith.constant 16 : i32
        %mul3A_521 = arith.muli %scan3A_115, %mul3A_520 : i32
        %add3A_522 = arith.addi %mul3A_519, %mul3A_521 : i32
        %swap3A_523 = arith.constant 3 : i32
        %swap3A_524 = arith.constant 3 : i32
        %swap3A_525 = arith.index_cast %swap3A_523 : i32 to index
        %swap3A_526 = arith.index_cast %swap3A_524 : i32 to index
        %swap3A_527 = arith.index_cast %add3A_522 : i32 to index
        %swap3A_528 = tpu.vector_load %arg7[%swap3A_525, %swap3A_526, %swap3A_527] {strides = array<i32>} : memref<4x8x512xf32, #tpu.memory_space<vmem>>, vector<16xf32>,
        tpu.vector_store %arg7[%swap3A_525, %swap3A_526, %swap3A_527], %gather3A_517 {strides = array<i32>} : memref<4x8x512xf32, #tpu.memory_space<vmem>>, vector<16xf32>,
        %broadcast_in_dim3A_529 = arith.constant 4 : i32
        %broadcast_in_dim3A_530 = vector.broadcast %broadcast_in_dim3A_529 : i32 to vector<16xi32>
        %gather3A_531 = tpu.vector_load_idx %arg6[%broadcast_in_dim3A_472, %broadcast_in_dim3A_530, %add3A_131] : memref<4x8x2048xf32, #tpu.memory_space<vmem>>[vector<16xi32>, vector<16xi32>, vector<16xi32>], vector<16xf32>,
        %mul3A_532 = arith.constant 128 : i32
        %mul3A_533 = arith.muli %scan3A_8, %mul3A_532 : i32
        %mul3A_534 = arith.constant 16 : i32
        %mul3A_535 = arith.muli %scan3A_115, %mul3A_534 : i32
        %add3A_536 = arith.addi %mul3A_533, %mul3A_535 : i32
        %swap3A_537 = arith.constant 3 : i32
        %swap3A_538 = arith.constant 4 : i32
        %swap3A_539 = arith.index_cast %swap3A_537 : i32 to index
        %swap3A_540 = arith.index_cast %swap3A_538 : i32 to index
        %swap3A_541 = arith.index_cast %add3A_536 : i32 to index
        %swap3A_542 = tpu.vector_load %arg7[%swap3A_539, %swap3A_540, %swap3A_541] {strides = array<i32>} : memref<4x8x512xf32, #tpu.memory_space<vmem>>, vector<16xf32>,
        tpu.vector_store %arg7[%swap3A_539, %swap3A_540, %swap3A_541], %gather3A_531 {strides = array<i32>} : memref<4x8x512xf32, #tpu.memory_space<vmem>>, vector<16xf32>,
        %broadcast_in_dim3A_543 = arith.constant 5 : i32
        %broadcast_in_dim3A_544 = vector.broadcast %broadcast_in_dim3A_543 : i32 to vector<16xi32>
        %gather3A_545 = tpu.vector_load_idx %arg6[%broadcast_in_dim3A_472, %broadcast_in_dim3A_544, %add3A_131] : memref<4x8x2048xf32, #tpu.memory_space<vmem>>[vector<16xi32>, vector<16xi32>, vector<16xi32>], vector<16xf32>,
        %mul3A_546 = arith.constant 128 : i32
        %mul3A_547 = arith.muli %scan3A_8, %mul3A_546 : i32
        %mul3A_548 = arith.constant 16 : i32
        %mul3A_549 = arith.muli %scan3A_115, %mul3A_548 : i32
        %add3A_550 = arith.addi %mul3A_547, %mul3A_549 : i32
        %swap3A_551 = arith.constant 3 : i32
        %swap3A_552 = arith.constant 5 : i32
        %swap3A_553 = arith.index_cast %swap3A_551 : i32 to index
        %swap3A_554 = arith.index_cast %swap3A_552 : i32 to index
        %swap3A_555 = arith.index_cast %add3A_550 : i32 to index
        %swap3A_556 = tpu.vector_load %arg7[%swap3A_553, %swap3A_554, %swap3A_555] {strides = array<i32>} : memref<4x8x512xf32, #tpu.memory_space<vmem>>, vector<16xf32>,
        tpu.vector_store %arg7[%swap3A_553, %swap3A_554, %swap3A_555], %gather3A_545 {strides = array<i32>} : memref<4x8x512xf32, #tpu.memory_space<vmem>>, vector<16xf32>,
        %broadcast_in_dim3A_557 = arith.constant 6 : i32
        %broadcast_in_dim3A_558 = vector.broadcast %broadcast_in_dim3A_557 : i32 to vector<16xi32>
        %gather3A_559 = tpu.vector_load_idx %arg6[%broadcast_in_dim3A_472, %broadcast_in_dim3A_558, %add3A_131] : memref<4x8x2048xf32, #tpu.memory_space<vmem>>[vector<16xi32>, vector<16xi32>, vector<16xi32>], vector<16xf32>,
        %mul3A_560 = arith.constant 128 : i32
        %mul3A_561 = arith.muli %scan3A_8, %mul3A_560 : i32
        %mul3A_562 = arith.constant 16 : i32
        %mul3A_563 = arith.muli %scan3A_115, %mul3A_562 : i32
        %add3A_564 = arith.addi %mul3A_561, %mul3A_563 : i32
        %swap3A_565 = arith.constant 3 : i32
        %swap3A_566 = arith.constant 6 : i32
        %swap3A_567 = arith.index_cast %swap3A_565 : i32 to index
        %swap3A_568 = arith.index_cast %swap3A_566 : i32 to index
        %swap3A_569 = arith.index_cast %add3A_564 : i32 to index
        %swap3A_570 = tpu.vector_load %arg7[%swap3A_567, %swap3A_568, %swap3A_569] {strides = array<i32>} : memref<4x8x512xf32, #tpu.memory_space<vmem>>, vector<16xf32>,
        tpu.vector_store %arg7[%swap3A_567, %swap3A_568, %swap3A_569], %gather3A_559 {strides = array<i32>} : memref<4x8x512xf32, #tpu.memory_space<vmem>>, vector<16xf32>,
        %broadcast_in_dim3A_571 = arith.constant 7 : i32
        %broadcast_in_dim3A_572 = vector.broadcast %broadcast_in_dim3A_571 : i32 to vector<16xi32>
        %gather3A_573 = tpu.vector_load_idx %arg6[%broadcast_in_dim3A_472, %broadcast_in_dim3A_572, %add3A_131] : memref<4x8x2048xf32, #tpu.memory_space<vmem>>[vector<16xi32>, vector<16xi32>, vector<16xi32>], vector<16xf32>,
        %mul3A_574 = arith.constant 128 : i32
        %mul3A_575 = arith.muli %scan3A_8, %mul3A_574 : i32
        %mul3A_576 = arith.constant 16 : i32
        %mul3A_577 = arith.muli %scan3A_115, %mul3A_576 : i32
        %add3A_578 = arith.addi %mul3A_575, %mul3A_577 : i32
        %swap3A_579 = arith.constant 3 : i32
        %swap3A_580 = arith.constant 7 : i32
        %swap3A_581 = arith.index_cast %swap3A_579 : i32 to index
        %swap3A_582 = arith.index_cast %swap3A_580 : i32 to index
        %swap3A_583 = arith.index_cast %add3A_578 : i32 to index
        %swap3A_584 = tpu.vector_load %arg7[%swap3A_581, %swap3A_582, %swap3A_583] {strides = array<i32>} : memref<4x8x512xf32, #tpu.memory_space<vmem>>, vector<16xf32>,
        tpu.vector_store %arg7[%swap3A_581, %swap3A_582, %swap3A_583], %gather3A_573 {strides = array<i32>} : memref<4x8x512xf32, #tpu.memory_space<vmem>>, vector<16xf32>,
      }
      %scan3A_114 = arith.constant 8 : i32
    }
    %scan3A_7 = arith.constant 4 : i32
    "tpu.region"() ({
      %run_scoped3A = tpu.sem_alloc : memref<!tpu.dma_semaphore, #tpu.memory_space<semaphore_mem>>
      %dma_start3A = arith.constant 0 : i32
      %dma_start3A_8 = arith.constant 0 : i32
      %dma_start3A_9 = tpu.memref_slice %arg4[%dma_start3A, %dma_start3A_8, %mul3A_2] : memref<4x8x16384xf32, #tpu.memory_space<hbm>> -> memref<4x8x512xf32, #tpu.memory_space<hbm>>
      %dma_start3A_10 = arith.constant 0 : i32
      %dma_start3A_11 = arith.constant 0 : i32
      %dma_start3A_12 = tpu.memref_slice %arg4[%dma_start3A_10, %dma_start3A_11, %mul3A_2] : memref<4x8x16384xf32, #tpu.memory_space<hbm>> -> memref<4x8x512xf32, #tpu.memory_space<hbm>>
      tpu.enqueue_dma source(%arg7 : memref<4x8x512xf32, #tpu.memory_space<vmem>>) target(%dma_start3A_12 : memref<4x8x512xf32, #tpu.memory_space<hbm>>) target_semaphore(%run_scoped3A : memref<!tpu.dma_semaphore, #tpu.memory_space<semaphore_mem>>)
      %dma_wait3A = arith.constant 0 : i32
      %dma_wait3A_13 = arith.constant 0 : i32
      %dma_wait3A_14 = tpu.memref_slice %arg4[%dma_wait3A, %dma_wait3A_13, %mul3A_2] : memref<4x8x16384xf32, #tpu.memory_space<hbm>> -> memref<4x8x512xf32, #tpu.memory_space<hbm>>
      %dma_wait3A_15 = arith.constant 0 : i32
      %dma_wait3A_16 = arith.constant 0 : i32
      %dma_wait3A_17 = tpu.memref_slice %arg4[%dma_wait3A_15, %dma_wait3A_16, %mul3A_2] : memref<4x8x16384xf32, #tpu.memory_space<hbm>> -> memref<4x8x512xf32, #tpu.memory_space<hbm>>
      tpu.wait_dma2 semaphore(%run_scoped3A : memref<!tpu.dma_semaphore, #tpu.memory_space<semaphore_mem>>) src(%arg7 : memref<4x8x512xf32, #tpu.memory_space<vmem>>) dst(%dma_wait3A_17 : memref<4x8x512xf32, #tpu.memory_space<hbm>>)
      tpu.yield
    }) : () -> ()
    return
  }
}

</mosaic_0001>

<sc_bundles>
// kernel: kernel.3.cloned.1.call-start
scs
__scs_entry_jumppad:
0x0: {  	(pc) =	sbr.rel $0x88, $3  }
0x1: {  	(tag) =	ssettag $0x0;
	lr =	simm.s32 $0x1  }
0x2: {  	[smem:$0x3F9F] =	sst lr;
	_ =	strace $0xD0000000  }
0x3: {  	_ = 	snop  }
0x4: {  	_ = 	snop  }
0x5: {  	_ = 	snop  }
0x6: {  	_ = 	snop  }
0x7: {  	_ = 	snop  }
__scs_overlays_trampoline_lowered:
0x8: {  	[smem:$0x3FAE] =	sst s0  }
0x9: {  	[smem:$0x3FAF] =	sst s1  }
0xa: {  	[smem:$0x3FB0] =	sst s2  }
0xb: {  	[smem:$0x3FB1] =	sst s3  }
0xc: {  	[smem:$0x3FB2] =	sst s4  }
0xd: {  	[smem:$0x3FB3] =	sst s5  }
0xe: {  	[smem:$0x3FB4] =	sst s6  }
0xf: {  	[smem:$0x3FB5] =	sst s7  }
0x10: {  	[smem:$0x3FB6] =	sst s8  }
0x11: {  	[smem:$0x3FB7] =	sst s9;
	s0 =	simm.s32 @!p0 $0x0  }
0x12: {  	s1 =	sld [smem:$0x3F9D];
	s0 =	simm.s32 @p0 $0x1  }
0x13: {  	[smem:$0x3FB8] =	sst s0;
	s0 =	simm.s32 @!p1 $0x0  }
0x14: {  	s2 =	sld [smem:$0x3F9C];
	s0 =	simm.s32 @p1 $0x1  }
0x15: {  	[smem:$0x3FB9] =	sst s0;
	s0 =	simm.s32 @!p2 $0x0  }
0x16: {  	s3 =	sld [smem:$0x3FDB];
	s0 =	simm.s32 @p2 $0x1  }
0x17: {  	s4 =	simm.s32 $0x1BF5;
	[smem:$0x3FBB] =	sst s0  }
0x18: {  	s0 =	sld [smem:$0x3F9E];
	_ =	swait.ge [sflag:s4], $0x0  }
0x19: {  	s7 =	sld [smem:$0x3F9F]  }
0x1a: {  	s8 =	sadd.s32 $0xFFFFE003, lr  }
0x1b: {  	s9 =	sadd.s32 $0xFFFFFEF7, lr;
	s5 =	simm.s32 $0xFFFFFFFF;
	p2 =	slt.u32 s8, $0xFFFFF086  }
0x1c: {  	p1 =	slt.u32 s9, $0xF7A;
	s5 =	simm.s32 @!p2 $0x0  }
0x1d: {  	s5 =	simm.s32 @p1 $0x1;
	p0 =	seq.s32 s7, s2  }
0x1e: {  	s7 =	smul.u32 @!p0 $0xF7A, s2;
	p2 =	seq.s32 @!p0 s5, $0x0  }
0x1f: {  	s9 =	smul.u32 $0xF7A, s1;
	s8 =	simm.s32 @!p0 $0x1BF5;
	p2 =	por !p2, p0  }
0x20: {  	[sflag:s8] =	ssyncset.s32 @!p0 $0xFFFFF086;
	s6 =	sadd.s32 @!p0 s3, s7;
	s7 =	simm.s32 @!p0 $0x108  }
0x21: {  	s3 =	sadd.s32 s3, s9;
	s6 =	sadd.s32 @!p0 $0x88, s6;
	s7 =	simm.s32 @p2 $0x1082  }
0x22: {  	[simem:s7], [sflag:s8] =	dma.local @!p0 [hbm:s6], $0xF7A  }
0x23: {  	s9 =	sor.u32 $0xD0000000, s2;
	s6 =	simm.s32 $0x108;
	_ =	swait.ge @!p0 [sflag:s8], $0x0  }
0x24: {  	s3 =	sadd.s32 $0x88, s3;
	s6 =	simm.s32 @!p1 $0x1082;
	[sflag:s4] =	ssyncset.s32 $0xFFFFF086  }
0x25: {  	[simem:s6], [sflag:s4] =	dma.local [hbm:s3], $0xF7A  }
0x26: {  	[smem:$0x3F9F] =	sst s1;
	(tag) =	ssettag s2;
	_ =	strace s9  }
0x27: {  	s1 =	sld [smem:$0x3FAF]  }
0x28: {  	s2 =	sld [smem:$0x3FB0]  }
0x29: {  	s4 =	sld [smem:$0x3FB2]  }
0x2a: {  	p0 =	seq.s32 s5, $0x0;
	s5 =	sld [smem:$0x3FB3]  }
0x2b: {  	s6 =	sld [smem:$0x3FB4]  }
0x2c: {  	s7 =	sld [smem:$0x3FB5]  }
0x2d: {  	s3 =	simm.s32 $0x108;
	s8 =	sld [smem:$0x3FB6]  }
0x2e: {  	s3 =	simm.s32 @!p0 $0x1082;
	s9 =	sld [smem:$0x3FB7]  }
0x2f: {  	lr =	sadd.s32 s0, s3;
	s0 =	sld [smem:$0x3FAE]  }
0x30: {  	s3 =	sld [smem:$0x3FB1]  }
0x31: {  	[smem:$0x3FBA] =	sst s10  }
0x32: {  	s10 =	sld [smem:$0x3FB8];
	_ =	sdelay $0x3  }
0x33: {  	p0 =	seq.s32 s10, $0x1;
	s10 =	sld [smem:$0x3FBA];
	_ =	sdelay $0x3  }
0x34: {  	[smem:$0x3FBA] =	sst s10  }
0x35: {  	s10 =	sld [smem:$0x3FB9];
	_ =	sdelay $0x3  }
0x36: {  	p1 =	seq.s32 s10, $0x1;
	s10 =	sld [smem:$0x3FBA];
	_ =	sdelay $0x3  }
0x37: {  	[smem:$0x3FBA] =	sst s10  }
0x38: {  	s10 =	sld [smem:$0x3FBB]  }
0x39: {  	_ = 	snop;
	(pc) =	sbr.ind lr, $3  }
0x3a: {  	_ = 	snop  }
0x3b: {  	_ = 	snop  }
0x3c: {  	p2 =	seq.s32 s10, $0x1;
	s10 =	sld [smem:$0x3FBA]  }
0x3d: {  	_ =	shalt  }
0x3e: {  	_ =	shalt  }
0x3f: {  	_ =	shalt  }
0x40: {  	_ =	shalt  }
0x41: {  	_ =	shalt  }
0x42: {  	_ =	shalt  }
0x43: {  	_ =	shalt  }
0x44: {  	_ =	shalt  }
0x45: {  	_ =	shalt  }
0x46: {  	_ =	shalt  }
0x47: {  	_ =	shalt  }
0x48: {  	_ =	shalt  }
0x49: {  	_ =	shalt  }
0x4a: {  	_ =	shalt  }
0x4b: {  	_ =	shalt  }
0x4c: {  	_ =	shalt  }
0x4d: {  	_ =	shalt  }
0x4e: {  	_ =	shalt  }
0x4f: {  	_ =	shalt  }
0x50: {  	_ =	shalt  }
0x51: {  	_ =	shalt  }
0x52: {  	_ =	shalt  }
0x53: {  	_ =	shalt  }
0x54: {  	_ =	shalt  }
0x55: {  	_ =	shalt  }
0x56: {  	_ =	shalt  }
0x57: {  	_ =	shalt  }
0x58: {  	_ =	shalt  }
0x59: {  	_ =	shalt  }
0x5a: {  	_ =	shalt  }
0x5b: {  	_ =	shalt  }
0x5c: {  	_ =	shalt  }
0x5d: {  	_ =	shalt  }
0x5e: {  	_ =	shalt  }
0x5f: {  	_ =	shalt  }
0x60: {  	_ =	shalt  }
0x61: {  	_ =	shalt  }
0x62: {  	_ =	shalt  }
0x63: {  	_ =	shalt  }
0x64: {  	_ =	shalt  }
0x65: {  	_ =	shalt  }
0x66: {  	_ =	shalt  }
0x67: {  	_ =	shalt  }
0x68: {  	_ =	shalt  }
0x69: {  	_ =	shalt  }
0x6a: {  	_ =	shalt  }
0x6b: {  	_ =	shalt  }
0x6c: {  	_ =	shalt  }
0x6d: {  	_ =	shalt  }
0x6e: {  	_ =	shalt  }
0x6f: {  	_ =	shalt  }
0x70: {  	_ =	shalt  }
0x71: {  	_ =	shalt  }
0x72: {  	_ =	shalt  }
0x73: {  	_ =	shalt  }
0x74: {  	_ =	shalt  }
0x75: {  	_ =	shalt  }
0x76: {  	_ =	shalt  }
0x77: {  	_ =	shalt  }
0x78: {  	_ =	shalt  }
0x79: {  	_ =	shalt  }
0x7a: {  	_ =	shalt  }
0x7b: {  	_ =	shalt  }
0x7c: {  	_ =	shalt  }
0x7d: {  	_ =	shalt  }
0x7e: {  	_ =	shalt  }
0x7f: {  	_ =	shalt  }
0x80: {  	_ =	shalt  }
0x81: {  	_ =	shalt  }
0x82: {  	_ =	shalt  }
0x83: {  	_ =	shalt  }
0x84: {  	_ =	shalt  }
0x85: {  	_ =	shalt  }
0x86: {  	_ =	shalt  }
0x87: {  	_ =	shalt  }
.Lfunc_end0:
.L_simem_size_0:
called_computation_lowered:
.L_overlay_start_0:
0x88: {  	s2 =	sld [smem:$0x3FD9]  }
0x89: {  	s3 =	sld [smem:$0x3FFE];
	_ =	sdelay $0x1  }
0x8a: {  	s1 =	srdreg.scid  }
0x8b: {  	s0 =	sand.u32 $0x1, s1  }
0x8c: {  	s18 =	sshll.u32 s0, $0xA;
	s2 =	sadd.s32 s3, s2  }
0x8d: {  	s2 =	sadd.s32 s2, s18  }
0x8e: {  	[smem:$0x3FC6] =	sst s2  }
0x8f: {  	_ = 	snop  }
0x90: {  	s2 =	sld [smem:$0x3FC9]  }
0x91: {  	s19 =	sld [smem:$0x3FC8]  }
0x92: {  	s4 =	sld [smem:$0x3FD0];
	(tm) =	ssettm $0x1  }
0x93: {  	s5 =	sld [smem:$0x3FFB];
	_ =	sdelay $0x3  }
0x94: {  	_ =	strace s5  }
0x95: {  	s5 =	sld [smem:$0x3FFC];
	_ =	sdelay $0x3  }
0x96: {  	_ =	strace s5  }
0x97: {  	s5 =	sld [smem:$0x3FFD];
	_ =	sdelay $0x3  }
0x98: {  	_ =	strace s5  }
0x99: {  	_ =	strace $0x8FFFFFFF  }
0x9a: {  	s20 =	sld [smem:$0x3FDB];
	_ =	sdelay $0x1  }
0x9b: {  	s6 =	simm.s32 $_scs_section_size  }
0x9c: {  	s7 =	simm.s32 $_size__tile_overlayer_lowered;
	s8 =	simm.s32 $_tile_overlayer_lowered  }
0x9d: {  	s23 =	simm.s32 $0x1BFF;
	s22 =	sshll.u32 s8, $0x1;
	s5 =	sadd.s32 s6, s20  }
0x9e: {  	s9 =	simm.s32 $0x0;
	s21 =	sshll.u32 s7, $0x1;
	s7 =	sadd.s32 s22, s5  }
0x9f: {  	[timem:s9], [sflag:s23] =	dma.local [hbm:s7], s21  }
0xa0: {  	_ =	swait.ge [sflag:s23], s21  }
0xa1: {  	s6 =	ssub.s32 $0x0, s21;
	[sflag:s23] =	ssyncset.done $0x0  }
0xa2: {  	[sflag:s23] =	ssyncadd.s32 s6;
	_ =	sdelay $0x1  }
0xa3: {  	s24 =	simm.s32 $0x1B8B  }
0xa4: {  	_ =	swait.ge [sflag:s24], $0x1  }
0xa5: {  	[sflag:s24] =	ssyncset.done $0x0  }
0xa6: {  	s25 =	simm.s32 $0x1B8E;
	[sflag:s24] =	ssyncadd.s32 $0xFFFFFFFF  }
0xa7: {  	s26 =	simm.s32 $execute0_lowered;
	[smem:$0x3FD2] =	sst s25  }
0xa8: {  	s6 =	sshll.u32 s26, $0x1;
	_ =	strace $0x80000046;
	[dreg:$0x1] =	wrdreg $0xFFFFFFFF  }
0xa9: {  	s28 =	simm.s32 $_size_execute0_lowered;
	s5 =	sadd.s32 s5, s6;
	[dreg:$0x0] =	wrdreg $0x0  }
0xaa: {  	s6 =	sshll.u32 s28, $0x1;
	[dreg:$0x2] =	wrdreg s5  }
0xab: {  	[dreg:$0x3] =	wrdreg s6  }
0xac: {  	[dreg:$0x4] =	wrdreg $0xC0  }
0xad: {  	_ =	task [dreg:s9], $0x5FFFF  }
0xae: {  	[dreg:$0x1] =	wrdreg $0xFFFFFFFF  }
0xaf: {  	[dreg:$0x0] =	wrdreg $0x60  }
0xb0: {  	[dreg:$0x2] =	wrdreg s2  }
0xb1: {  	[dreg:$0x3] =	wrdreg s19  }
0xb2: {  	[dreg:$0x4] =	wrdreg s4  }
0xb3: {  	[dreg:$0x5] =	wrdreg $0x9  }
0xb4: {  	_ =	task.clear_ibuf [dreg:s9], $0x6FFFF;
	_ =	strace $0x90000046  }
0xb5: {  	s29 =	simm.s32 $0x9;
	_ =	strace $0x80000048  }
0xb6: {  	_ =	swait.ge [sflag:s29], $0x1  }
0xb7: {  	[sflag:s29] =	ssyncadd.s32 $0xFFFFFFFF  }
0xb8: {  	_ =	strace $0x90000048  }
0xb9: {  	_ =	sfence  }
0xba: {  	s30 =	sld [smem:$0x0];
	_ =	sdelay $0x2  }
0xbb: {  	s31 =	sshll.u32 s1, $0xD;
	s1 =	sshrl.u32 s1, $0x2  }
0xbc: {  	s3 =	sand.u32 $0x4000, s31;
	s1 =	sadd.s32 s1, s30  }
0xbd: {  	s0 =	sor.u32 s3, s0;
	s1 =	sshll.u32 s1, $0x11  }
0xbe: {  	s0 =	sor.u32 s1, s0  }
0xbf: {  	s0 =	sadd.s32 $0x8F2B, s0  }
0xc0: {  	[sflag:s0] =	ssyncadd.remote.s32 $0x1  }
0xc1: {  	_ =	sfence.sel $0xFFFF  }
0xc2: {  	[dreg:$0x0] =	wrdreg $0xFFFFFFFF;
	(pc) =	sbr.abs _section_cstart, $3  }
0xc3: {  	[dreg:$0x1] =	wrdreg $0xFFFFFFFF  }
0xc4: {  	_ =	task.clear_ibuf [dreg:s9], $0x2FFFF;
	_ =	strace $0x9FFFFFFF  }
0xc5: {  	(tm) =	ssettm $0x7FFFFFFF  }
tec
execute0_lowered:
.L_overlay_start_1:
0x0: {  	(tag) =	ssettag $0x1  }
0x1: {  	s0 =	rddreg [dreg:$0x0]  }
0x2: {  	s2 =	rddreg [dreg:$0x1];
	s3 =	srdreg.scid  }
0x3: {  	s5 =	rddreg [dreg:$0x2];
	s1 =	stileid.u32  }
0x4: {  	s9 =	simm.s32 $0x200;
	s13 =	simm.s32 $0x0;
	s4 =	sand.u32 $0x1, s3  }
0x5: {  	s6 =	sshll.u32 s1, $0xA;
	s3 =	simm.s32 $0x0;
	s7 =	sshll.u32 s4, $0x9  }
0x6: {  	s4 =	ssub.s32 $0x2, s4;
	[smem:$0x7FF] =	sst s3;
	s6 =	sor.u32 s7, s6  }
0x7: {  	v0 =	vlaneseq.u32;
	s31 =	sshrl.u32 s4, $0x1;
	_ =	strace $0x80000047;
	s8 =	sshrl.u32 s6, $0x3  }
0x8: {  	v2 =	vimm.s32 $0x0;
	v3 =	vand.u32 $0x7, v0;
	s7 =	ssub.s32 s4, s31;
	s5 =	sadd.s32 s5, s6;
	s4 =	sadd.s32 s0, s8  }
0x9: {  	v1 =	vmul.u32 $0x100000, v0;
	v4 =	vmul.u32 $0x80, v0;
	v3 =	vmul.u32 $0x10, v3;
	s6 =	smax.u32 s7, $0x1;
	s7 =	simm.s32 $0x2;
	s8 =	simm.s32 $0x1  }
.LBB2_1:
0xa: {  	[tilespmem:s3], [sflag:$0x2] =	stream.linear.gather [hbm4b:s4+s3], $0x200, $0x38;
	[tilespmem:$0x14A00] =	vst v63  }
0xb: {  	_ =	swait.ge [sflag:s7], $0x200  }
0xc: {  	s14 =	simm.s32 $0x12200;
	[sflag:s7] =	ssyncset.done $0x0  }
0xd: {  	s15 =	simm.s32 $0x0;
	s16 =	simm.s32 $0x0;
	[sflag:s7] =	ssyncadd.s32 $0xFFFFFE00  }
.LBB2_2:
0xe: {  	v5 =	vld [tilespmem:s15+$0x0];
	_ =	sdelay $0x4  }
0xf: {  	v6 =	vshrl.u32 v5, $0x4  }
0x10: {  	v6 =	vand.u32 $0x7, v6  }
0x11: {  	vm0 =	veq.s32 v6, $0x0  }
0x12: {  	v7 =	vsel vm0, $0x1, v2  }
0x13: {  	(xrf0) =	vadd.scan.msk.s32 $0xffff, v7;
	_ =	sdelay $0x4  }
0x14: {  	s17 =	simm.s32 $0x0  }
0x15: {  	v8 =	vmov s17;
	vm1 =	veq.s32 v6, $0x1;
	vm2 =	veq.s32 v6, $0x3;
	v7, _, _ =	vpop (xrf0)  }
0x16: {  	(v2sf) =	vpush v7, $0xF;
	v7 =	vshll.u32 v8, $0x14;
	v8 =	vsel vm1, $0x1, v2  }
0x17: {  	v9 =	vsel vm2, $0x1, v2;
	(xrf0) =	vadd.scan.msk.s32 $0xffff, v8  }
0x18: {  	vm3 =	veq.s32 v6, $0x6;
	vm4 =	veq.s32 v6, $0x7;
	v7 =	vor.u32 v1, v7;
	(xrf0) =	vadd.scan.msk.s32 $0xffff, v9  }
0x19: {  	vm13 =	veq.s32 v6, $0x2;
	v5 =	vor.u32 v7, v5;
	v7 =	vsel vm3, $0x1, v2  }
0x1a: {  	vm14 =	veq.s32 v6, $0x4;
	v8 =	vsel vm4, $0x1, v2;
	(xrf0) =	vadd.scan.msk.s32 $0xffff, v7;
	v7 =	vsel vm13, $0x1, v2  }
0x1b: {  	s0 =	simm.s32 $0x0;
	(xrf0) =	vadd.scan.msk.s32 $0xffff, v8;
	v8 =	vsel vm14, $0x1, v2  }
0x1c: {  	s18 =	sand.u32 $0x7F, s17;
	s0 =	sand.u32 $0xFFFFFC00, s0;
	vm15 =	veq.s32 v6, $0x5  }
0x1d: {  	s0 =	sor.u32 s18, s0;
	v6 =	vsel vm15, $0x1, v2;
	(xrf0) =	vadd.scan.msk.s32 $0xffff, v7;
	v7, _, _ =	vpop (xrf0)  }
0x1e: {  	[tilespmem:s0+$0x14200] =	vst.msk vm0, v5;
	(xrf0) =	vadd.scan.msk.s32 $0xffff, v8;
	v8, _, _ =	vpop (xrf0);
	(v2sf) =	vpush v7, $0xF  }
0x1f: {  	[tilespmem:s0+$0x14280] =	vst.msk vm1, v5;
	(v2sf) =	vpush v8, $0xF  }
0x20: {  	[tilespmem:s0+$0x14300] =	vst.msk vm13, v5;
	(xrf0) =	vadd.scan.msk.s32 $0xffff, v6;
	v6, _, _ =	vpop (xrf0)  }
0x21: {  	[tilespmem:s0+$0x14380] =	vst.msk vm2, v5;
	v7, _, _ =	vpop (xrf0)  }
0x22: {  	[tilespmem:s0+$0x14400] =	vst.msk vm14, v5;
	(v2sf) =	vpush v7, $0xF  }
0x23: {  	[tilespmem:s0+$0x14480] =	vst.msk vm15, v5;
	v7, _, _ =	vpop (xrf0);
	(v2sf) =	vpush v6, $0xF  }
0x24: {  	[tilespmem:s0+$0x14500] =	vst.msk vm3, v5;
	v6, _, _ =	vpop (xrf0);
	(v2sf) =	vpush v7, $0xF  }
0x25: {  	s26 =	sadd.s32 $0x10, s15;
	[tilespmem:s0+$0x14580] =	vst.msk vm4, v5;
	(v2sf) =	vpush v6, $0xF  }
0x26: {  	v5 =	vld [tilespmem:s26+$0x0];
	v7, _, _ =	vpop (xrf0)  }
0x27: {  	s29 =	spop (v2sf);
	(v2sf) =	vpush v7, $0xF;
	_ =	sdelay $0x1  }
0x28: {  	s28 =	simm.s32 $0x20;
	s25 =	simm.s32 $0x0;
	s24 =	simm.s32 $0x0  }
0x29: {  	s22 =	simm.s32 $0x0;
	s23 =	simm.s32 $0x0;
	s20 =	simm.s32 $0x0  }
0x2a: {  	s21 =	simm.s32 $0x0;
	s19 =	simm.s32 $0x0;
	s18 =	simm.s32 $0x10;
	v6 =	vshrl.u32 v5, $0x4  }
.LBB2_3:
0x2b: {  	p0 =	seq.s32 s28, $0x70  }
0x2c: {  	v6 =	vand.u32 $0x7, v6;
	v7 =	vmov s18;
	s0 =	spop (v2sf);
	s18 =	smov.u32 s28;
	s28 =	sadd.s32 $0x10, s28  }
0x2d: {  	v7 =	vshll.u32 v7, $0x14;
	vm7 =	veq.s32 v6, $0x0;
	vm6 =	veq.s32 v6, $0x1;
	s17 =	sadd.s32 s17, s0;
	s0 =	spop (v2sf)  }
0x2e: {  	s25 =	sadd.s32 s25, s29;
	vm2 =	veq.s32 v6, $0x3;
	vm0 =	veq.s32 v6, $0x7;
	v8 =	vsel vm7, $0x1, v2;
	s30 =	sand.u32 $0x7F, s17;
	s31 =	sshll.u32 s17, $0x3  }
0x2f: {  	s29 =	sand.u32 $0x7F, s25;
	s1 =	sshll.u32 s25, $0x3;
	v9 =	vsel vm6, $0x1, v2;
	v10 =	vsel vm2, $0x1, v2;
	v11 =	vsel vm0, $0x1, v2;
	s24 =	sadd.s32 s24, s0;
	(xrf0) =	vadd.scan.msk.s32 $0xffff, v8  }
0x30: {  	vm5 =	veq.s32 v6, $0x2;
	vm3 =	veq.s32 v6, $0x4;
	vm1 =	veq.s32 v6, $0x6;
	s0 =	sand.u32 $0xFFFFFC00, s1;
	s1 =	sand.u32 $0xFFFFFC00, s31;
	(xrf0) =	vadd.scan.msk.s32 $0xffff, v9;
	s31 =	spop (v2sf)  }
0x31: {  	vm4 =	veq.s32 v6, $0x5;
	s0 =	sor.u32 s29, s0;
	v8 =	vsel vm5, $0x1, v2;
	v9 =	vsel vm3, $0x1, v2;
	(xrf0) =	vadd.scan.msk.s32 $0xffff, v10;
	s22 =	sadd.s32 s22, s31;
	s29 =	spop (v2sf)  }
0x32: {  	v6 =	vor.u32 v1, v7;
	v7 =	vsel vm4, $0x1, v2;
	s31 =	sshll.u32 s24, $0x3;
	v10 =	vsel vm1, $0x1, v2;
	s23 =	sadd.s32 s23, s29;
	s29 =	spop (v2sf)  }
0x33: {  	v5 =	vor.u32 v6, v5;
	s31 =	sand.u32 $0xFFFFFC00, s31;
	s10 =	sshll.u32 s23, $0x3;
	(xrf0) =	vadd.scan.msk.s32 $0xffff, v10;
	s11 =	spop (v2sf)  }
0x34: {  	s20 =	sadd.s32 s20, s29;
	[tilespmem:s0+$0x14200] =	vst.msk vm7, v5;
	s0 =	sor.u32 s30, s1;
	(xrf0) =	vadd.scan.msk.s32 $0xffff, v11;
	s21 =	sadd.s32 s21, s11  }
0x35: {  	s1 =	sand.u32 $0x7F, s24;
	[tilespmem:s0+$0x14280] =	vst.msk vm6, v5;
	s0 =	sand.u32 $0x7F, s20;
	v6, _, _ =	vpop (xrf0);
	(xrf0) =	vadd.scan.msk.s32 $0xffff, v8;
	s11 =	spop (v2sf)  }
0x36: {  	s29 =	sshll.u32 s20, $0x3;
	s1 =	sor.u32 s1, s31;
	(v2sf) =	vpush v6, $0xF;
	v6, _, _ =	vpop (xrf0);
	(xrf0) =	vadd.scan.msk.s32 $0xffff, v9;
	s19 =	sadd.s32 s19, s11  }
0x37: {  	s11 =	sand.u32 $0xFFFFFC00, s29;
	s29 =	sshll.u32 s21, $0x3;
	s30 =	sshll.u32 s19, $0x3;
	(v2sf) =	vpush v6, $0xF;
	v6, _, _ =	vpop (xrf0);
	(xrf0) =	vadd.scan.msk.s32 $0xffff, v7  }
0x38: {  	s12 =	sshll.u32 s22, $0x3;
	s31 =	sand.u32 $0x7F, s21;
	s29 =	sand.u32 $0xFFFFFC00, s29;
	(v2sf) =	vpush v6, $0xF  }
0x39: {  	s0 =	sor.u32 s0, s11;
	s11 =	sor.u32 s31, s29;
	s29 =	sand.u32 $0xFFFFFC00, s30;
	v6, _, _ =	vpop (xrf0)  }
0x3a: {  	[tilespmem:s0+$0x14300] =	vst.msk vm5, v5;
	s0 =	sand.u32 $0xFFFFFC00, s10;
	v7, _, _ =	vpop (xrf0)  }
0x3b: {  	s12 =	sand.u32 $0xFFFFFC00, s12;
	s10 =	sand.u32 $0x7F, s22;
	[tilespmem:s1+$0x14380] =	vst.msk vm2, v5;
	s1 =	sand.u32 $0x7F, s19;
	v8, _, _ =	vpop (xrf0);
	(v2sf) =	vpush v7, $0xF  }
0x3c: {  	s10 =	sor.u32 s10, s12;
	[tilespmem:s11+$0x14400] =	vst.msk vm3, v5;
	s1 =	sor.u32 s1, s29;
	s11 =	sand.u32 $0x7F, s23;
	v7, _, _ =	vpop (xrf0);
	(v2sf) =	vpush v6, $0xF  }
0x3d: {  	[tilespmem:s1+$0x14480] =	vst.msk vm4, v5;
	s0 =	sor.u32 s11, s0;
	(v2sf) =	vpush v8, $0xF;
	v6, _, _ =	vpop (xrf0)  }
0x3e: {  	[tilespmem:s0+$0x14500] =	vst.msk vm1, v5;
	(v2sf) =	vpush v7, $0xF  }
0x3f: {  	s26 =	sadd.s32 $0x10, s26;
	[tilespmem:s10+$0x14580] =	vst.msk vm0, v5  }
0x40: {  	v5 =	vld [tilespmem:s26+$0x0];
	(v2sf) =	vpush v6, $0xF  }
.Ltmp0:
0x41: {  	(pc) =	sbr.rel @!p0 .LBB2_3-.Ltmp0, $2  }
0x42: {  	_ =	sdelay $0x2  }
0x43: {  	v6 =	vshrl.u32 v5, $0x4;
	s29 =	spop (v2sf)  }
0x44: {  	v6 =	vand.u32 $0x7, v6  }
0x45: {  	vm5 =	veq.s32 v6, $0x0  }
0x46: {  	vm3 =	veq.s32 v6, $0x1;
	v7 =	vsel vm5, $0x1, v2  }
0x47: {  	vm2 =	veq.s32 v6, $0x3;
	v8 =	vsel vm3, $0x1, v2;
	(xrf0) =	vadd.scan.msk.s32 $0xffff, v7  }
0x48: {  	vm1 =	veq.s32 v6, $0x6;
	v7 =	vsel vm2, $0x1, v2;
	(xrf0) =	vadd.scan.msk.s32 $0xffff, v8  }
0x49: {  	vm0 =	veq.s32 v6, $0x7;
	(xrf0) =	vadd.scan.msk.s32 $0xffff, v7;
	v7 =	vsel vm1, $0x1, v2  }
0x4a: {  	v62 =	vsel vm0, $0x1, v2;
	(xrf0) =	vadd.scan.msk.s32 $0xffff, v7  }
0x4b: {  	vm7 =	veq.s32 v6, $0x2;
	(xrf0) =	vadd.scan.msk.s32 $0xffff, v62  }
0x4c: {  	vm6 =	veq.s32 v6, $0x4;
	vm4 =	veq.s32 v6, $0x5;
	v7 =	vsel vm7, $0x1, v2  }
0x4d: {  	v63 =	vsel vm6, $0x1, v2;
	v6, _, _ =	vpop (xrf0);
	(xrf0) =	vadd.scan.msk.s32 $0xffff, v7;
	v7 =	vsel vm4, $0x1, v2  }
0x4e: {  	v9, _, _ =	vpop (xrf0);
	(xrf0) =	vadd.scan.msk.s32 $0xffff, v63  }
0x4f: {  	(v2sf) =	vpush v6, $0xF;
	v6, _, _ =	vpop (xrf0);
	(xrf0) =	vadd.scan.msk.s32 $0xffff, v7  }
0x50: {  	s0 =	spop (v2sf);
	(v2sf) =	vpush v9, $0xF;
	v7, _, _ =	vpop (xrf0)  }
0x51: {  	s25 =	sadd.s32 s25, s29;
	s1 =	spop (v2sf);
	s17 =	sadd.s32 s17, s0;
	(v2sf) =	vpush v6, $0xF;
	v6, _, _ =	vpop (xrf0)  }
0x52: {  	s28 =	sand.u32 $0x7F, s25;
	s29 =	sshll.u32 s25, $0x3;
	s0 =	spop (v2sf);
	(v2sf) =	vpush v6, $0xF  }
0x53: {  	s10 =	sand.u32 $0x7F, s17;
	s12 =	sshll.u32 s17, $0x3;
	s11 =	spop (v2sf);
	v6, _, _ =	vpop (xrf0);
	(v2sf) =	vpush v7, $0xF  }
0x54: {  	s1 =	sadd.s32 s24, s1;
	s31 =	sand.u32 $0xFFFFFC00, s29;
	s26 =	spop (v2sf);
	v7, _, _ =	vpop (xrf0);
	(v2sf) =	vpush v6, $0xF  }
0x55: {  	s12 =	sand.u32 $0xFFFFFC00, s12;
	s24 =	sor.u32 s28, s31;
	s30 =	spop (v2sf);
	v6, _, _ =	vpop (xrf0);
	(v2sf) =	vpush v7, $0xF  }
0x56: {  	s31 =	sshll.u32 s1, $0x3;
	s10 =	sor.u32 s10, s12;
	s29 =	spop (v2sf);
	(v2sf) =	vpush v6, $0xF  }
0x57: {  	s0 =	sadd.s32 s22, s0;
	s22 =	sand.u32 $0xFFFFFC00, s31;
	s31 =	sand.u32 $0x7F, s1  }
0x58: {  	s11 =	sadd.s32 s23, s11;
	s22 =	sor.u32 s31, s22;
	s12 =	sadd.s32 s20, s26  }
0x59: {  	s23 =	sshll.u32 s11, $0x3;
	s20 =	sadd.s32 s21, s30;
	s21 =	sand.u32 $0x7F, s12;
	v6 =	vmov s18  }
0x5a: {  	s28 =	sshll.u32 s12, $0x3;
	s23 =	sand.u32 $0xFFFFFC00, s23;
	s30 =	sshll.u32 s20, $0x3;
	v6 =	vshll.u32 v6, $0x14  }
0x5b: {  	s31 =	sand.u32 $0x7F, s20;
	s19 =	sadd.s32 s19, s29;
	s26 =	sand.u32 $0xFFFFFC00, s30;
	v6 =	vor.u32 v1, v6  }
0x5c: {  	s30 =	sshll.u32 s0, $0x3;
	s29 =	sand.u32 $0x7F, s0;
	s18 =	sand.u32 $0xFFFFFC00, s28;
	v5 =	vor.u32 v6, v5  }
0x5d: {  	s28 =	sshll.u32 s19, $0x3;
	s18 =	sor.u32 s21, s18;
	s21 =	sor.u32 s31, s26;
	[tilespmem:s24+$0x14200] =	vst.msk vm5, v5  }
0x5e: {  	s24 =	sand.u32 $0xFFFFFC00, s28;
	[tilespmem:s10+$0x14280] =	vst.msk vm3, v5;
	s10 =	sand.u32 $0x7F, s19;
	s26 =	spop (v2sf)  }
0x5f: {  	[tilespmem:s18+$0x14300] =	vst.msk vm7, v5;
	s10 =	sor.u32 s10, s24;
	s24 =	sand.u32 $0x7F, s11;
	s28 =	spop (v2sf)  }
0x60: {  	[tilespmem:s22+$0x14380] =	vst.msk vm2, v5;
	s22 =	sor.u32 s24, s23;
	s24 =	sadd.s32 s25, s26;
	s31 =	spop (v2sf)  }
0x61: {  	s18 =	sand.u32 $0xFFFFFC00, s30;
	p0 =	sgt.s32 s24, $0x0;
	s30 =	spop (v2sf)  }
.Ltmp1:
0x62: {  	s29 =	sor.u32 s29, s18;
	s18 =	spop (v2sf);
	(pc) =	sbr.rel @!p0 .LBB2_5-.Ltmp1, $4  }
0x63: {  	[tilespmem:s21+$0x14400] =	vst.msk vm6, v5;
	s23 =	sadd.s32 s17, s28;
	s28 =	spop (v2sf)  }
0x64: {  	s25 =	simm.s32 $0x0;
	[tilespmem:s10+$0x14480] =	vst.msk vm4, v5;
	s21 =	sadd.s32 s1, s31;
	s26 =	spop (v2sf)  }
0x65: {  	[tilespmem:s22+$0x14500] =	vst.msk vm1, v5;
	s17 =	sadd.s32 s0, s30;
	s18 =	sadd.s32 s11, s18;
	s31 =	spop (v2sf)  }
0x66: {  	[tilespmem:s29+$0x14580] =	vst.msk vm0, v5;
	s22 =	sadd.s32 s12, s28;
	s20 =	sadd.s32 s20, s26;
	s19 =	sadd.s32 s19, s31  }
.LBB2_20:
0x67: {  	s0 =	sshll.u32 s25, $0x3  }
0x68: {  	s1 =	sand.u32 $0x70, s25;
	s0 =	sand.u32 $0xFFFFFC00, s0  }
0x69: {  	s0 =	sor.u32 s1, s0  }
0x6a: {  	v5 =	vld [tilespmem:s0+$0x14200];
	_ =	sdelay $0x2  }
0x6b: {  	s11 =	sand.u32 $0xF, s25  }
0x6c: {  	v6 =	vmov s11  }
0x6d: {  	vm0 =	veq.s32 v6, v0;
	v5 =	vxor.u32 $0x80000000, v5  }
0x6e: {  	v5 =	vnsel vm0, $0x80000000, v5  }
0x6f: {  	(xrf0) =	vmax.scan.msk.u32 $0xffff, v5;
	_ =	sdelay $0x5  }
0x70: {  	v5, _, _ =	vpop (xrf0)  }
0x71: {  	(v2sf) =	vpush v5, $0xF;
	_ =	sdelay $0xe  }
0x72: {  	s12 =	spop (v2sf)  }
0x73: {  	s11 =	sshra.s32 s12, $0x10  }
0x74: {  	s10 =	sshll.u32 s11, $0x3  }
0x75: {  	s1 =	sand.u32 $0x70, s11;
	s10 =	sand.u32 $0xFFFFFC00, s10  }
0x76: {  	s1 =	sor.u32 s1, s10  }
0x77: {  	s1 =	sxor.u32 $0xFFFC0000, s1  }
0x78: {  	s0 =	sand.u32 $0xFFF80, s12;
	s26 =	sor.u32 $0x200, s1  }
0x79: {  	s1 =	sadd.s32 s2, s0;
	s0 =	sadd.s32 $0x0, s26  }
0x7a: {  	[tilespmem:s0], [sflag:$0x1] =	stream.linear.gather [hbm4b:s1+s3], $0x10, $0x38;
	[tilespmem:$0x14A00] =	vst v63  }
0x7b: {  	s12 =	sadd.s32 $0x10, s1;
	s11 =	sadd.s32 $0x80, s0  }
0x7c: {  	[tilespmem:s11], [sflag:$0x1] =	stream.linear.gather [hbm4b:s12+s3], $0x10, $0x38;
	[tilespmem:$0x14A00] =	vst v63  }
0x7d: {  	s29 =	simm.s32 $0x4000;
	s11 =	sadd.s32 $0x20, s1;
	s12 =	sadd.s32 $0x100, s0  }
0x7e: {  	[tilespmem:s12], [sflag:$0x1] =	stream.linear.gather [hbm4b:s11+s3], $0x10, $0x38;
	[tilespmem:$0x14A00] =	vst v63  }
0x7f: {  	s30 =	simm.s32 $0x20000;
	s11 =	sadd.s32 $0x30, s1;
	s12 =	sadd.s32 $0x180, s0  }
0x80: {  	[tilespmem:s12], [sflag:$0x1] =	stream.linear.gather [hbm4b:s11+s3], $0x10, $0x38;
	[tilespmem:$0x14A00] =	vst v63  }
0x81: {  	s31 =	sadd.s32 $0x70, s1;
	s11 =	sadd.s32 $0x40, s1;
	s12 =	sadd.s32 $0x200, s0  }
0x82: {  	[tilespmem:s12], [sflag:$0x1] =	stream.linear.gather [hbm4b:s11+s3], $0x10, $0x38;
	[tilespmem:$0x14A00] =	vst v63  }
0x83: {  	s28 =	sadd.s32 $0xF4280, s1;
	s11 =	sadd.s32 $0x50, s1;
	s12 =	sadd.s32 $0x280, s0  }
0x84: {  	[tilespmem:s12], [sflag:$0x1] =	stream.linear.gather [hbm4b:s11+s3], $0x10, $0x38;
	[tilespmem:$0x14A00] =	vst v63  }
0x85: {  	s11 =	sadd.s32 $0x60, s1;
	s12 =	sadd.s32 $0x300, s0;
	s0 =	sadd.s32 $0x380, s0  }
0x86: {  	[tilespmem:s12], [sflag:$0x1] =	stream.linear.gather [hbm4b:s11+s3], $0x10, $0x38;
	[tilespmem:$0x14A00] =	vst v63  }
.LBB2_21:
0x87: {  	[tilespmem:s0], [sflag:$0x1] =	stream.linear.gather [hbm4b:s31+s3], $0x10, $0x38;
	[tilespmem:$0x14A00] =	vst v63  }
0x88: {  	s0 =	smov.u32 s30  }
0x89: {  	s1 =	sadd.s32 $0x10000, s30;
	s10 =	sadd.s32 s29, s26;
	s29 =	sshra.s32 s0, $0x2  }
0x8a: {  	[tilespmem:s10], [sflag:$0x1] =	stream.linear.gather [hbm4b:s28+s3], $0x10, $0x38;
	[tilespmem:$0x14A00] =	vst v63  }
0x8b: {  	p0 =	sne.s32 s30, $0x30000;
	s0 =	sadd.s32 $0x10, s28;
	s11 =	sadd.s32 $0x80, s10  }
0x8c: {  	[tilespmem:s11], [sflag:$0x1] =	stream.linear.gather [hbm4b:s0+s3], $0x10, $0x38;
	[tilespmem:$0x14A00] =	vst v63  }
0x8d: {  	s0 =	sadd.s32 $0x20, s28;
	s11 =	sadd.s32 $0x100, s10  }
0x8e: {  	[tilespmem:s11], [sflag:$0x1] =	stream.linear.gather [hbm4b:s0+s3], $0x10, $0x38;
	[tilespmem:$0x14A00] =	vst v63  }
0x8f: {  	s0 =	sadd.s32 $0x30, s28;
	s11 =	sadd.s32 $0x180, s10  }
0x90: {  	[tilespmem:s11], [sflag:$0x1] =	stream.linear.gather [hbm4b:s0+s3], $0x10, $0x38;
	[tilespmem:$0x14A00] =	vst v63  }
0x91: {  	s0 =	sadd.s32 $0x40, s28;
	s11 =	sadd.s32 $0x200, s10  }
0x92: {  	[tilespmem:s11], [sflag:$0x1] =	stream.linear.gather [hbm4b:s0+s3], $0x10, $0x38;
	[tilespmem:$0x14A00] =	vst v63  }
.Ltmp2:
0x93: {  	s0 =	sadd.s32 $0x50, s28;
	s11 =	sadd.s32 $0x280, s10;
	(pc) =	sbr.rel @p0 .LBB2_21-.Ltmp2, $4  }
0x94: {  	[tilespmem:s11], [sflag:$0x1] =	stream.linear.gather [hbm4b:s0+s3], $0x10, $0x38;
	[tilespmem:$0x14A00] =	vst v63  }
0x95: {  	s31 =	sadd.s32 $0x70, s28;
	s0 =	sadd.s32 $0x60, s28;
	s11 =	sadd.s32 $0x300, s10  }
0x96: {  	[tilespmem:s11], [sflag:$0x1] =	stream.linear.gather [hbm4b:s0+s3], $0x10, $0x38;
	[tilespmem:$0x14A00] =	vst v63  }
0x97: {  	s30 =	smov.u32 s1;
	s28 =	sadd.s32 $0xF4280, s28;
	s0 =	sadd.s32 $0x380, s10  }
0x98: {  	[tilespmem:s0], [sflag:$0x1] =	stream.linear.gather [hbm4b:s31+s3], $0x10, $0x38;
	[tilespmem:$0x14A00] =	vst v63  }
0x99: {  	s0 =	sadd.s32 s29, s26  }
0x9a: {  	[tilespmem:s0], [sflag:$0x1] =	stream.linear.gather [hbm4b:s28+s3], $0x10, $0x38;
	[tilespmem:$0x14A00] =	vst v63  }
0x9b: {  	s1 =	sadd.s32 $0x10, s28;
	s10 =	sadd.s32 $0x80, s0  }
0x9c: {  	[tilespmem:s10], [sflag:$0x1] =	stream.linear.gather [hbm4b:s1+s3], $0x10, $0x38;
	[tilespmem:$0x14A00] =	vst v63  }
0x9d: {  	s26 =	sadd.s32 $0x20, s28;
	s29 =	sadd.s32 $0x100, s0  }
0x9e: {  	[tilespmem:s29], [sflag:$0x1] =	stream.linear.gather [hbm4b:s26+s3], $0x10, $0x38;
	[tilespmem:$0x14A00] =	vst v63  }
0x9f: {  	s30 =	sadd.s32 $0x30, s28;
	s31 =	sadd.s32 $0x180, s0  }
0xa0: {  	[tilespmem:s31], [sflag:$0x1] =	stream.linear.gather [hbm4b:s30+s3], $0x10, $0x38;
	[tilespmem:$0x14A00] =	vst v63  }
0xa1: {  	s25 =	sadd.s32 $0x1, s25;
	s11 =	sadd.s32 $0x200, s0;
	s10 =	sadd.s32 $0x40, s28  }
0xa2: {  	[tilespmem:s11], [sflag:$0x1] =	stream.linear.gather [hbm4b:s10+s3], $0x10, $0x38;
	[tilespmem:$0x14A00] =	vst v63  }
0xa3: {  	s12 =	sadd.s32 $0x50, s28;
	p0 =	seq.s32 s25, s24;
	s26 =	sadd.s32 $0x280, s0  }
0xa4: {  	[tilespmem:s26], [sflag:$0x1] =	stream.linear.gather [hbm4b:s12+s3], $0x10, $0x38;
	[tilespmem:$0x14A00] =	vst v63  }
.Ltmp3:
0xa5: {  	_ = 	snop;
	(pc) =	sbr.rel @!p0 .LBB2_20-.Ltmp3, $4  }
0xa6: {  	s29 =	sadd.s32 $0x60, s28;
	s30 =	sadd.s32 $0x300, s0  }
0xa7: {  	[tilespmem:s30], [sflag:$0x1] =	stream.linear.gather [hbm4b:s29+s3], $0x10, $0x38;
	[tilespmem:$0x14A00] =	vst v63  }
0xa8: {  	s31 =	sadd.s32 $0x70, s28;
	s0 =	sadd.s32 $0x380, s0  }
0xa9: {  	[tilespmem:s0], [sflag:$0x1] =	stream.linear.gather [hbm4b:s31+s3], $0x10, $0x38;
	[tilespmem:$0x14A00] =	vst v63  }
.LBB2_5:
0xaa: {  	p0 =	sgt.s32 s23, $0x0  }
.Ltmp4:
0xab: {  	_ = 	snop;
	(pc) =	sbr.rel @!p0 .LBB2_6-.Ltmp4, $2  }
0xac: {  	_ =	sdelay $0x2  }
0xad: {  	s24 =	simm.s32 $0x0  }
.LBB2_23:
0xae: {  	s0 =	sshll.u32 s24, $0x3  }
0xaf: {  	s1 =	sand.u32 $0x70, s24;
	s0 =	sand.u32 $0xFFFFFC00, s0  }
0xb0: {  	s0 =	sor.u32 s1, s0  }
0xb1: {  	v5 =	vld [tilespmem:s0+$0x14280];
	_ =	sdelay $0x2  }
0xb2: {  	s26 =	sand.u32 $0xF, s24  }
0xb3: {  	v6 =	vmov s26  }
0xb4: {  	vm0 =	veq.s32 v6, v0;
	v5 =	vxor.u32 $0x80000000, v5  }
0xb5: {  	v5 =	vnsel vm0, $0x80000000, v5  }
0xb6: {  	(xrf0) =	vmax.scan.msk.u32 $0xffff, v5;
	_ =	sdelay $0x5  }
0xb7: {  	v5, _, _ =	vpop (xrf0)  }
0xb8: {  	(v2sf) =	vpush v5, $0xF;
	_ =	sdelay $0xe  }
0xb9: {  	s31 =	spop (v2sf)  }
0xba: {  	s11 =	sshra.s32 s31, $0x10  }
0xbb: {  	s10 =	sshll.u32 s11, $0x3  }
0xbc: {  	s1 =	sand.u32 $0x70, s11;
	s10 =	sand.u32 $0xFFFFFC00, s10  }
0xbd: {  	s1 =	sor.u32 s1, s10  }
0xbe: {  	s0 =	sand.u32 $0xFFF80, s31;
	s1 =	sxor.u32 $0xFFFC0000, s1  }
0xbf: {  	s0 =	sadd.s32 s2, s0;
	s25 =	sor.u32 $0x200, s1  }
0xc0: {  	s1 =	sadd.s32 $0x2, s0;
	s0 =	sadd.s32 $0x0, s25  }
0xc1: {  	[tilespmem:s0], [sflag:$0x1] =	stream.linear.gather [hbm4b:s1+s3], $0x10, $0x38;
	[tilespmem:$0x14A00] =	vst v63  }
0xc2: {  	s12 =	sadd.s32 $0x10, s1;
	s11 =	sadd.s32 $0x80, s0  }
0xc3: {  	[tilespmem:s11], [sflag:$0x1] =	stream.linear.gather [hbm4b:s12+s3], $0x10, $0x38;
	[tilespmem:$0x14A00] =	vst v63  }
0xc4: {  	s26 =	sadd.s32 $0x20, s1;
	s31 =	sadd.s32 $0x100, s0  }
0xc5: {  	[tilespmem:s31], [sflag:$0x1] =	stream.linear.gather [hbm4b:s26+s3], $0x10, $0x38;
	[tilespmem:$0x14A00] =	vst v63  }
0xc6: {  	s11 =	sadd.s32 $0x30, s1;
	s12 =	sadd.s32 $0x180, s0  }
0xc7: {  	[tilespmem:s12], [sflag:$0x1] =	stream.linear.gather [hbm4b:s11+s3], $0x10, $0x38;
	[tilespmem:$0x14A00] =	vst v63  }
0xc8: {  	s26 =	sadd.s32 $0x40, s1;
	s31 =	sadd.s32 $0x200, s0  }
0xc9: {  	[tilespmem:s31], [sflag:$0x1] =	stream.linear.gather [hbm4b:s26+s3], $0x10, $0x38;
	[tilespmem:$0x14A00] =	vst v63  }
0xca: {  	s28 =	simm.s32 $0x4000;
	s11 =	sadd.s32 $0x50, s1;
	s12 =	sadd.s32 $0x280, s0  }
0xcb: {  	[tilespmem:s12], [sflag:$0x1] =	stream.linear.gather [hbm4b:s11+s3], $0x10, $0x38;
	[tilespmem:$0x14A00] =	vst v63  }
0xcc: {  	s29 =	simm.s32 $0x20000;
	s26 =	sadd.s32 $0x60, s1;
	s31 =	sadd.s32 $0x300, s0  }
0xcd: {  	[tilespmem:s31], [sflag:$0x1] =	stream.linear.gather [hbm4b:s26+s3], $0x10, $0x38;
	[tilespmem:$0x14A00] =	vst v63  }
0xce: {  	s30 =	sadd.s32 $0x70, s1;
	s0 =	sadd.s32 $0x380, s0;
	s26 =	sadd.s32 $0xF4280, s1  }
.LBB2_24:
0xcf: {  	[tilespmem:s0], [sflag:$0x1] =	stream.linear.gather [hbm4b:s30+s3], $0x10, $0x38;
	[tilespmem:$0x14A00] =	vst v63  }
0xd0: {  	s0 =	smov.u32 s29  }
0xd1: {  	s1 =	sadd.s32 $0x10000, s29;
	s10 =	sadd.s32 s28, s25;
	s28 =	sshra.s32 s0, $0x2  }
0xd2: {  	[tilespmem:s10], [sflag:$0x1] =	stream.linear.gather [hbm4b:s26+s3], $0x10, $0x38;
	[tilespmem:$0x14A00] =	vst v63  }
0xd3: {  	p0 =	sne.s32 s29, $0x30000;
	s0 =	sadd.s32 $0x10, s26;
	s11 =	sadd.s32 $0x80, s10  }
0xd4: {  	[tilespmem:s11], [sflag:$0x1] =	stream.linear.gather [hbm4b:s0+s3], $0x10, $0x38;
	[tilespmem:$0x14A00] =	vst v63  }
0xd5: {  	s0 =	sadd.s32 $0x20, s26;
	s11 =	sadd.s32 $0x100, s10  }
0xd6: {  	[tilespmem:s11], [sflag:$0x1] =	stream.linear.gather [hbm4b:s0+s3], $0x10, $0x38;
	[tilespmem:$0x14A00] =	vst v63  }
0xd7: {  	s0 =	sadd.s32 $0x30, s26;
	s11 =	sadd.s32 $0x180, s10  }
0xd8: {  	[tilespmem:s11], [sflag:$0x1] =	stream.linear.gather [hbm4b:s0+s3], $0x10, $0x38;
	[tilespmem:$0x14A00] =	vst v63  }
0xd9: {  	s0 =	sadd.s32 $0x40, s26;
	s11 =	sadd.s32 $0x200, s10  }
0xda: {  	[tilespmem:s11], [sflag:$0x1] =	stream.linear.gather [hbm4b:s0+s3], $0x10, $0x38;
	[tilespmem:$0x14A00] =	vst v63  }
.Ltmp5:
0xdb: {  	s0 =	sadd.s32 $0x50, s26;
	s11 =	sadd.s32 $0x280, s10;
	(pc) =	sbr.rel @p0 .LBB2_24-.Ltmp5, $4  }
0xdc: {  	[tilespmem:s11], [sflag:$0x1] =	stream.linear.gather [hbm4b:s0+s3], $0x10, $0x38;
	[tilespmem:$0x14A00] =	vst v63  }
0xdd: {  	s30 =	sadd.s32 $0x70, s26;
	s0 =	sadd.s32 $0x60, s26;
	s11 =	sadd.s32 $0x300, s10  }
0xde: {  	[tilespmem:s11], [sflag:$0x1] =	stream.linear.gather [hbm4b:s0+s3], $0x10, $0x38;
	[tilespmem:$0x14A00] =	vst v63  }
0xdf: {  	s29 =	smov.u32 s1;
	s26 =	sadd.s32 $0xF4280, s26;
	s0 =	sadd.s32 $0x380, s10  }
0xe0: {  	[tilespmem:s0], [sflag:$0x1] =	stream.linear.gather [hbm4b:s30+s3], $0x10, $0x38;
	[tilespmem:$0x14A00] =	vst v63  }
0xe1: {  	s0 =	sadd.s32 s28, s25  }
0xe2: {  	[tilespmem:s0], [sflag:$0x1] =	stream.linear.gather [hbm4b:s26+s3], $0x10, $0x38;
	[tilespmem:$0x14A00] =	vst v63  }
0xe3: {  	s1 =	sadd.s32 $0x10, s26;
	s10 =	sadd.s32 $0x80, s0  }
0xe4: {  	[tilespmem:s10], [sflag:$0x1] =	stream.linear.gather [hbm4b:s1+s3], $0x10, $0x38;
	[tilespmem:$0x14A00] =	vst v63  }
0xe5: {  	s28 =	sadd.s32 $0x20, s26;
	s29 =	sadd.s32 $0x100, s0  }
0xe6: {  	[tilespmem:s29], [sflag:$0x1] =	stream.linear.gather [hbm4b:s28+s3], $0x10, $0x38;
	[tilespmem:$0x14A00] =	vst v63  }
0xe7: {  	s30 =	sadd.s32 $0x30, s26;
	s31 =	sadd.s32 $0x180, s0  }
0xe8: {  	[tilespmem:s31], [sflag:$0x1] =	stream.linear.gather [hbm4b:s30+s3], $0x10, $0x38;
	[tilespmem:$0x14A00] =	vst v63  }
0xe9: {  	s11 =	sadd.s32 $0x40, s26;
	s24 =	sadd.s32 $0x1, s24;
	s12 =	sadd.s32 $0x200, s0  }
0xea: {  	[tilespmem:s12], [sflag:$0x1] =	stream.linear.gather [hbm4b:s11+s3], $0x10, $0x38;
	[tilespmem:$0x14A00] =	vst v63  }
0xeb: {  	s25 =	sadd.s32 $0x50, s26;
	p0 =	seq.s32 s24, s23;
	s28 =	sadd.s32 $0x280, s0  }
0xec: {  	[tilespmem:s28], [sflag:$0x1] =	stream.linear.gather [hbm4b:s25+s3], $0x10, $0x38;
	[tilespmem:$0x14A00] =	vst v63  }
.Ltmp6:
0xed: {  	_ = 	snop;
	(pc) =	sbr.rel @!p0 .LBB2_23-.Ltmp6, $4  }
0xee: {  	s29 =	sadd.s32 $0x60, s26;
	s30 =	sadd.s32 $0x300, s0  }
0xef: {  	[tilespmem:s30], [sflag:$0x1] =	stream.linear.gather [hbm4b:s29+s3], $0x10, $0x38;
	[tilespmem:$0x14A00] =	vst v63  }
0xf0: {  	s31 =	sadd.s32 $0x70, s26;
	s0 =	sadd.s32 $0x380, s0  }
0xf1: {  	[tilespmem:s0], [sflag:$0x1] =	stream.linear.gather [hbm4b:s31+s3], $0x10, $0x38;
	[tilespmem:$0x14A00] =	vst v63  }
.LBB2_6:
0xf2: {  	p0 =	sgt.s32 s22, $0x0  }
.Ltmp7:
0xf3: {  	_ = 	snop;
	(pc) =	sbr.rel @!p0 .LBB2_7-.Ltmp7, $2  }
0xf4: {  	_ =	sdelay $0x2  }
0xf5: {  	s23 =	simm.s32 $0x0  }
.LBB2_26:
0xf6: {  	s0 =	sshll.u32 s23, $0x3  }
0xf7: {  	s1 =	sand.u32 $0x70, s23;
	s0 =	sand.u32 $0xFFFFFC00, s0  }
0xf8: {  	s0 =	sor.u32 s1, s0  }
0xf9: {  	v5 =	vld [tilespmem:s0+$0x14300];
	_ =	sdelay $0x2  }
0xfa: {  	s30 =	sand.u32 $0xF, s23  }
0xfb: {  	v6 =	vmov s30  }
0xfc: {  	vm0 =	veq.s32 v6, v0;
	v5 =	vxor.u32 $0x80000000, v5  }
0xfd: {  	v5 =	vnsel vm0, $0x80000000, v5  }
0xfe: {  	(xrf0) =	vmax.scan.msk.u32 $0xffff, v5;
	_ =	sdelay $0x5  }
0xff: {  	v5, _, _ =	vpop (xrf0)  }
0x100: {  	(v2sf) =	vpush v5, $0xF;
	_ =	sdelay $0xe  }
0x101: {  	s31 =	spop (v2sf)  }
0x102: {  	s11 =	sshra.s32 s31, $0x10  }
0x103: {  	s10 =	sshll.u32 s11, $0x3  }
0x104: {  	s1 =	sand.u32 $0x70, s11;
	s10 =	sand.u32 $0xFFFFFC00, s10  }
0x105: {  	s1 =	sor.u32 s1, s10  }
0x106: {  	s0 =	sand.u32 $0xFFF80, s31;
	s1 =	sxor.u32 $0xFFFC0000, s1  }
0x107: {  	s0 =	sadd.s32 s2, s0;
	s24 =	sor.u32 $0x200, s1  }
0x108: {  	s1 =	sadd.s32 $0x4, s0;
	s0 =	sadd.s32 $0x0, s24  }
0x109: {  	[tilespmem:s0], [sflag:$0x1] =	stream.linear.gather [hbm4b:s1+s3], $0x10, $0x38;
	[tilespmem:$0x14A00] =	vst v63  }
0x10a: {  	s12 =	sadd.s32 $0x10, s1;
	s11 =	sadd.s32 $0x80, s0  }
0x10b: {  	[tilespmem:s11], [sflag:$0x1] =	stream.linear.gather [hbm4b:s12+s3], $0x10, $0x38;
	[tilespmem:$0x14A00] =	vst v63  }
0x10c: {  	s28 =	simm.s32 $0x20000;
	s25 =	sadd.s32 $0x20, s1;
	s26 =	sadd.s32 $0x100, s0  }
0x10d: {  	[tilespmem:s26], [sflag:$0x1] =	stream.linear.gather [hbm4b:s25+s3], $0x10, $0x38;
	[tilespmem:$0x14A00] =	vst v63  }
0x10e: {  	s30 =	sadd.s32 $0x30, s1;
	s29 =	sadd.s32 $0x70, s1;
	s31 =	sadd.s32 $0x180, s0  }
0x10f: {  	[tilespmem:s31], [sflag:$0x1] =	stream.linear.gather [hbm4b:s30+s3], $0x10, $0x38;
	[tilespmem:$0x14A00] =	vst v63  }
0x110: {  	s11 =	sadd.s32 $0x40, s1;
	s12 =	sadd.s32 $0x200, s0;
	s25 =	sadd.s32 $0x50, s1  }
0x111: {  	[tilespmem:s12], [sflag:$0x1] =	stream.linear.gather [hbm4b:s11+s3], $0x10, $0x38;
	[tilespmem:$0x14A00] =	vst v63  }
0x112: {  	s26 =	sadd.s32 $0x280, s0;
	s30 =	sadd.s32 $0x60, s1;
	s31 =	sadd.s32 $0x300, s0  }
0x113: {  	[tilespmem:s26], [sflag:$0x1] =	stream.linear.gather [hbm4b:s25+s3], $0x10, $0x38;
	[tilespmem:$0x14A00] =	vst v63  }
0x114: {  	s0 =	sadd.s32 $0x380, s0;
	s26 =	simm.s32 $0x4000;
	s25 =	sadd.s32 $0xF4280, s1  }
0x115: {  	[tilespmem:s31], [sflag:$0x1] =	stream.linear.gather [hbm4b:s30+s3], $0x10, $0x38;
	[tilespmem:$0x14A00] =	vst v63  }
.LBB2_27:
0x116: {  	[tilespmem:s0], [sflag:$0x1] =	stream.linear.gather [hbm4b:s29+s3], $0x10, $0x38;
	[tilespmem:$0x14A00] =	vst v63  }
0x117: {  	s0 =	smov.u32 s28  }
0x118: {  	s1 =	sadd.s32 $0x10000, s28;
	s10 =	sadd.s32 s26, s24;
	s26 =	sshra.s32 s0, $0x2  }
0x119: {  	[tilespmem:s10], [sflag:$0x1] =	stream.linear.gather [hbm4b:s25+s3], $0x10, $0x38;
	[tilespmem:$0x14A00] =	vst v63  }
0x11a: {  	p0 =	sne.s32 s28, $0x30000;
	s0 =	sadd.s32 $0x10, s25;
	s11 =	sadd.s32 $0x80, s10  }
0x11b: {  	[tilespmem:s11], [sflag:$0x1] =	stream.linear.gather [hbm4b:s0+s3], $0x10, $0x38;
	[tilespmem:$0x14A00] =	vst v63  }
0x11c: {  	s0 =	sadd.s32 $0x20, s25;
	s11 =	sadd.s32 $0x100, s10  }
0x11d: {  	[tilespmem:s11], [sflag:$0x1] =	stream.linear.gather [hbm4b:s0+s3], $0x10, $0x38;
	[tilespmem:$0x14A00] =	vst v63  }
0x11e: {  	s0 =	sadd.s32 $0x30, s25;
	s11 =	sadd.s32 $0x180, s10  }
0x11f: {  	[tilespmem:s11], [sflag:$0x1] =	stream.linear.gather [hbm4b:s0+s3], $0x10, $0x38;
	[tilespmem:$0x14A00] =	vst v63  }
0x120: {  	s0 =	sadd.s32 $0x40, s25;
	s11 =	sadd.s32 $0x200, s10  }
0x121: {  	[tilespmem:s11], [sflag:$0x1] =	stream.linear.gather [hbm4b:s0+s3], $0x10, $0x38;
	[tilespmem:$0x14A00] =	vst v63  }
.Ltmp8:
0x122: {  	s0 =	sadd.s32 $0x50, s25;
	s11 =	sadd.s32 $0x280, s10;
	(pc) =	sbr.rel @p0 .LBB2_27-.Ltmp8, $4  }
0x123: {  	[tilespmem:s11], [sflag:$0x1] =	stream.linear.gather [hbm4b:s0+s3], $0x10, $0x38;
	[tilespmem:$0x14A00] =	vst v63  }
0x124: {  	s29 =	sadd.s32 $0x70, s25;
	s0 =	sadd.s32 $0x60, s25;
	s11 =	sadd.s32 $0x300, s10  }
0x125: {  	[tilespmem:s11], [sflag:$0x1] =	stream.linear.gather [hbm4b:s0+s3], $0x10, $0x38;
	[tilespmem:$0x14A00] =	vst v63  }
0x126: {  	s28 =	smov.u32 s1;
	s25 =	sadd.s32 $0xF4280, s25;
	s0 =	sadd.s32 $0x380, s10  }
0x127: {  	[tilespmem:s0], [sflag:$0x1] =	stream.linear.gather [hbm4b:s29+s3], $0x10, $0x38;
	[tilespmem:$0x14A00] =	vst v63  }
0x128: {  	s0 =	sadd.s32 s26, s24  }
0x129: {  	[tilespmem:s0], [sflag:$0x1] =	stream.linear.gather [hbm4b:s25+s3], $0x10, $0x38;
	[tilespmem:$0x14A00] =	vst v63  }
0x12a: {  	s1 =	sadd.s32 $0x10, s25;
	s10 =	sadd.s32 $0x80, s0  }
0x12b: {  	[tilespmem:s10], [sflag:$0x1] =	stream.linear.gather [hbm4b:s1+s3], $0x10, $0x38;
	[tilespmem:$0x14A00] =	vst v63  }
0x12c: {  	s30 =	sadd.s32 $0x20, s25;
	s31 =	sadd.s32 $0x100, s0  }
0x12d: {  	[tilespmem:s31], [sflag:$0x1] =	stream.linear.gather [hbm4b:s30+s3], $0x10, $0x38;
	[tilespmem:$0x14A00] =	vst v63  }
0x12e: {  	s11 =	sadd.s32 $0x180, s0;
	s10 =	sadd.s32 $0x30, s25  }
0x12f: {  	[tilespmem:s11], [sflag:$0x1] =	stream.linear.gather [hbm4b:s10+s3], $0x10, $0x38;
	[tilespmem:$0x14A00] =	vst v63  }
0x130: {  	s12 =	sadd.s32 $0x40, s25;
	s23 =	sadd.s32 $0x1, s23;
	s24 =	sadd.s32 $0x200, s0  }
0x131: {  	[tilespmem:s24], [sflag:$0x1] =	stream.linear.gather [hbm4b:s12+s3], $0x10, $0x38;
	[tilespmem:$0x14A00] =	vst v63  }
0x132: {  	s26 =	sadd.s32 $0x50, s25;
	s28 =	sadd.s32 $0x280, s0;
	p0 =	seq.s32 s23, s22  }
0x133: {  	[tilespmem:s28], [sflag:$0x1] =	stream.linear.gather [hbm4b:s26+s3], $0x10, $0x38;
	[tilespmem:$0x14A00] =	vst v63  }
.Ltmp9:
0x134: {  	_ = 	snop;
	(pc) =	sbr.rel @!p0 .LBB2_26-.Ltmp9, $4  }
0x135: {  	s29 =	sadd.s32 $0x60, s25;
	s30 =	sadd.s32 $0x300, s0  }
0x136: {  	[tilespmem:s30], [sflag:$0x1] =	stream.linear.gather [hbm4b:s29+s3], $0x10, $0x38;
	[tilespmem:$0x14A00] =	vst v63  }
0x137: {  	s31 =	sadd.s32 $0x70, s25;
	s0 =	sadd.s32 $0x380, s0  }
0x138: {  	[tilespmem:s0], [sflag:$0x1] =	stream.linear.gather [hbm4b:s31+s3], $0x10, $0x38;
	[tilespmem:$0x14A00] =	vst v63  }
.LBB2_7:
0x139: {  	p0 =	sgt.s32 s21, $0x0  }
.Ltmp10:
0x13a: {  	_ = 	snop;
	(pc) =	sbr.rel @!p0 .LBB2_8-.Ltmp10, $2  }
0x13b: {  	_ =	sdelay $0x2  }
0x13c: {  	s22 =	simm.s32 $0x0  }
.LBB2_29:
0x13d: {  	s0 =	sshll.u32 s22, $0x3  }
0x13e: {  	s1 =	sand.u32 $0x70, s22;
	s0 =	sand.u32 $0xFFFFFC00, s0  }
0x13f: {  	s0 =	sor.u32 s1, s0  }
0x140: {  	v5 =	vld [tilespmem:s0+$0x14380];
	_ =	sdelay $0x2  }
0x141: {  	s24 =	sand.u32 $0xF, s22  }
0x142: {  	v6 =	vmov s24  }
0x143: {  	vm0 =	veq.s32 v6, v0;
	v5 =	vxor.u32 $0x80000000, v5  }
0x144: {  	v5 =	vnsel vm0, $0x80000000, v5  }
0x145: {  	(xrf0) =	vmax.scan.msk.u32 $0xffff, v5;
	_ =	sdelay $0x5  }
0x146: {  	v5, _, _ =	vpop (xrf0)  }
0x147: {  	(v2sf) =	vpush v5, $0xF;
	_ =	sdelay $0xe  }
0x148: {  	s25 =	spop (v2sf)  }
0x149: {  	s26 =	sshra.s32 s25, $0x10  }
0x14a: {  	s10 =	sshll.u32 s26, $0x3  }
0x14b: {  	s1 =	sand.u32 $0x70, s26;
	s10 =	sand.u32 $0xFFFFFC00, s10  }
0x14c: {  	s1 =	sor.u32 s1, s10  }
0x14d: {  	s0 =	sand.u32 $0xFFF80, s25;
	s1 =	sxor.u32 $0xFFFC0000, s1  }
0x14e: {  	s0 =	sadd.s32 s2, s0;
	s23 =	sor.u32 $0x200, s1  }
0x14f: {  	s1 =	sadd.s32 $0x6, s0;
	s0 =	sadd.s32 $0x0, s23  }
0x150: {  	[tilespmem:s0], [sflag:$0x1] =	stream.linear.gather [hbm4b:s1+s3], $0x10, $0x38;
	[tilespmem:$0x14A00] =	vst v63  }
0x151: {  	s29 =	sadd.s32 $0x10, s1;
	s11 =	sadd.s32 $0x80, s0  }
0x152: {  	[tilespmem:s11], [sflag:$0x1] =	stream.linear.gather [hbm4b:s29+s3], $0x10, $0x38;
	[tilespmem:$0x14A00] =	vst v63  }
0x153: {  	s30 =	sadd.s32 $0x20, s1;
	s24 =	sadd.s32 $0x40, s1;
	s31 =	sadd.s32 $0x100, s0  }
0x154: {  	[tilespmem:s31], [sflag:$0x1] =	stream.linear.gather [hbm4b:s30+s3], $0x10, $0x38;
	[tilespmem:$0x14A00] =	vst v63  }
0x155: {  	s26 =	sadd.s32 $0x50, s1;
	s12 =	sadd.s32 $0x180, s0;
	s11 =	sadd.s32 $0x30, s1  }
0x156: {  	[tilespmem:s12], [sflag:$0x1] =	stream.linear.gather [hbm4b:s11+s3], $0x10, $0x38;
	[tilespmem:$0x14A00] =	vst v63  }
0x157: {  	s28 =	sadd.s32 $0x70, s1;
	s25 =	sadd.s32 $0x200, s0;
	s29 =	sadd.s32 $0x280, s0  }
0x158: {  	[tilespmem:s25], [sflag:$0x1] =	stream.linear.gather [hbm4b:s24+s3], $0x10, $0x38;
	[tilespmem:$0x14A00] =	vst v63  }
0x159: {  	s30 =	sadd.s32 $0x60, s1;
	s31 =	sadd.s32 $0x300, s0;
	s0 =	sadd.s32 $0x380, s0  }
0x15a: {  	[tilespmem:s29], [sflag:$0x1] =	stream.linear.gather [hbm4b:s26+s3], $0x10, $0x38;
	[tilespmem:$0x14A00] =	vst v63  }
0x15b: {  	s25 =	simm.s32 $0x4000;
	s24 =	sadd.s32 $0xF4280, s1;
	s26 =	simm.s32 $0x20000  }
0x15c: {  	[tilespmem:s31], [sflag:$0x1] =	stream.linear.gather [hbm4b:s30+s3], $0x10, $0x38;
	[tilespmem:$0x14A00] =	vst v63  }
.LBB2_30:
0x15d: {  	[tilespmem:s0], [sflag:$0x1] =	stream.linear.gather [hbm4b:s28+s3], $0x10, $0x38;
	[tilespmem:$0x14A00] =	vst v63  }
0x15e: {  	s0 =	smov.u32 s26  }
0x15f: {  	s1 =	sadd.s32 $0x10000, s26;
	s10 =	sadd.s32 s25, s23;
	s25 =	sshra.s32 s0, $0x2  }
0x160: {  	[tilespmem:s10], [sflag:$0x1] =	stream.linear.gather [hbm4b:s24+s3], $0x10, $0x38;
	[tilespmem:$0x14A00] =	vst v63  }
0x161: {  	p0 =	sne.s32 s26, $0x30000;
	s0 =	sadd.s32 $0x10, s24;
	s11 =	sadd.s32 $0x80, s10  }
0x162: {  	[tilespmem:s11], [sflag:$0x1] =	stream.linear.gather [hbm4b:s0+s3], $0x10, $0x38;
	[tilespmem:$0x14A00] =	vst v63  }
0x163: {  	s0 =	sadd.s32 $0x20, s24;
	s11 =	sadd.s32 $0x100, s10  }
0x164: {  	[tilespmem:s11], [sflag:$0x1] =	stream.linear.gather [hbm4b:s0+s3], $0x10, $0x38;
	[tilespmem:$0x14A00] =	vst v63  }
0x165: {  	s0 =	sadd.s32 $0x30, s24;
	s11 =	sadd.s32 $0x180, s10  }
0x166: {  	[tilespmem:s11], [sflag:$0x1] =	stream.linear.gather [hbm4b:s0+s3], $0x10, $0x38;
	[tilespmem:$0x14A00] =	vst v63  }
0x167: {  	s0 =	sadd.s32 $0x40, s24;
	s11 =	sadd.s32 $0x200, s10  }
0x168: {  	[tilespmem:s11], [sflag:$0x1] =	stream.linear.gather [hbm4b:s0+s3], $0x10, $0x38;
	[tilespmem:$0x14A00] =	vst v63  }
.Ltmp11:
0x169: {  	s0 =	sadd.s32 $0x50, s24;
	s11 =	sadd.s32 $0x280, s10;
	(pc) =	sbr.rel @p0 .LBB2_30-.Ltmp11, $4  }
0x16a: {  	[tilespmem:s11], [sflag:$0x1] =	stream.linear.gather [hbm4b:s0+s3], $0x10, $0x38;
	[tilespmem:$0x14A00] =	vst v63  }
0x16b: {  	s28 =	sadd.s32 $0x70, s24;
	s0 =	sadd.s32 $0x60, s24;
	s11 =	sadd.s32 $0x300, s10  }
0x16c: {  	[tilespmem:s11], [sflag:$0x1] =	stream.linear.gather [hbm4b:s0+s3], $0x10, $0x38;
	[tilespmem:$0x14A00] =	vst v63  }
0x16d: {  	s26 =	smov.u32 s1;
	s24 =	sadd.s32 $0xF4280, s24;
	s0 =	sadd.s32 $0x380, s10  }
0x16e: {  	[tilespmem:s0], [sflag:$0x1] =	stream.linear.gather [hbm4b:s28+s3], $0x10, $0x38;
	[tilespmem:$0x14A00] =	vst v63  }
0x16f: {  	s0 =	sadd.s32 s25, s23  }
0x170: {  	[tilespmem:s0], [sflag:$0x1] =	stream.linear.gather [hbm4b:s24+s3], $0x10, $0x38;
	[tilespmem:$0x14A00] =	vst v63  }
0x171: {  	s1 =	sadd.s32 $0x10, s24;
	s10 =	sadd.s32 $0x80, s0  }
0x172: {  	[tilespmem:s10], [sflag:$0x1] =	stream.linear.gather [hbm4b:s1+s3], $0x10, $0x38;
	[tilespmem:$0x14A00] =	vst v63  }
0x173: {  	s30 =	sadd.s32 $0x20, s24;
	s31 =	sadd.s32 $0x100, s0  }
0x174: {  	[tilespmem:s31], [sflag:$0x1] =	stream.linear.gather [hbm4b:s30+s3], $0x10, $0x38;
	[tilespmem:$0x14A00] =	vst v63  }
0x175: {  	s11 =	sadd.s32 $0x30, s24;
	s12 =	sadd.s32 $0x180, s0  }
0x176: {  	[tilespmem:s12], [sflag:$0x1] =	stream.linear.gather [hbm4b:s11+s3], $0x10, $0x38;
	[tilespmem:$0x14A00] =	vst v63  }
0x177: {  	s23 =	sadd.s32 $0x40, s24;
	s22 =	sadd.s32 $0x1, s22;
	s25 =	sadd.s32 $0x200, s0  }
0x178: {  	[tilespmem:s25], [sflag:$0x1] =	stream.linear.gather [hbm4b:s23+s3], $0x10, $0x38;
	[tilespmem:$0x14A00] =	vst v63  }
0x179: {  	s26 =	sadd.s32 $0x50, s24;
	s28 =	sadd.s32 $0x280, s0;
	p0 =	seq.s32 s22, s21  }
0x17a: {  	[tilespmem:s28], [sflag:$0x1] =	stream.linear.gather [hbm4b:s26+s3], $0x10, $0x38;
	[tilespmem:$0x14A00] =	vst v63  }
.Ltmp12:
0x17b: {  	_ = 	snop;
	(pc) =	sbr.rel @!p0 .LBB2_29-.Ltmp12, $4  }
0x17c: {  	s29 =	sadd.s32 $0x60, s24;
	s30 =	sadd.s32 $0x300, s0  }
0x17d: {  	[tilespmem:s30], [sflag:$0x1] =	stream.linear.gather [hbm4b:s29+s3], $0x10, $0x38;
	[tilespmem:$0x14A00] =	vst v63  }
0x17e: {  	s31 =	sadd.s32 $0x70, s24;
	s0 =	sadd.s32 $0x380, s0  }
0x17f: {  	[tilespmem:s0], [sflag:$0x1] =	stream.linear.gather [hbm4b:s31+s3], $0x10, $0x38;
	[tilespmem:$0x14A00] =	vst v63  }
.LBB2_8:
0x180: {  	p0 =	sgt.s32 s20, $0x0  }
.Ltmp13:
0x181: {  	_ = 	snop;
	(pc) =	sbr.rel @!p0 .LBB2_9-.Ltmp13, $2  }
0x182: {  	_ =	sdelay $0x2  }
0x183: {  	s21 =	simm.s32 $0x0  }
.LBB2_32:
0x184: {  	s0 =	sshll.u32 s21, $0x3  }
0x185: {  	s1 =	sand.u32 $0x70, s21;
	s0 =	sand.u32 $0xFFFFFC00, s0  }
0x186: {  	s0 =	sor.u32 s1, s0  }
0x187: {  	v5 =	vld [tilespmem:s0+$0x14400];
	_ =	sdelay $0x2  }
0x188: {  	s28 =	sand.u32 $0xF, s21  }
0x189: {  	v6 =	vmov s28  }
0x18a: {  	vm0 =	veq.s32 v6, v0;
	v5 =	vxor.u32 $0x80000000, v5  }
0x18b: {  	v5 =	vnsel vm0, $0x80000000, v5  }
0x18c: {  	(xrf0) =	vmax.scan.msk.u32 $0xffff, v5;
	_ =	sdelay $0x5  }
0x18d: {  	v5, _, _ =	vpop (xrf0)  }
0x18e: {  	(v2sf) =	vpush v5, $0xF;
	_ =	sdelay $0xe  }
0x18f: {  	s29 =	spop (v2sf)  }
0x190: {  	s30 =	sshra.s32 s29, $0x10  }
0x191: {  	s10 =	sshll.u32 s30, $0x3  }
0x192: {  	s1 =	sand.u32 $0x70, s30;
	s10 =	sand.u32 $0xFFFFFC00, s10  }
0x193: {  	s1 =	sor.u32 s1, s10  }
0x194: {  	s0 =	sand.u32 $0xFFF80, s29;
	s1 =	sxor.u32 $0xFFFC0000, s1  }
0x195: {  	s0 =	sadd.s32 s2, s0;
	s22 =	sor.u32 $0x200, s1  }
0x196: {  	s1 =	sadd.s32 $0x8, s0;
	s0 =	sadd.s32 $0x0, s22  }
0x197: {  	[tilespmem:s0], [sflag:$0x1] =	stream.linear.gather [hbm4b:s1+s3], $0x10, $0x38;
	[tilespmem:$0x14A00] =	vst v63  }
0x198: {  	s31 =	sadd.s32 $0x10, s1;
	s11 =	sadd.s32 $0x80, s0  }
0x199: {  	[tilespmem:s11], [sflag:$0x1] =	stream.linear.gather [hbm4b:s31+s3], $0x10, $0x38;
	[tilespmem:$0x14A00] =	vst v63  }
0x19a: {  	s23 =	sadd.s32 $0x30, s1;
	s12 =	sadd.s32 $0x100, s0;
	s11 =	sadd.s32 $0x20, s1  }
0x19b: {  	[tilespmem:s12], [sflag:$0x1] =	stream.linear.gather [hbm4b:s11+s3], $0x10, $0x38;
	[tilespmem:$0x14A00] =	vst v63  }
0x19c: {  	s25 =	sadd.s32 $0x40, s1;
	s28 =	sadd.s32 $0x50, s1;
	s24 =	sadd.s32 $0x180, s0  }
0x19d: {  	[tilespmem:s24], [sflag:$0x1] =	stream.linear.gather [hbm4b:s23+s3], $0x10, $0x38;
	[tilespmem:$0x14A00] =	vst v63  }
0x19e: {  	s30 =	sadd.s32 $0x60, s1;
	s26 =	sadd.s32 $0x200, s0;
	s29 =	sadd.s32 $0x280, s0  }
0x19f: {  	[tilespmem:s26], [sflag:$0x1] =	stream.linear.gather [hbm4b:s25+s3], $0x10, $0x38;
	[tilespmem:$0x14A00] =	vst v63  }
0x1a0: {  	s31 =	sadd.s32 $0x300, s0;
	s0 =	sadd.s32 $0x380, s0;
	s24 =	simm.s32 $0x4000  }
0x1a1: {  	[tilespmem:s29], [sflag:$0x1] =	stream.linear.gather [hbm4b:s28+s3], $0x10, $0x38;
	[tilespmem:$0x14A00] =	vst v63  }
0x1a2: {  	s23 =	sadd.s32 $0xF4280, s1;
	s25 =	simm.s32 $0x20000;
	s26 =	sadd.s32 $0x70, s1  }
0x1a3: {  	[tilespmem:s31], [sflag:$0x1] =	stream.linear.gather [hbm4b:s30+s3], $0x10, $0x38;
	[tilespmem:$0x14A00] =	vst v63  }
.LBB2_33:
0x1a4: {  	[tilespmem:s0], [sflag:$0x1] =	stream.linear.gather [hbm4b:s26+s3], $0x10, $0x38;
	[tilespmem:$0x14A00] =	vst v63  }
0x1a5: {  	s0 =	smov.u32 s25  }
0x1a6: {  	s1 =	sadd.s32 $0x10000, s25;
	s10 =	sadd.s32 s24, s22;
	s24 =	sshra.s32 s0, $0x2  }
0x1a7: {  	[tilespmem:s10], [sflag:$0x1] =	stream.linear.gather [hbm4b:s23+s3], $0x10, $0x38;
	[tilespmem:$0x14A00] =	vst v63  }
0x1a8: {  	p0 =	sne.s32 s25, $0x30000;
	s0 =	sadd.s32 $0x10, s23;
	s11 =	sadd.s32 $0x80, s10  }
0x1a9: {  	[tilespmem:s11], [sflag:$0x1] =	stream.linear.gather [hbm4b:s0+s3], $0x10, $0x38;
	[tilespmem:$0x14A00] =	vst v63  }
0x1aa: {  	s0 =	sadd.s32 $0x20, s23;
	s11 =	sadd.s32 $0x100, s10  }
0x1ab: {  	[tilespmem:s11], [sflag:$0x1] =	stream.linear.gather [hbm4b:s0+s3], $0x10, $0x38;
	[tilespmem:$0x14A00] =	vst v63  }
0x1ac: {  	s0 =	sadd.s32 $0x30, s23;
	s11 =	sadd.s32 $0x180, s10  }
0x1ad: {  	[tilespmem:s11], [sflag:$0x1] =	stream.linear.gather [hbm4b:s0+s3], $0x10, $0x38;
	[tilespmem:$0x14A00] =	vst v63  }
0x1ae: {  	s0 =	sadd.s32 $0x40, s23;
	s11 =	sadd.s32 $0x200, s10  }
0x1af: {  	[tilespmem:s11], [sflag:$0x1] =	stream.linear.gather [hbm4b:s0+s3], $0x10, $0x38;
	[tilespmem:$0x14A00] =	vst v63  }
.Ltmp14:
0x1b0: {  	s0 =	sadd.s32 $0x50, s23;
	s11 =	sadd.s32 $0x280, s10;
	(pc) =	sbr.rel @p0 .LBB2_33-.Ltmp14, $4  }
0x1b1: {  	[tilespmem:s11], [sflag:$0x1] =	stream.linear.gather [hbm4b:s0+s3], $0x10, $0x38;
	[tilespmem:$0x14A00] =	vst v63  }
0x1b2: {  	s26 =	sadd.s32 $0x70, s23;
	s0 =	sadd.s32 $0x60, s23;
	s11 =	sadd.s32 $0x300, s10  }
0x1b3: {  	[tilespmem:s11], [sflag:$0x1] =	stream.linear.gather [hbm4b:s0+s3], $0x10, $0x38;
	[tilespmem:$0x14A00] =	vst v63  }
0x1b4: {  	s25 =	smov.u32 s1;
	s23 =	sadd.s32 $0xF4280, s23;
	s0 =	sadd.s32 $0x380, s10  }
0x1b5: {  	[tilespmem:s0], [sflag:$0x1] =	stream.linear.gather [hbm4b:s26+s3], $0x10, $0x38;
	[tilespmem:$0x14A00] =	vst v63  }
0x1b6: {  	s0 =	sadd.s32 s24, s22  }
0x1b7: {  	[tilespmem:s0], [sflag:$0x1] =	stream.linear.gather [hbm4b:s23+s3], $0x10, $0x38;
	[tilespmem:$0x14A00] =	vst v63  }
0x1b8: {  	s1 =	sadd.s32 $0x10, s23;
	s10 =	sadd.s32 $0x80, s0  }
0x1b9: {  	[tilespmem:s10], [sflag:$0x1] =	stream.linear.gather [hbm4b:s1+s3], $0x10, $0x38;
	[tilespmem:$0x14A00] =	vst v63  }
0x1ba: {  	s11 =	sadd.s32 $0x100, s0;
	s10 =	sadd.s32 $0x20, s23  }
0x1bb: {  	[tilespmem:s11], [sflag:$0x1] =	stream.linear.gather [hbm4b:s10+s3], $0x10, $0x38;
	[tilespmem:$0x14A00] =	vst v63  }
0x1bc: {  	s12 =	sadd.s32 $0x30, s23;
	s22 =	sadd.s32 $0x180, s0  }
0x1bd: {  	[tilespmem:s22], [sflag:$0x1] =	stream.linear.gather [hbm4b:s12+s3], $0x10, $0x38;
	[tilespmem:$0x14A00] =	vst v63  }
0x1be: {  	s24 =	sadd.s32 $0x40, s23;
	s21 =	sadd.s32 $0x1, s21;
	s25 =	sadd.s32 $0x200, s0  }
0x1bf: {  	[tilespmem:s25], [sflag:$0x1] =	stream.linear.gather [hbm4b:s24+s3], $0x10, $0x38;
	[tilespmem:$0x14A00] =	vst v63  }
0x1c0: {  	s26 =	sadd.s32 $0x50, s23;
	s28 =	sadd.s32 $0x280, s0;
	p0 =	seq.s32 s21, s20  }
0x1c1: {  	[tilespmem:s28], [sflag:$0x1] =	stream.linear.gather [hbm4b:s26+s3], $0x10, $0x38;
	[tilespmem:$0x14A00] =	vst v63  }
.Ltmp15:
0x1c2: {  	_ = 	snop;
	(pc) =	sbr.rel @!p0 .LBB2_32-.Ltmp15, $4  }
0x1c3: {  	s29 =	sadd.s32 $0x60, s23;
	s30 =	sadd.s32 $0x300, s0  }
0x1c4: {  	[tilespmem:s30], [sflag:$0x1] =	stream.linear.gather [hbm4b:s29+s3], $0x10, $0x38;
	[tilespmem:$0x14A00] =	vst v63  }
0x1c5: {  	s31 =	sadd.s32 $0x70, s23;
	s0 =	sadd.s32 $0x380, s0  }
0x1c6: {  	[tilespmem:s0], [sflag:$0x1] =	stream.linear.gather [hbm4b:s31+s3], $0x10, $0x38;
	[tilespmem:$0x14A00] =	vst v63  }
.LBB2_9:
0x1c7: {  	p0 =	sgt.s32 s19, $0x0  }
.Ltmp16:
0x1c8: {  	_ = 	snop;
	(pc) =	sbr.rel @!p0 .LBB2_10-.Ltmp16, $2  }
0x1c9: {  	_ =	sdelay $0x2  }
0x1ca: {  	s20 =	simm.s32 $0x0  }
.LBB2_35:
0x1cb: {  	s0 =	sshll.u32 s20, $0x3  }
0x1cc: {  	s1 =	sand.u32 $0x70, s20;
	s0 =	sand.u32 $0xFFFFFC00, s0  }
0x1cd: {  	s0 =	sor.u32 s1, s0  }
0x1ce: {  	v5 =	vld [tilespmem:s0+$0x14480];
	_ =	sdelay $0x2  }
0x1cf: {  	s28 =	sand.u32 $0xF, s20  }
0x1d0: {  	v6 =	vmov s28  }
0x1d1: {  	vm0 =	veq.s32 v6, v0;
	v5 =	vxor.u32 $0x80000000, v5  }
0x1d2: {  	v5 =	vnsel vm0, $0x80000000, v5  }
0x1d3: {  	(xrf0) =	vmax.scan.msk.u32 $0xffff, v5;
	_ =	sdelay $0x5  }
0x1d4: {  	v5, _, _ =	vpop (xrf0)  }
0x1d5: {  	(v2sf) =	vpush v5, $0xF;
	_ =	sdelay $0xe  }
0x1d6: {  	s29 =	spop (v2sf)  }
0x1d7: {  	s30 =	sshra.s32 s29, $0x10  }
0x1d8: {  	s10 =	sshll.u32 s30, $0x3  }
0x1d9: {  	s1 =	sand.u32 $0x70, s30;
	s10 =	sand.u32 $0xFFFFFC00, s10  }
0x1da: {  	s1 =	sor.u32 s1, s10  }
0x1db: {  	s0 =	sand.u32 $0xFFF80, s29;
	s1 =	sxor.u32 $0xFFFC0000, s1  }
0x1dc: {  	s0 =	sadd.s32 s2, s0;
	s21 =	sor.u32 $0x200, s1  }
0x1dd: {  	s1 =	sadd.s32 $0xA, s0;
	s0 =	sadd.s32 $0x0, s21  }
0x1de: {  	[tilespmem:s0], [sflag:$0x1] =	stream.linear.gather [hbm4b:s1+s3], $0x10, $0x38;
	[tilespmem:$0x14A00] =	vst v63  }
0x1df: {  	s31 =	sadd.s32 $0x10, s1;
	s11 =	sadd.s32 $0x80, s0  }
0x1e0: {  	[tilespmem:s11], [sflag:$0x1] =	stream.linear.gather [hbm4b:s31+s3], $0x10, $0x38;
	[tilespmem:$0x14A00] =	vst v63  }
0x1e1: {  	s12 =	sadd.s32 $0x20, s1;
	s23 =	sadd.s32 $0x30, s1;
	s22 =	sadd.s32 $0x100, s0  }
0x1e2: {  	[tilespmem:s22], [sflag:$0x1] =	stream.linear.gather [hbm4b:s12+s3], $0x10, $0x38;
	[tilespmem:$0x14A00] =	vst v63  }
0x1e3: {  	s25 =	sadd.s32 $0x40, s1;
	s28 =	sadd.s32 $0x50, s1;
	s24 =	sadd.s32 $0x180, s0  }
0x1e4: {  	[tilespmem:s24], [sflag:$0x1] =	stream.linear.gather [hbm4b:s23+s3], $0x10, $0x38;
	[tilespmem:$0x14A00] =	vst v63  }
0x1e5: {  	s30 =	sadd.s32 $0x60, s1;
	s26 =	sadd.s32 $0x200, s0;
	s29 =	sadd.s32 $0x280, s0  }
0x1e6: {  	[tilespmem:s26], [sflag:$0x1] =	stream.linear.gather [hbm4b:s25+s3], $0x10, $0x38;
	[tilespmem:$0x14A00] =	vst v63  }
0x1e7: {  	s31 =	sadd.s32 $0x300, s0;
	s0 =	sadd.s32 $0x380, s0;
	s22 =	sadd.s32 $0xF4280, s1  }
0x1e8: {  	[tilespmem:s29], [sflag:$0x1] =	stream.linear.gather [hbm4b:s28+s3], $0x10, $0x38;
	[tilespmem:$0x14A00] =	vst v63  }
0x1e9: {  	s23 =	simm.s32 $0x4000;
	s24 =	simm.s32 $0x20000;
	s25 =	sadd.s32 $0x70, s1  }
0x1ea: {  	[tilespmem:s31], [sflag:$0x1] =	stream.linear.gather [hbm4b:s30+s3], $0x10, $0x38;
	[tilespmem:$0x14A00] =	vst v63  }
.LBB2_36:
0x1eb: {  	[tilespmem:s0], [sflag:$0x1] =	stream.linear.gather [hbm4b:s25+s3], $0x10, $0x38;
	[tilespmem:$0x14A00] =	vst v63  }
0x1ec: {  	s0 =	smov.u32 s24  }
0x1ed: {  	s1 =	sadd.s32 $0x10000, s24;
	s10 =	sadd.s32 s23, s21;
	s23 =	sshra.s32 s0, $0x2  }
0x1ee: {  	[tilespmem:s10], [sflag:$0x1] =	stream.linear.gather [hbm4b:s22+s3], $0x10, $0x38;
	[tilespmem:$0x14A00] =	vst v63  }
0x1ef: {  	p0 =	sne.s32 s24, $0x30000;
	s0 =	sadd.s32 $0x10, s22;
	s11 =	sadd.s32 $0x80, s10  }
0x1f0: {  	[tilespmem:s11], [sflag:$0x1] =	stream.linear.gather [hbm4b:s0+s3], $0x10, $0x38;
	[tilespmem:$0x14A00] =	vst v63  }
0x1f1: {  	s0 =	sadd.s32 $0x20, s22;
	s11 =	sadd.s32 $0x100, s10  }
0x1f2: {  	[tilespmem:s11], [sflag:$0x1] =	stream.linear.gather [hbm4b:s0+s3], $0x10, $0x38;
	[tilespmem:$0x14A00] =	vst v63  }
0x1f3: {  	s0 =	sadd.s32 $0x30, s22;
	s11 =	sadd.s32 $0x180, s10  }
0x1f4: {  	[tilespmem:s11], [sflag:$0x1] =	stream.linear.gather [hbm4b:s0+s3], $0x10, $0x38;
	[tilespmem:$0x14A00] =	vst v63  }
0x1f5: {  	s0 =	sadd.s32 $0x40, s22;
	s11 =	sadd.s32 $0x200, s10  }
0x1f6: {  	[tilespmem:s11], [sflag:$0x1] =	stream.linear.gather [hbm4b:s0+s3], $0x10, $0x38;
	[tilespmem:$0x14A00] =	vst v63  }
.Ltmp17:
0x1f7: {  	s0 =	sadd.s32 $0x50, s22;
	s11 =	sadd.s32 $0x280, s10;
	(pc) =	sbr.rel @p0 .LBB2_36-.Ltmp17, $4  }
0x1f8: {  	[tilespmem:s11], [sflag:$0x1] =	stream.linear.gather [hbm4b:s0+s3], $0x10, $0x38;
	[tilespmem:$0x14A00] =	vst v63  }
0x1f9: {  	s25 =	sadd.s32 $0x70, s22;
	s0 =	sadd.s32 $0x60, s22;
	s11 =	sadd.s32 $0x300, s10  }
0x1fa: {  	[tilespmem:s11], [sflag:$0x1] =	stream.linear.gather [hbm4b:s0+s3], $0x10, $0x38;
	[tilespmem:$0x14A00] =	vst v63  }
0x1fb: {  	s24 =	smov.u32 s1;
	s22 =	sadd.s32 $0xF4280, s22;
	s0 =	sadd.s32 $0x380, s10  }
0x1fc: {  	[tilespmem:s0], [sflag:$0x1] =	stream.linear.gather [hbm4b:s25+s3], $0x10, $0x38;
	[tilespmem:$0x14A00] =	vst v63  }
0x1fd: {  	s0 =	sadd.s32 s23, s21  }
0x1fe: {  	[tilespmem:s0], [sflag:$0x1] =	stream.linear.gather [hbm4b:s22+s3], $0x10, $0x38;
	[tilespmem:$0x14A00] =	vst v63  }
0x1ff: {  	s1 =	sadd.s32 $0x10, s22;
	s10 =	sadd.s32 $0x80, s0  }
0x200: {  	[tilespmem:s10], [sflag:$0x1] =	stream.linear.gather [hbm4b:s1+s3], $0x10, $0x38;
	[tilespmem:$0x14A00] =	vst v63  }
0x201: {  	s11 =	sadd.s32 $0x20, s22;
	s12 =	sadd.s32 $0x100, s0  }
0x202: {  	[tilespmem:s12], [sflag:$0x1] =	stream.linear.gather [hbm4b:s11+s3], $0x10, $0x38;
	[tilespmem:$0x14A00] =	vst v63  }
0x203: {  	s21 =	sadd.s32 $0x30, s22;
	s23 =	sadd.s32 $0x180, s0  }
0x204: {  	[tilespmem:s23], [sflag:$0x1] =	stream.linear.gather [hbm4b:s21+s3], $0x10, $0x38;
	[tilespmem:$0x14A00] =	vst v63  }
0x205: {  	s24 =	sadd.s32 $0x40, s22;
	s20 =	sadd.s32 $0x1, s20;
	s25 =	sadd.s32 $0x200, s0  }
0x206: {  	[tilespmem:s25], [sflag:$0x1] =	stream.linear.gather [hbm4b:s24+s3], $0x10, $0x38;
	[tilespmem:$0x14A00] =	vst v63  }
0x207: {  	s26 =	sadd.s32 $0x50, s22;
	s28 =	sadd.s32 $0x280, s0;
	p0 =	seq.s32 s20, s19  }
0x208: {  	[tilespmem:s28], [sflag:$0x1] =	stream.linear.gather [hbm4b:s26+s3], $0x10, $0x38;
	[tilespmem:$0x14A00] =	vst v63  }
.Ltmp18:
0x209: {  	_ = 	snop;
	(pc) =	sbr.rel @!p0 .LBB2_35-.Ltmp18, $4  }
0x20a: {  	s29 =	sadd.s32 $0x60, s22;
	s30 =	sadd.s32 $0x300, s0  }
0x20b: {  	[tilespmem:s30], [sflag:$0x1] =	stream.linear.gather [hbm4b:s29+s3], $0x10, $0x38;
	[tilespmem:$0x14A00] =	vst v63  }
0x20c: {  	s31 =	sadd.s32 $0x70, s22;
	s0 =	sadd.s32 $0x380, s0  }
0x20d: {  	[tilespmem:s0], [sflag:$0x1] =	stream.linear.gather [hbm4b:s31+s3], $0x10, $0x38;
	[tilespmem:$0x14A00] =	vst v63  }
.LBB2_10:
0x20e: {  	p0 =	sgt.s32 s18, $0x0  }
.Ltmp19:
0x20f: {  	_ = 	snop;
	(pc) =	sbr.rel @!p0 .LBB2_11-.Ltmp19, $2  }
0x210: {  	_ =	sdelay $0x2  }
0x211: {  	s19 =	simm.s32 $0x0  }
.LBB2_38:
0x212: {  	s0 =	sshll.u32 s19, $0x3  }
0x213: {  	s1 =	sand.u32 $0x70, s19;
	s0 =	sand.u32 $0xFFFFFC00, s0  }
0x214: {  	s0 =	sor.u32 s1, s0  }
0x215: {  	v5 =	vld [tilespmem:s0+$0x14500];
	_ =	sdelay $0x2  }
0x216: {  	s30 =	sand.u32 $0xF, s19  }
0x217: {  	v6 =	vmov s30  }
0x218: {  	vm0 =	veq.s32 v6, v0;
	v5 =	vxor.u32 $0x80000000, v5  }
0x219: {  	v5 =	vnsel vm0, $0x80000000, v5  }
0x21a: {  	(xrf0) =	vmax.scan.msk.u32 $0xffff, v5;
	_ =	sdelay $0x5  }
0x21b: {  	v5, _, _ =	vpop (xrf0)  }
0x21c: {  	(v2sf) =	vpush v5, $0xF;
	_ =	sdelay $0xe  }
0x21d: {  	s31 =	spop (v2sf)  }
0x21e: {  	s11 =	sshra.s32 s31, $0x10  }
0x21f: {  	s10 =	sshll.u32 s11, $0x3  }
0x220: {  	s1 =	sand.u32 $0x70, s11;
	s10 =	sand.u32 $0xFFFFFC00, s10  }
0x221: {  	s1 =	sor.u32 s1, s10  }
0x222: {  	s0 =	sand.u32 $0xFFF80, s31;
	s1 =	sxor.u32 $0xFFFC0000, s1  }
0x223: {  	s0 =	sadd.s32 s2, s0;
	s20 =	sor.u32 $0x200, s1  }
0x224: {  	s1 =	sadd.s32 $0xC, s0;
	s0 =	sadd.s32 $0x0, s20  }
0x225: {  	[tilespmem:s0], [sflag:$0x1] =	stream.linear.gather [hbm4b:s1+s3], $0x10, $0x38;
	[tilespmem:$0x14A00] =	vst v63  }
0x226: {  	s12 =	sadd.s32 $0x10, s1;
	s11 =	sadd.s32 $0x80, s0  }
0x227: {  	[tilespmem:s11], [sflag:$0x1] =	stream.linear.gather [hbm4b:s12+s3], $0x10, $0x38;
	[tilespmem:$0x14A00] =	vst v63  }
0x228: {  	s21 =	sadd.s32 $0x20, s1;
	s23 =	sadd.s32 $0x30, s1;
	s22 =	sadd.s32 $0x100, s0  }
0x229: {  	[tilespmem:s22], [sflag:$0x1] =	stream.linear.gather [hbm4b:s21+s3], $0x10, $0x38;
	[tilespmem:$0x14A00] =	vst v63  }
0x22a: {  	s25 =	sadd.s32 $0x40, s1;
	s28 =	sadd.s32 $0x50, s1;
	s24 =	sadd.s32 $0x180, s0  }
0x22b: {  	[tilespmem:s24], [sflag:$0x1] =	stream.linear.gather [hbm4b:s23+s3], $0x10, $0x38;
	[tilespmem:$0x14A00] =	vst v63  }
0x22c: {  	s30 =	sadd.s32 $0x60, s1;
	s26 =	sadd.s32 $0x200, s0;
	s29 =	sadd.s32 $0x280, s0  }
0x22d: {  	[tilespmem:s26], [sflag:$0x1] =	stream.linear.gather [hbm4b:s25+s3], $0x10, $0x38;
	[tilespmem:$0x14A00] =	vst v63  }
0x22e: {  	s31 =	sadd.s32 $0x300, s0;
	s0 =	sadd.s32 $0x380, s0;
	s22 =	simm.s32 $0x4000  }
0x22f: {  	[tilespmem:s29], [sflag:$0x1] =	stream.linear.gather [hbm4b:s28+s3], $0x10, $0x38;
	[tilespmem:$0x14A00] =	vst v63  }
0x230: {  	s21 =	sadd.s32 $0xF4280, s1;
	s23 =	simm.s32 $0x20000;
	s24 =	sadd.s32 $0x70, s1  }
0x231: {  	[tilespmem:s31], [sflag:$0x1] =	stream.linear.gather [hbm4b:s30+s3], $0x10, $0x38;
	[tilespmem:$0x14A00] =	vst v63  }
.LBB2_39:
0x232: {  	[tilespmem:s0], [sflag:$0x1] =	stream.linear.gather [hbm4b:s24+s3], $0x10, $0x38;
	[tilespmem:$0x14A00] =	vst v63  }
0x233: {  	s0 =	smov.u32 s23  }
0x234: {  	s1 =	sadd.s32 $0x10000, s23;
	s10 =	sadd.s32 s22, s20;
	s22 =	sshra.s32 s0, $0x2  }
0x235: {  	[tilespmem:s10], [sflag:$0x1] =	stream.linear.gather [hbm4b:s21+s3], $0x10, $0x38;
	[tilespmem:$0x14A00] =	vst v63  }
0x236: {  	p0 =	sne.s32 s23, $0x30000;
	s0 =	sadd.s32 $0x10, s21;
	s11 =	sadd.s32 $0x80, s10  }
0x237: {  	[tilespmem:s11], [sflag:$0x1] =	stream.linear.gather [hbm4b:s0+s3], $0x10, $0x38;
	[tilespmem:$0x14A00] =	vst v63  }
0x238: {  	s0 =	sadd.s32 $0x20, s21;
	s11 =	sadd.s32 $0x100, s10  }
0x239: {  	[tilespmem:s11], [sflag:$0x1] =	stream.linear.gather [hbm4b:s0+s3], $0x10, $0x38;
	[tilespmem:$0x14A00] =	vst v63  }
0x23a: {  	s0 =	sadd.s32 $0x30, s21;
	s11 =	sadd.s32 $0x180, s10  }
0x23b: {  	[tilespmem:s11], [sflag:$0x1] =	stream.linear.gather [hbm4b:s0+s3], $0x10, $0x38;
	[tilespmem:$0x14A00] =	vst v63  }
0x23c: {  	s0 =	sadd.s32 $0x40, s21;
	s11 =	sadd.s32 $0x200, s10  }
0x23d: {  	[tilespmem:s11], [sflag:$0x1] =	stream.linear.gather [hbm4b:s0+s3], $0x10, $0x38;
	[tilespmem:$0x14A00] =	vst v63  }
.Ltmp20:
0x23e: {  	s0 =	sadd.s32 $0x50, s21;
	s11 =	sadd.s32 $0x280, s10;
	(pc) =	sbr.rel @p0 .LBB2_39-.Ltmp20, $4  }
0x23f: {  	[tilespmem:s11], [sflag:$0x1] =	stream.linear.gather [hbm4b:s0+s3], $0x10, $0x38;
	[tilespmem:$0x14A00] =	vst v63  }
0x240: {  	s24 =	sadd.s32 $0x70, s21;
	s0 =	sadd.s32 $0x60, s21;
	s11 =	sadd.s32 $0x300, s10  }
0x241: {  	[tilespmem:s11], [sflag:$0x1] =	stream.linear.gather [hbm4b:s0+s3], $0x10, $0x38;
	[tilespmem:$0x14A00] =	vst v63  }
0x242: {  	s23 =	smov.u32 s1;
	s21 =	sadd.s32 $0xF4280, s21;
	s0 =	sadd.s32 $0x380, s10  }
0x243: {  	[tilespmem:s0], [sflag:$0x1] =	stream.linear.gather [hbm4b:s24+s3], $0x10, $0x38;
	[tilespmem:$0x14A00] =	vst v63  }
0x244: {  	s11 =	sadd.s32 s22, s20  }
0x245: {  	[tilespmem:s11], [sflag:$0x1] =	stream.linear.gather [hbm4b:s21+s3], $0x10, $0x38;
	[tilespmem:$0x14A00] =	vst v63  }
0x246: {  	s1 =	sadd.s32 $0x10, s21;
	s10 =	sadd.s32 $0x80, s11  }
0x247: {  	[tilespmem:s10], [sflag:$0x1] =	stream.linear.gather [hbm4b:s1+s3], $0x10, $0x38;
	[tilespmem:$0x14A00] =	vst v63  }
0x248: {  	s12 =	sadd.s32 $0x20, s21;
	s20 =	sadd.s32 $0x100, s11  }
0x249: {  	[tilespmem:s20], [sflag:$0x1] =	stream.linear.gather [hbm4b:s12+s3], $0x10, $0x38;
	[tilespmem:$0x14A00] =	vst v63  }
0x24a: {  	s22 =	sadd.s32 $0x30, s21;
	s23 =	sadd.s32 $0x180, s11  }
0x24b: {  	[tilespmem:s23], [sflag:$0x1] =	stream.linear.gather [hbm4b:s22+s3], $0x10, $0x38;
	[tilespmem:$0x14A00] =	vst v63  }
0x24c: {  	s24 =	sadd.s32 $0x40, s21;
	s19 =	sadd.s32 $0x1, s19;
	s25 =	sadd.s32 $0x200, s11  }
0x24d: {  	[tilespmem:s25], [sflag:$0x1] =	stream.linear.gather [hbm4b:s24+s3], $0x10, $0x38;
	[tilespmem:$0x14A00] =	vst v63  }
0x24e: {  	s26 =	sadd.s32 $0x50, s21;
	s28 =	sadd.s32 $0x280, s11;
	p0 =	seq.s32 s19, s18  }
0x24f: {  	[tilespmem:s28], [sflag:$0x1] =	stream.linear.gather [hbm4b:s26+s3], $0x10, $0x38;
	[tilespmem:$0x14A00] =	vst v63  }
.Ltmp21:
0x250: {  	_ = 	snop;
	(pc) =	sbr.rel @!p0 .LBB2_38-.Ltmp21, $4  }
0x251: {  	s29 =	sadd.s32 $0x60, s21;
	s30 =	sadd.s32 $0x300, s11  }
0x252: {  	[tilespmem:s30], [sflag:$0x1] =	stream.linear.gather [hbm4b:s29+s3], $0x10, $0x38;
	[tilespmem:$0x14A00] =	vst v63  }
0x253: {  	s31 =	sadd.s32 $0x70, s21;
	s0 =	sadd.s32 $0x380, s11  }
0x254: {  	[tilespmem:s0], [sflag:$0x1] =	stream.linear.gather [hbm4b:s31+s3], $0x10, $0x38;
	[tilespmem:$0x14A00] =	vst v63  }
.LBB2_11:
0x255: {  	p0 =	sgt.s32 s17, $0x0  }
.Ltmp22:
0x256: {  	_ = 	snop;
	(pc) =	sbr.rel @!p0 .LBB2_15-.Ltmp22, $2  }
0x257: {  	_ =	sdelay $0x2  }
0x258: {  	s18 =	simm.s32 $0x0  }
.LBB2_12:
0x259: {  	s0 =	sshll.u32 s18, $0x3  }
0x25a: {  	s1 =	sand.u32 $0x70, s18;
	s0 =	sand.u32 $0xFFFFFC00, s0  }
0x25b: {  	s0 =	sor.u32 s1, s0  }
0x25c: {  	v5 =	vld [tilespmem:s0+$0x14580];
	_ =	sdelay $0x2  }
0x25d: {  	s30 =	sand.u32 $0xF, s18  }
0x25e: {  	v6 =	vmov s30  }
0x25f: {  	vm0 =	veq.s32 v6, v0;
	v5 =	vxor.u32 $0x80000000, v5  }
0x260: {  	v5 =	vnsel vm0, $0x80000000, v5  }
0x261: {  	(xrf0) =	vmax.scan.msk.u32 $0xffff, v5;
	_ =	sdelay $0x5  }
0x262: {  	v5, _, _ =	vpop (xrf0)  }
0x263: {  	(v2sf) =	vpush v5, $0xF;
	_ =	sdelay $0xe  }
0x264: {  	s31 =	spop (v2sf)  }
0x265: {  	s11 =	sshra.s32 s31, $0x10  }
0x266: {  	s10 =	sshll.u32 s11, $0x3  }
0x267: {  	s1 =	sand.u32 $0x70, s11;
	s10 =	sand.u32 $0xFFFFFC00, s10  }
0x268: {  	s1 =	sor.u32 s1, s10  }
0x269: {  	s0 =	sand.u32 $0xFFF80, s31;
	s1 =	sxor.u32 $0xFFFC0000, s1  }
0x26a: {  	s0 =	sadd.s32 s2, s0;
	s19 =	sor.u32 $0x200, s1  }
0x26b: {  	s1 =	sadd.s32 $0xE, s0;
	s12 =	sadd.s32 $0x0, s19  }
0x26c: {  	[tilespmem:s12], [sflag:$0x1] =	stream.linear.gather [hbm4b:s1+s3], $0x10, $0x38;
	[tilespmem:$0x14A00] =	vst v63  }
0x26d: {  	s20 =	sadd.s32 $0x10, s1;
	s11 =	sadd.s32 $0x80, s12  }
0x26e: {  	[tilespmem:s11], [sflag:$0x1] =	stream.linear.gather [hbm4b:s20+s3], $0x10, $0x38;
	[tilespmem:$0x14A00] =	vst v63  }
0x26f: {  	s21 =	sadd.s32 $0x20, s1;
	s23 =	sadd.s32 $0x30, s1;
	s22 =	sadd.s32 $0x100, s12  }
0x270: {  	[tilespmem:s22], [sflag:$0x1] =	stream.linear.gather [hbm4b:s21+s3], $0x10, $0x38;
	[tilespmem:$0x14A00] =	vst v63  }
0x271: {  	s25 =	sadd.s32 $0x40, s1;
	s28 =	sadd.s32 $0x50, s1;
	s24 =	sadd.s32 $0x180, s12  }
0x272: {  	[tilespmem:s24], [sflag:$0x1] =	stream.linear.gather [hbm4b:s23+s3], $0x10, $0x38;
	[tilespmem:$0x14A00] =	vst v63  }
0x273: {  	s30 =	sadd.s32 $0x60, s1;
	s26 =	sadd.s32 $0x200, s12;
	s29 =	sadd.s32 $0x280, s12  }
0x274: {  	[tilespmem:s26], [sflag:$0x1] =	stream.linear.gather [hbm4b:s25+s3], $0x10, $0x38;
	[tilespmem:$0x14A00] =	vst v63  }
0x275: {  	s31 =	sadd.s32 $0x300, s12;
	s0 =	sadd.s32 $0x380, s12;
	s20 =	sadd.s32 $0xF4280, s1  }
0x276: {  	[tilespmem:s29], [sflag:$0x1] =	stream.linear.gather [hbm4b:s28+s3], $0x10, $0x38;
	[tilespmem:$0x14A00] =	vst v63  }
0x277: {  	s21 =	simm.s32 $0x4000;
	s22 =	simm.s32 $0x20000;
	s23 =	sadd.s32 $0x70, s1  }
0x278: {  	[tilespmem:s31], [sflag:$0x1] =	stream.linear.gather [hbm4b:s30+s3], $0x10, $0x38;
	[tilespmem:$0x14A00] =	vst v63  }
.LBB2_13:
0x279: {  	[tilespmem:s0], [sflag:$0x1] =	stream.linear.gather [hbm4b:s23+s3], $0x10, $0x38;
	[tilespmem:$0x14A00] =	vst v63  }
0x27a: {  	s0 =	smov.u32 s22  }
0x27b: {  	s1 =	sadd.s32 $0x10000, s22;
	s10 =	sadd.s32 s21, s19;
	s21 =	sshra.s32 s0, $0x2  }
0x27c: {  	[tilespmem:s10], [sflag:$0x1] =	stream.linear.gather [hbm4b:s20+s3], $0x10, $0x38;
	[tilespmem:$0x14A00] =	vst v63  }
0x27d: {  	p0 =	sne.s32 s22, $0x30000;
	s0 =	sadd.s32 $0x10, s20;
	s11 =	sadd.s32 $0x80, s10  }
0x27e: {  	[tilespmem:s11], [sflag:$0x1] =	stream.linear.gather [hbm4b:s0+s3], $0x10, $0x38;
	[tilespmem:$0x14A00] =	vst v63  }
0x27f: {  	s0 =	sadd.s32 $0x20, s20;
	s11 =	sadd.s32 $0x100, s10  }
0x280: {  	[tilespmem:s11], [sflag:$0x1] =	stream.linear.gather [hbm4b:s0+s3], $0x10, $0x38;
	[tilespmem:$0x14A00] =	vst v63  }
0x281: {  	s0 =	sadd.s32 $0x30, s20;
	s11 =	sadd.s32 $0x180, s10  }
0x282: {  	[tilespmem:s11], [sflag:$0x1] =	stream.linear.gather [hbm4b:s0+s3], $0x10, $0x38;
	[tilespmem:$0x14A00] =	vst v63  }
0x283: {  	s0 =	sadd.s32 $0x40, s20;
	s11 =	sadd.s32 $0x200, s10  }
0x284: {  	[tilespmem:s11], [sflag:$0x1] =	stream.linear.gather [hbm4b:s0+s3], $0x10, $0x38;
	[tilespmem:$0x14A00] =	vst v63  }
.Ltmp23:
0x285: {  	s0 =	sadd.s32 $0x50, s20;
	s11 =	sadd.s32 $0x280, s10;
	(pc) =	sbr.rel @p0 .LBB2_13-.Ltmp23, $4  }
0x286: {  	[tilespmem:s11], [sflag:$0x1] =	stream.linear.gather [hbm4b:s0+s3], $0x10, $0x38;
	[tilespmem:$0x14A00] =	vst v63  }
0x287: {  	s23 =	sadd.s32 $0x70, s20;
	s0 =	sadd.s32 $0x60, s20;
	s11 =	sadd.s32 $0x300, s10  }
0x288: {  	[tilespmem:s11], [sflag:$0x1] =	stream.linear.gather [hbm4b:s0+s3], $0x10, $0x38;
	[tilespmem:$0x14A00] =	vst v63  }
0x289: {  	s22 =	smov.u32 s1;
	s20 =	sadd.s32 $0xF4280, s20;
	s0 =	sadd.s32 $0x380, s10  }
0x28a: {  	[tilespmem:s0], [sflag:$0x1] =	stream.linear.gather [hbm4b:s23+s3], $0x10, $0x38;
	[tilespmem:$0x14A00] =	vst v63  }
0x28b: {  	s12 =	sadd.s32 s21, s19  }
0x28c: {  	[tilespmem:s12], [sflag:$0x1] =	stream.linear.gather [hbm4b:s20+s3], $0x10, $0x38;
	[tilespmem:$0x14A00] =	vst v63  }
0x28d: {  	s1 =	sadd.s32 $0x10, s20;
	s10 =	sadd.s32 $0x80, s12  }
0x28e: {  	[tilespmem:s10], [sflag:$0x1] =	stream.linear.gather [hbm4b:s1+s3], $0x10, $0x38;
	[tilespmem:$0x14A00] =	vst v63  }
0x28f: {  	s19 =	sadd.s32 $0x20, s20;
	s21 =	sadd.s32 $0x100, s12  }
0x290: {  	[tilespmem:s21], [sflag:$0x1] =	stream.linear.gather [hbm4b:s19+s3], $0x10, $0x38;
	[tilespmem:$0x14A00] =	vst v63  }
0x291: {  	s22 =	sadd.s32 $0x30, s20;
	s23 =	sadd.s32 $0x180, s12  }
0x292: {  	[tilespmem:s23], [sflag:$0x1] =	stream.linear.gather [hbm4b:s22+s3], $0x10, $0x38;
	[tilespmem:$0x14A00] =	vst v63  }
0x293: {  	s24 =	sadd.s32 $0x40, s20;
	s18 =	sadd.s32 $0x1, s18;
	s25 =	sadd.s32 $0x200, s12  }
0x294: {  	[tilespmem:s25], [sflag:$0x1] =	stream.linear.gather [hbm4b:s24+s3], $0x10, $0x38;
	[tilespmem:$0x14A00] =	vst v63  }
0x295: {  	s26 =	sadd.s32 $0x50, s20;
	s28 =	sadd.s32 $0x280, s12;
	p0 =	sne.s32 s18, s17  }
0x296: {  	[tilespmem:s28], [sflag:$0x1] =	stream.linear.gather [hbm4b:s26+s3], $0x10, $0x38;
	[tilespmem:$0x14A00] =	vst v63  }
.Ltmp24:
0x297: {  	_ = 	snop;
	(pc) =	sbr.rel @p0 .LBB2_12-.Ltmp24, $4  }
0x298: {  	s29 =	sadd.s32 $0x60, s20;
	s30 =	sadd.s32 $0x300, s12  }
0x299: {  	[tilespmem:s30], [sflag:$0x1] =	stream.linear.gather [hbm4b:s29+s3], $0x10, $0x38;
	[tilespmem:$0x14A00] =	vst v63  }
0x29a: {  	s31 =	sadd.s32 $0x70, s20;
	s0 =	sadd.s32 $0x380, s12  }
0x29b: {  	[tilespmem:s0], [sflag:$0x1] =	stream.linear.gather [hbm4b:s31+s3], $0x10, $0x38;
	[tilespmem:$0x14A00] =	vst v63  }
.LBB2_15:
0x29c: {  	_ =	swait.ge [sflag:s8], $0x10000  }
0x29d: {  	[sflag:s8] =	ssyncset.done $0x0  }
0x29e: {  	[sflag:s8] =	ssyncadd.s32 $0xFFFF0000  }
0x29f: {  	v5 =	vld [tilespmem:s15+$0x0];
	_ =	sdelay $0x1  }
0x2a0: {  	s0 =	simm.s32 $0x0  }
0x2a1: {  	v6 =	vmov s0  }
0x2a2: {  	v6 =	vshll.u32 v6, $0x7  }
0x2a3: {  	v6 =	vor.u32 v4, v6;
	v5 =	vand.u32 $0xF, v5  }
0x2a4: {  	v7 =	vand.u32 $0x3C00, v6;
	v5 =	vor.u32 v3, v5  }
0x2a5: {  	v7 =	vor.u32 v7, v5;
	_ =	sdelay $0x4  }
0x2a6: {  	v8 =	vld.idx.msk [tilespmem:v7+s9+$0x0], $0xffff  }
0x2a7: {  	v9 =	vor.u32 $0x80, v7;
	_ =	sdelay $0x3  }
0x2a8: {  	[tilespmem:s14+$0xFFFFE000] =	vst v8  }
0x2a9: {  	v8 =	vld.idx.msk [tilespmem:v9+s9+$0x0], $0xffff  }
0x2aa: {  	v59 =	vor.u32 $0x100, v7;
	_ =	sdelay $0x3  }
0x2ab: {  	[tilespmem:s14+$0xFFFFE080] =	vst v8  }
0x2ac: {  	v8 =	vld.idx.msk [tilespmem:v59+s9+$0x0], $0xffff  }
0x2ad: {  	v60 =	vor.u32 $0x180, v7;
	_ =	sdelay $0x3  }
0x2ae: {  	[tilespmem:s14+$0xFFFFE100] =	vst v8  }
0x2af: {  	v8 =	vld.idx.msk [tilespmem:v60+s9+$0x0], $0xffff  }
0x2b0: {  	v61 =	vor.u32 $0x200, v7;
	_ =	sdelay $0x3  }
0x2b1: {  	[tilespmem:s14+$0xFFFFE180] =	vst v8  }
0x2b2: {  	v8 =	vld.idx.msk [tilespmem:v61+s9+$0x0], $0xffff  }
0x2b3: {  	v62 =	vor.u32 $0x280, v7;
	_ =	sdelay $0x3  }
0x2b4: {  	[tilespmem:s14+$0xFFFFE200] =	vst v8  }
0x2b5: {  	v8 =	vld.idx.msk [tilespmem:v62+s9+$0x0], $0xffff  }
0x2b6: {  	v63 =	vor.u32 $0x300, v7;
	_ =	sdelay $0x3  }
0x2b7: {  	[tilespmem:s14+$0xFFFFE280] =	vst v8  }
0x2b8: {  	v5 =	vor.u32 v5, v6;
	v6 =	vld.idx.msk [tilespmem:v63+s9+$0x0], $0xffff  }
0x2b9: {  	v5 =	vor.u32 $0x380, v5;
	_ =	sdelay $0x3  }
0x2ba: {  	[tilespmem:s14+$0xFFFFE300] =	vst v6  }
0x2bb: {  	v5 =	vld.idx.msk [tilespmem:v5+s9+$0x0], $0xffff  }
0x2bc: {  	v6 =	vor.u32 $0x4000, v7;
	_ =	sdelay $0x3  }
0x2bd: {  	[tilespmem:s14+$0xFFFFE380] =	vst v5  }
0x2be: {  	v5 =	vld.idx.msk [tilespmem:v6+s9+$0x0], $0xffff  }
0x2bf: {  	v6 =	vor.u32 $0x4080, v7;
	_ =	sdelay $0x3  }
0x2c0: {  	[tilespmem:s14+$0xFFFFF000] =	vst v5  }
0x2c1: {  	v5 =	vld.idx.msk [tilespmem:v6+s9+$0x0], $0xffff  }
0x2c2: {  	v6 =	vor.u32 $0x4100, v7;
	_ =	sdelay $0x3  }
0x2c3: {  	[tilespmem:s14+$0xFFFFF080] =	vst v5  }
0x2c4: {  	v5 =	vld.idx.msk [tilespmem:v6+s9+$0x0], $0xffff  }
0x2c5: {  	v6 =	vor.u32 $0x4180, v7;
	_ =	sdelay $0x3  }
0x2c6: {  	[tilespmem:s14+$0xFFFFF100] =	vst v5  }
0x2c7: {  	v5 =	vld.idx.msk [tilespmem:v6+s9+$0x0], $0xffff  }
0x2c8: {  	v6 =	vor.u32 $0x4200, v7;
	_ =	sdelay $0x3  }
0x2c9: {  	[tilespmem:s14+$0xFFFFF180] =	vst v5  }
0x2ca: {  	v5 =	vld.idx.msk [tilespmem:v6+s9+$0x0], $0xffff  }
0x2cb: {  	v6 =	vor.u32 $0x4280, v7;
	_ =	sdelay $0x3  }
0x2cc: {  	[tilespmem:s14+$0xFFFFF200] =	vst v5  }
0x2cd: {  	v5 =	vld.idx.msk [tilespmem:v6+s9+$0x0], $0xffff  }
0x2ce: {  	v6 =	vor.u32 $0x4300, v7;
	_ =	sdelay $0x3  }
0x2cf: {  	[tilespmem:s14+$0xFFFFF280] =	vst v5  }
0x2d0: {  	v5 =	vld.idx.msk [tilespmem:v6+s9+$0x0], $0xffff  }
0x2d1: {  	v6 =	vor.u32 $0x4380, v7;
	_ =	sdelay $0x3  }
0x2d2: {  	[tilespmem:s14+$0xFFFFF300] =	vst v5  }
0x2d3: {  	v5 =	vld.idx.msk [tilespmem:v6+s9+$0x0], $0xffff  }
0x2d4: {  	v6 =	vor.u32 $0x8000, v7;
	_ =	sdelay $0x3  }
0x2d5: {  	[tilespmem:s14+$0xFFFFF380] =	vst v5  }
0x2d6: {  	v5 =	vld.idx.msk [tilespmem:v6+s9+$0x0], $0xffff  }
0x2d7: {  	v6 =	vor.u32 $0x8080, v7;
	_ =	sdelay $0x3  }
0x2d8: {  	[tilespmem:s14+$0x0] =	vst v5  }
0x2d9: {  	v5 =	vld.idx.msk [tilespmem:v6+s9+$0x0], $0xffff  }
0x2da: {  	v6 =	vor.u32 $0x8100, v7;
	_ =	sdelay $0x3  }
0x2db: {  	[tilespmem:s14+$0x80] =	vst v5  }
0x2dc: {  	v5 =	vld.idx.msk [tilespmem:v6+s9+$0x0], $0xffff  }
0x2dd: {  	v6 =	vor.u32 $0x8180, v7;
	_ =	sdelay $0x3  }
0x2de: {  	[tilespmem:s14+$0x100] =	vst v5  }
0x2df: {  	v5 =	vld.idx.msk [tilespmem:v6+s9+$0x0], $0xffff  }
0x2e0: {  	v6 =	vor.u32 $0x8200, v7;
	_ =	sdelay $0x3  }
0x2e1: {  	[tilespmem:s14+$0x180] =	vst v5  }
0x2e2: {  	v5 =	vld.idx.msk [tilespmem:v6+s9+$0x0], $0xffff  }
0x2e3: {  	v6 =	vor.u32 $0x8280, v7;
	_ =	sdelay $0x3  }
0x2e4: {  	[tilespmem:s14+$0x200] =	vst v5  }
0x2e5: {  	v5 =	vld.idx.msk [tilespmem:v6+s9+$0x0], $0xffff  }
0x2e6: {  	v6 =	vor.u32 $0x8300, v7;
	_ =	sdelay $0x3  }
0x2e7: {  	[tilespmem:s14+$0x280] =	vst v5  }
0x2e8: {  	v5 =	vld.idx.msk [tilespmem:v6+s9+$0x0], $0xffff  }
0x2e9: {  	v6 =	vor.u32 $0x8380, v7;
	_ =	sdelay $0x3  }
0x2ea: {  	[tilespmem:s14+$0x300] =	vst v5  }
0x2eb: {  	v5 =	vld.idx.msk [tilespmem:v6+s9+$0x0], $0xffff  }
0x2ec: {  	v6 =	vor.u32 $0xC000, v7;
	_ =	sdelay $0x3  }
0x2ed: {  	[tilespmem:s14+$0x380] =	vst v5  }
0x2ee: {  	v5 =	vld.idx.msk [tilespmem:v6+s9+$0x0], $0xffff  }
0x2ef: {  	v6 =	vor.u32 $0xC080, v7;
	_ =	sdelay $0x3  }
0x2f0: {  	[tilespmem:s14+$0x1000] =	vst v5  }
0x2f1: {  	v5 =	vld.idx.msk [tilespmem:v6+s9+$0x0], $0xffff  }
0x2f2: {  	v6 =	vor.u32 $0xC100, v7;
	_ =	sdelay $0x3  }
0x2f3: {  	[tilespmem:s14+$0x1080] =	vst v5  }
0x2f4: {  	v5 =	vld.idx.msk [tilespmem:v6+s9+$0x0], $0xffff  }
0x2f5: {  	v6 =	vor.u32 $0xC180, v7;
	_ =	sdelay $0x3  }
0x2f6: {  	[tilespmem:s14+$0x1100] =	vst v5  }
0x2f7: {  	v5 =	vld.idx.msk [tilespmem:v6+s9+$0x0], $0xffff  }
0x2f8: {  	v6 =	vor.u32 $0xC200, v7;
	_ =	sdelay $0x3  }
0x2f9: {  	[tilespmem:s14+$0x1180] =	vst v5  }
0x2fa: {  	v5 =	vld.idx.msk [tilespmem:v6+s9+$0x0], $0xffff  }
0x2fb: {  	v6 =	vor.u32 $0xC280, v7;
	_ =	sdelay $0x3  }
0x2fc: {  	[tilespmem:s14+$0x1200] =	vst v5  }
0x2fd: {  	v5 =	vld.idx.msk [tilespmem:v6+s9+$0x0], $0xffff  }
0x2fe: {  	v6 =	vor.u32 $0xC300, v7;
	_ =	sdelay $0x3  }
0x2ff: {  	[tilespmem:s14+$0x1280] =	vst v5  }
0x300: {  	v5 =	vld.idx.msk [tilespmem:v6+s9+$0x0], $0xffff  }
0x301: {  	v6 =	vor.u32 $0xC380, v7;
	_ =	sdelay $0x3  }
0x302: {  	[tilespmem:s14+$0x1300] =	vst v5  }
0x303: {  	s18 =	simm.s32 $0x10;
	s17 =	smov.u32 s14;
	s19 =	smov.u32 s15;
	v5 =	vld.idx.msk [tilespmem:v6+s9+$0x0], $0xffff  }
.LBB2_16:
0x304: {  	_ =	sdelay $0x3  }
0x305: {  	p0 =	sne.s32 s18, $0x70;
	s19 =	sadd.s32 $0x10, s19;
	[tilespmem:s17+$0x1380] =	vst v5;
	s17 =	sadd.s32 $0x10, s17  }
0x306: {  	s0 =	smov.u32 s18;
	s18 =	sadd.s32 $0x10, s18;
	v5 =	vld [tilespmem:s19+$0x0];
	_ =	sdelay $0x2  }
0x307: {  	v6 =	vmov s0  }
0x308: {  	v6 =	vshll.u32 v6, $0x7  }
0x309: {  	v6 =	vor.u32 v4, v6;
	v5 =	vand.u32 $0xF, v5  }
0x30a: {  	v7 =	vor.u32 v3, v5;
	v5 =	vand.u32 $0x3C00, v6  }
0x30b: {  	v5 =	vor.u32 v5, v7;
	v6 =	vor.u32 v7, v6;
	_ =	sdelay $0x4  }
0x30c: {  	v7 =	vld.idx.msk [tilespmem:v5+s9+$0x0], $0xffff;
	_ =	sdelay $0x1  }
0x30d: {  	v8 =	vor.u32 $0x80, v5;
	_ =	sdelay $0x3  }
0x30e: {  	[tilespmem:s17+$0xFFFFE000] =	vst v7  }
0x30f: {  	v7 =	vld.idx.msk [tilespmem:v8+s9+$0x0], $0xffff;
	_ =	sdelay $0x1  }
0x310: {  	v8 =	vor.u32 $0x100, v5;
	_ =	sdelay $0x3  }
0x311: {  	[tilespmem:s17+$0xFFFFE080] =	vst v7  }
0x312: {  	v7 =	vld.idx.msk [tilespmem:v8+s9+$0x0], $0xffff;
	_ =	sdelay $0x1  }
0x313: {  	v8 =	vor.u32 $0x180, v5;
	_ =	sdelay $0x3  }
0x314: {  	[tilespmem:s17+$0xFFFFE100] =	vst v7  }
0x315: {  	v7 =	vld.idx.msk [tilespmem:v8+s9+$0x0], $0xffff;
	_ =	sdelay $0x1  }
0x316: {  	v8 =	vor.u32 $0x200, v5;
	_ =	sdelay $0x3  }
0x317: {  	[tilespmem:s17+$0xFFFFE180] =	vst v7  }
0x318: {  	v7 =	vld.idx.msk [tilespmem:v8+s9+$0x0], $0xffff;
	_ =	sdelay $0x1  }
0x319: {  	v8 =	vor.u32 $0x280, v5;
	_ =	sdelay $0x3  }
0x31a: {  	[tilespmem:s17+$0xFFFFE200] =	vst v7  }
0x31b: {  	v7 =	vld.idx.msk [tilespmem:v8+s9+$0x0], $0xffff;
	_ =	sdelay $0x1  }
0x31c: {  	v8 =	vor.u32 $0x300, v5;
	_ =	sdelay $0x3  }
0x31d: {  	[tilespmem:s17+$0xFFFFE280] =	vst v7  }
0x31e: {  	v7 =	vld.idx.msk [tilespmem:v8+s9+$0x0], $0xffff;
	_ =	sdelay $0x1  }
0x31f: {  	v6 =	vor.u32 $0x380, v6;
	_ =	sdelay $0x3  }
0x320: {  	[tilespmem:s17+$0xFFFFE300] =	vst v7  }
0x321: {  	v6 =	vld.idx.msk [tilespmem:v6+s9+$0x0], $0xffff;
	_ =	sdelay $0x1  }
0x322: {  	v7 =	vor.u32 $0x4000, v5;
	_ =	sdelay $0x3  }
0x323: {  	[tilespmem:s17+$0xFFFFE380] =	vst v6  }
0x324: {  	v6 =	vld.idx.msk [tilespmem:v7+s9+$0x0], $0xffff;
	_ =	sdelay $0x1  }
0x325: {  	v7 =	vor.u32 $0x4080, v5;
	_ =	sdelay $0x3  }
0x326: {  	[tilespmem:s17+$0xFFFFF000] =	vst v6  }
0x327: {  	v6 =	vld.idx.msk [tilespmem:v7+s9+$0x0], $0xffff;
	_ =	sdelay $0x1  }
0x328: {  	v7 =	vor.u32 $0x4100, v5;
	_ =	sdelay $0x3  }
0x329: {  	[tilespmem:s17+$0xFFFFF080] =	vst v6  }
0x32a: {  	v6 =	vld.idx.msk [tilespmem:v7+s9+$0x0], $0xffff;
	_ =	sdelay $0x1  }
0x32b: {  	v7 =	vor.u32 $0x4180, v5;
	_ =	sdelay $0x3  }
0x32c: {  	[tilespmem:s17+$0xFFFFF100] =	vst v6  }
0x32d: {  	v6 =	vld.idx.msk [tilespmem:v7+s9+$0x0], $0xffff;
	_ =	sdelay $0x1  }
0x32e: {  	v7 =	vor.u32 $0x4200, v5;
	_ =	sdelay $0x3  }
0x32f: {  	[tilespmem:s17+$0xFFFFF180] =	vst v6  }
0x330: {  	v6 =	vld.idx.msk [tilespmem:v7+s9+$0x0], $0xffff;
	_ =	sdelay $0x1  }
0x331: {  	v7 =	vor.u32 $0x4280, v5;
	_ =	sdelay $0x3  }
0x332: {  	[tilespmem:s17+$0xFFFFF200] =	vst v6  }
0x333: {  	v6 =	vld.idx.msk [tilespmem:v7+s9+$0x0], $0xffff;
	_ =	sdelay $0x1  }
0x334: {  	v7 =	vor.u32 $0x4300, v5;
	_ =	sdelay $0x3  }
0x335: {  	[tilespmem:s17+$0xFFFFF280] =	vst v6  }
0x336: {  	v6 =	vld.idx.msk [tilespmem:v7+s9+$0x0], $0xffff;
	_ =	sdelay $0x1  }
0x337: {  	v7 =	vor.u32 $0x4380, v5;
	_ =	sdelay $0x3  }
0x338: {  	[tilespmem:s17+$0xFFFFF300] =	vst v6  }
0x339: {  	v6 =	vld.idx.msk [tilespmem:v7+s9+$0x0], $0xffff;
	_ =	sdelay $0x1  }
0x33a: {  	v7 =	vor.u32 $0x8000, v5;
	_ =	sdelay $0x3  }
0x33b: {  	[tilespmem:s17+$0xFFFFF380] =	vst v6  }
0x33c: {  	v6 =	vld.idx.msk [tilespmem:v7+s9+$0x0], $0xffff;
	_ =	sdelay $0x1  }
0x33d: {  	v7 =	vor.u32 $0x8080, v5;
	_ =	sdelay $0x3  }
0x33e: {  	[tilespmem:s17+$0x0] =	vst v6  }
0x33f: {  	v6 =	vld.idx.msk [tilespmem:v7+s9+$0x0], $0xffff;
	_ =	sdelay $0x1  }
0x340: {  	v7 =	vor.u32 $0x8100, v5;
	_ =	sdelay $0x3  }
0x341: {  	[tilespmem:s17+$0x80] =	vst v6  }
0x342: {  	v6 =	vld.idx.msk [tilespmem:v7+s9+$0x0], $0xffff;
	_ =	sdelay $0x1  }
0x343: {  	v7 =	vor.u32 $0x8180, v5;
	_ =	sdelay $0x3  }
0x344: {  	[tilespmem:s17+$0x100] =	vst v6  }
0x345: {  	v6 =	vld.idx.msk [tilespmem:v7+s9+$0x0], $0xffff;
	_ =	sdelay $0x1  }
0x346: {  	v7 =	vor.u32 $0x8200, v5;
	_ =	sdelay $0x3  }
0x347: {  	[tilespmem:s17+$0x180] =	vst v6  }
0x348: {  	v6 =	vld.idx.msk [tilespmem:v7+s9+$0x0], $0xffff;
	_ =	sdelay $0x1  }
0x349: {  	v7 =	vor.u32 $0x8280, v5;
	_ =	sdelay $0x3  }
0x34a: {  	[tilespmem:s17+$0x200] =	vst v6  }
0x34b: {  	v6 =	vld.idx.msk [tilespmem:v7+s9+$0x0], $0xffff;
	_ =	sdelay $0x1  }
0x34c: {  	v7 =	vor.u32 $0x8300, v5;
	_ =	sdelay $0x3  }
0x34d: {  	[tilespmem:s17+$0x280] =	vst v6  }
0x34e: {  	v6 =	vld.idx.msk [tilespmem:v7+s9+$0x0], $0xffff;
	_ =	sdelay $0x1  }
0x34f: {  	v7 =	vor.u32 $0x8380, v5;
	_ =	sdelay $0x3  }
0x350: {  	[tilespmem:s17+$0x300] =	vst v6  }
0x351: {  	v6 =	vld.idx.msk [tilespmem:v7+s9+$0x0], $0xffff;
	_ =	sdelay $0x1  }
0x352: {  	v7 =	vor.u32 $0xC000, v5;
	_ =	sdelay $0x3  }
0x353: {  	[tilespmem:s17+$0x380] =	vst v6  }
0x354: {  	v6 =	vld.idx.msk [tilespmem:v7+s9+$0x0], $0xffff;
	_ =	sdelay $0x1  }
0x355: {  	v7 =	vor.u32 $0xC080, v5;
	_ =	sdelay $0x3  }
0x356: {  	[tilespmem:s17+$0x1000] =	vst v6  }
0x357: {  	v6 =	vld.idx.msk [tilespmem:v7+s9+$0x0], $0xffff;
	_ =	sdelay $0x1  }
0x358: {  	v7 =	vor.u32 $0xC100, v5;
	_ =	sdelay $0x3  }
0x359: {  	[tilespmem:s17+$0x1080] =	vst v6  }
0x35a: {  	v6 =	vld.idx.msk [tilespmem:v7+s9+$0x0], $0xffff;
	_ =	sdelay $0x1  }
0x35b: {  	v7 =	vor.u32 $0xC180, v5;
	_ =	sdelay $0x3  }
0x35c: {  	[tilespmem:s17+$0x1100] =	vst v6  }
0x35d: {  	v6 =	vld.idx.msk [tilespmem:v7+s9+$0x0], $0xffff;
	_ =	sdelay $0x1  }
0x35e: {  	v7 =	vor.u32 $0xC200, v5;
	_ =	sdelay $0x3  }
0x35f: {  	[tilespmem:s17+$0x1180] =	vst v6  }
0x360: {  	v6 =	vld.idx.msk [tilespmem:v7+s9+$0x0], $0xffff;
	_ =	sdelay $0x1  }
0x361: {  	v7 =	vor.u32 $0xC280, v5;
	_ =	sdelay $0x3  }
0x362: {  	[tilespmem:s17+$0x1200] =	vst v6  }
0x363: {  	v6 =	vld.idx.msk [tilespmem:v7+s9+$0x0], $0xffff;
	_ =	sdelay $0x1  }
0x364: {  	v7 =	vor.u32 $0xC300, v5;
	_ =	sdelay $0x3  }
0x365: {  	[tilespmem:s17+$0x1280] =	vst v6  }
0x366: {  	v6 =	vld.idx.msk [tilespmem:v7+s9+$0x0], $0xffff;
	_ =	sdelay $0x1  }
0x367: {  	v5 =	vor.u32 $0xC380, v5  }
.Ltmp25:
0x368: {  	(pc) =	sbr.rel @p0 .LBB2_16-.Ltmp25, $3  }
0x369: {  	_ =	sdelay $0x1  }
0x36a: {  	[tilespmem:s17+$0x1300] =	vst v6  }
0x36b: {  	v5 =	vld.idx.msk [tilespmem:v5+s9+$0x0], $0xffff  }
0x36c: {  	s16 =	sadd.s32 $0x1, s16  }
0x36d: {  	p0 =	sne.s32 s16, $0x4  }
.Ltmp26:
0x36e: {  	_ = 	snop;
	(pc) =	sbr.rel @p0 .LBB2_2-.Ltmp26, $2  }
0x36f: {  	_ =	sdelay $0x2  }
0x370: {  	s15 =	sadd.s32 $0x80, s15;
	s14 =	sadd.s32 $0x400, s14;
	[tilespmem:s17+$0x1380] =	vst v5  }
0x371: {  	s13 =	sadd.s32 $0x1, s13  }
0x372: {  	s0 =	simm.s32 $0x1000;
	p0 =	sne.s32 s13, s6  }
.Ltmp27:
0x373: {  	s1 =	simm.s32 $0x20000;
	s10 =	simm.s32 $0x10200;
	(pc) =	sbr.rel @p0 .LBB2_1-.Ltmp27, $4  }
0x374: {  	[hbm4b:s5+s0] =	stream.strided.scatter [tilespmem:s10], [sflag:$0x2], $0x4000, s1, s0, $0x38;
	[tilespmem:$0x14A00] =	vst v63  }
0x375: {  	_ =	swait.ge [sflag:s7], $0x4000  }
0x376: {  	[sflag:s7] =	ssyncset.done $0x0  }
0x377: {  	[sflag:s7] =	ssyncadd.s32 $0xFFFFC000  }
0x378: {  	_ =	sfence.sel $0x180000  }
0x379: {  	[bflag:$0x0] =	sbarrier.arrive $0xFFFF  }
0x37a: {  	_ =	strace $0x90000047  }
0x37b: {  	s0 =	stileid.u32;
	[bflag:$0x2] =	sbarrier.arrive $0xFFFF  }
0x37c: {  	p0 =	sne.s32 s0, $0x0;
	s0 =	rddreg [dreg:$0x3]  }
0x37d: {  	s0 =	sadd.s32 @!p0 $0x100000, s0  }
0x37e: {  	[sflag:s0] =	ssyncadd.tile.s32 @!p0 $0x1;
	_ =	shalt  }
.Lfunc_end2:
_tile_overlayer_lowered:
.L_overlay_start_2:
0x37f: {  	(tag) =	ssettag $0x2  }
0x380: {  	s0 =	rddreg [dreg:$0x0];
	s2 =	stileid.u32  }
0x381: {  	s1 =	rddreg [dreg:$0x1];
	p0 =	sne.s32 s2, $0x0  }
0x382: {  	s3 =	rddreg [dreg:$0x2];
	[bflag:$0x3] =	sbarrier.arrive $0xFFFF;
	s2 =	simm.s32 @!p0 $0x1C02  }
0x383: {  	[timem:s3], [sflag:s2] =	dma.local @!p0 [hbm:s0], s1  }
0x384: {  	s0 =	simm.s32 @!p0 $0x2  }
0x385: {  	_ =	swait.ge @!p0 [sflag:s0], s1  }
0x386: {  	s1 =	ssub.s32 @!p0 $0x0, s1;
	[sflag:s0] =	ssyncset.done @!p0 $0x0  }
0x387: {  	[sflag:s0] =	ssyncadd.s32 @!p0 s1  }
0x388: {  	[bflag:$0x3] =	sbarrier.arrive $0xFFFF  }
0x389: {  	_ =	shalt  }

</sc_bundles>
